<compile_context>
chip_gen: v7x
topology: tpu7x:2x2x1
jax: 0.10.2.dev20260603
libtpu: 0.0.44.dev20260713+nightly
codegen_flags: <defaults>
</compile_context>

<pallas_src>
import functools

import jax
import jax.numpy as jnp
from jax import lax
from jax.experimental import pallas as pl
from jax.experimental.pallas import tpu as pltpu
from jax.experimental.pallas import tpu_sc as plsc

N = 10000
E = 320000
D = 128
OUT = 128

NUM_CORES = 2
NUM_SUBCORES = 16
NUM_WORKERS = NUM_CORES * NUM_SUBCORES
GROUP = 80
GROUPS_PER_WORKER = 128
IDX_CHUNK = 16
OUTER = GROUPS_PER_WORKER // IDX_CHUNK
E_PAD = NUM_WORKERS * GROUPS_PER_WORKER * GROUP
ACC_ROWS = 10240
DEG_W = 8
CHUNKS_PER_SUB = ACC_ROWS // GROUP // NUM_SUBCORES


def _sc_aggregate(features, src3, dst3, zf, zd, ones, zidx):
    mesh = plsc.VectorSubcoreMesh(core_axis_name="c", subcore_axis_name="s")

    @functools.partial(
        pl.kernel,
        out_type=[
            jax.ShapeDtypeStruct((NUM_CORES * ACC_ROWS, D), jnp.float32),
            jax.ShapeDtypeStruct((NUM_CORES * ACC_ROWS, DEG_W), jnp.float32),
        ],
        mesh=mesh,
        scratch_types=[
            pltpu.VMEM((IDX_CHUNK, GROUP), jnp.int32),
            pltpu.VMEM((IDX_CHUNK, GROUP), jnp.int32),
            pltpu.VMEM((CHUNKS_PER_SUB, GROUP), jnp.int32),
            pltpu.VMEM((GROUP, D), jnp.float32),
            pltpu.VMEM((GROUP, D), jnp.float32),
            pltpu.VMEM((GROUP, DEG_W), jnp.float32),
            pltpu.VMEM_SHARED((ACC_ROWS, D), jnp.float32),
            pltpu.VMEM_SHARED((ACC_ROWS, DEG_W), jnp.float32),
            pltpu.SemaphoreType.DMA,
            pltpu.SemaphoreType.DMA,
            pltpu.SemaphoreType.DMA,
        ],
        compiler_params=pltpu.CompilerParams(use_tc_tiling_on_sc=False),
    )
    def kern(feat_hbm, src_hbm, dst_hbm, zf_hbm, zd_hbm, ones_hbm, zidx_hbm,
             sums_hbm, degs_hbm,
             src_v, dst_v, zi_v, rows0_v, rows1_v, small_v, acc_sh, deg_sh,
             gsem, ssem, dsem):
        c = lax.axis_index("c")
        s = lax.axis_index("s")
        wid = c * NUM_SUBCORES + s
        rows = (rows0_v, rows1_v)

        pltpu.sync_copy(zf_hbm, rows0_v)
        pltpu.sync_copy(zd_hbm, small_v)
        pltpu.sync_copy(zidx_hbm.at[s], zi_v)
        for k in range(CHUNKS_PER_SUB):
            pltpu.async_copy(rows0_v, acc_sh.at[zi_v.at[k]], ssem)
            pltpu.async_copy(small_v, deg_sh.at[zi_v.at[k]], dsem)
        for k in range(CHUNKS_PER_SUB):
            pltpu.make_async_copy(rows0_v, acc_sh.at[zi_v.at[k]], ssem).wait()
            pltpu.make_async_copy(small_v, deg_sh.at[zi_v.at[k]], dsem).wait()
        pltpu.sync_copy(ones_hbm, small_v)
        plsc.subcore_barrier()

        def chunk_body(g, carry):
            ibase = wid * GROUPS_PER_WORKER + g * IDX_CHUNK
            pltpu.sync_copy(src_hbm.at[pl.ds(ibase, IDX_CHUNK)], src_v)
            pltpu.sync_copy(dst_hbm.at[pl.ds(ibase, IDX_CHUNK)], dst_v)
            pltpu.async_copy(feat_hbm.at[src_v.at[0]], rows[0], gsem)
            for j in range(IDX_CHUNK):
                b = j % 2
                pltpu.make_async_copy(
                    feat_hbm.at[src_v.at[j]], rows[b], gsem).wait()
                if j >= 1:
                    pltpu.make_async_copy(
                        rows[1 - b], acc_sh.at[dst_v.at[j - 1]], ssem).wait()
                if j + 1 < IDX_CHUNK:
                    pltpu.async_copy(
                        feat_hbm.at[src_v.at[j + 1]], rows[1 - b], gsem)
                if j >= 1:
                    pltpu.make_async_copy(
                        small_v, deg_sh.at[dst_v.at[j - 1]], dsem).wait()
                pltpu.async_copy(rows[b], acc_sh.at[dst_v.at[j]], ssem,
                                 add=True)
                pltpu.async_copy(small_v, deg_sh.at[dst_v.at[j]], dsem,
                                 add=True)
            last = IDX_CHUNK - 1
            pltpu.make_async_copy(
                rows[last % 2], acc_sh.at[dst_v.at[last]], ssem).wait()
            pltpu.make_async_copy(
                small_v, deg_sh.at[dst_v.at[last]], dsem).wait()
            return carry
        lax.fori_loop(0, OUTER, chunk_body, 0)
        plsc.subcore_barrier()

        def _off(k):
            chunk = s + NUM_SUBCORES * k
            return c * ACC_ROWS + chunk * GROUP

        pltpu.async_copy(acc_sh.at[zi_v.at[0]], rows0_v, gsem)
        for k in range(CHUNKS_PER_SUB):
            b = k % 2
            pltpu.make_async_copy(acc_sh.at[zi_v.at[k]], rows[b], gsem).wait()
            if k >= 1:
                pltpu.make_async_copy(
                    rows[1 - b], sums_hbm.at[pl.ds(_off(k - 1), GROUP)],
                    ssem).wait()
            if k + 1 < CHUNKS_PER_SUB:
                pltpu.async_copy(acc_sh.at[zi_v.at[k + 1]], rows[1 - b], gsem)
            pltpu.async_copy(rows[b], sums_hbm.at[pl.ds(_off(k), GROUP)], ssem)
            pltpu.async_copy(deg_sh.at[zi_v.at[k]], small_v, dsem).wait()
            pltpu.sync_copy(small_v, degs_hbm.at[pl.ds(_off(k), GROUP)])
        last = CHUNKS_PER_SUB - 1
        pltpu.make_async_copy(
            rows[last % 2], sums_hbm.at[pl.ds(_off(last), GROUP)], ssem).wait()

    sums, degs = kern(features, src3, dst3, zf, zd, ones, zidx)
    return (sums.reshape(NUM_CORES, ACC_ROWS, D),
            degs.reshape(NUM_CORES, ACC_ROWS, DEG_W))


def _tc_combine_body(feat_ref, sums_ref, degs_ref, w1t_ref, w2t_ref, b_ref,
                     out_ref):
    p = sums_ref[0] + sums_ref[1]
    d16 = degs_ref[0] + degs_ref[1]
    d = jnp.maximum(d16[:, 0:1], 1.0)
    nbr = p / d
    out_ref[...] = (
        jnp.dot(feat_ref[...], w1t_ref[...], preferred_element_type=jnp.float32)
        + jnp.dot(nbr, w2t_ref[...], preferred_element_type=jnp.float32)
        + b_ref[...]
    )


def _tc_combine(features, sums, degs, w1t, w2t, b2):
    BN = 1000
    grid = (N // BN,)
    return pl.pallas_call(
        _tc_combine_body,
        grid=grid,
        in_specs=[
            pl.BlockSpec((BN, D), lambda i: (i, 0)),
            pl.BlockSpec((NUM_CORES, BN, D), lambda i: (0, i, 0)),
            pl.BlockSpec((NUM_CORES, BN, DEG_W), lambda i: (0, i, 0)),
            pl.BlockSpec((D, OUT), lambda i: (0, 0)),
            pl.BlockSpec((D, OUT), lambda i: (0, 0)),
            pl.BlockSpec((1, OUT), lambda i: (0, 0)),
        ],
        out_specs=pl.BlockSpec((BN, OUT), lambda i: (i, 0)),
        out_shape=jax.ShapeDtypeStruct((N, OUT), jnp.float32),
    )(features, sums, degs, w1t, w2t, b2)


def kernel(features, edge_index, W, b):
    src = edge_index[0]
    dst = edge_index[1]
    pad = E_PAD - E
    filler = jnp.arange(pad, dtype=jnp.int32)
    src_p = jnp.concatenate([src, filler % N])
    dst_p = jnp.concatenate([dst, N + filler % (ACC_ROWS - N)])
    src3 = src_p.reshape(NUM_WORKERS * GROUPS_PER_WORKER, GROUP)
    dst3 = dst_p.reshape(NUM_WORKERS * GROUPS_PER_WORKER, GROUP)
    zf = jnp.zeros((GROUP, D), jnp.float32)
    zd = jnp.zeros((GROUP, DEG_W), jnp.float32)
    ones = jnp.ones((GROUP, DEG_W), jnp.float32)
    cid = (jnp.arange(NUM_SUBCORES)[:, None]
           + NUM_SUBCORES * jnp.arange(CHUNKS_PER_SUB)[None, :])
    zidx = (cid[..., None] * GROUP + jnp.arange(GROUP)).astype(jnp.int32)

    sums, degs = _sc_aggregate(features, src3, dst3, zf, zd, ones, zidx)

    w1t = W[:, :D].T
    w2t = W[:, D:].T
    b2 = b.reshape(1, OUT)
    return _tc_combine(features, sums, degs, w1t, w2t, b2)

# --- scband reference (transcript-rebuilt; emitter-appended) ---
"""Pipeline reference for scband-semi-supervised-sagelayer-43499428774649 (READ-ONLY COPY).

The authoritative reference and input builder live on the scoring server;
editing this copy changes nothing except your own understanding.
"""

import jax, jax.numpy as jnp
import numpy as np

N = 10000
E = 320000
D = 128
OUT = 128

def setup_inputs(seed: int = 0) -> dict:
    key = jax.random.key(seed)
    k1, k2, k3, k4 = jax.random.split(key, 4)
    features = jax.random.normal(k1, (N, D), dtype=jnp.float32)
    edge_index = jax.random.randint(k2, (2, E), 0, N, dtype=jnp.int32)
    # Linear(input_dim*2, output_dim): weight [OUT, 2*D], bias [OUT]
    limit = 1.0 / np.sqrt(2 * D)
    W = jax.random.uniform(k3, (OUT, 2 * D), dtype=jnp.float32, minval=-limit, maxval=limit)
    b = jax.random.uniform(k4, (OUT,), dtype=jnp.float32, minval=-limit, maxval=limit)
    return {"features": features, "edge_index": edge_index, "W": W, "b": b}

def reference(features, edge_index, W, b):
    num_nodes = features.shape[0]
    src = edge_index[0]
    dst = edge_index[1]
    # gather source features per edge
    src_features = jnp.take(features, src, axis=0)
    # mean aggregation via scatter-add (segment_sum) + degree normalization
    neighbor_features = jax.ops.segment_sum(src_features, dst, num_segments=num_nodes)
    degree = jax.ops.segment_sum(jnp.ones(dst.shape[0], dtype=jnp.float32), dst, num_segments=num_nodes)
    degree = jnp.clip(degree, 1.0, None)
    neighbor_features = neighbor_features / degree[:, None]
    combined = jnp.concatenate([features, neighbor_features], axis=-1)
    out = combined @ W.T + b
    # dropout=0.0 / eval mode -> identity
    return out

if __name__ == "__main__":
    import jax
    _d = setup_inputs()
    print(jax.jit(kernel)(*tuple(_d.values())))

</pallas_src>

<mosaic_0001>
#map = affine_map<(d0, d1) -> (0, 0)>
#map1 = affine_map<(d0, d1) -> (0, 0, 0)>
module attributes {stable_mosaic.version = 14 : i64} {
  func.func @kern(%arg0: i32, %arg1: i32, %arg2: memref<10000x128xf32, #tpu.memory_space<hbm>>, %arg3: memref<4096x80xi32, #tpu.memory_space<hbm>>, %arg4: memref<4096x80xi32, #tpu.memory_space<hbm>>, %arg5: memref<80x128xf32, #tpu.memory_space<hbm>>, %arg6: memref<80x8xf32, #tpu.memory_space<hbm>>, %arg7: memref<80x8xf32, #tpu.memory_space<hbm>>, %arg8: memref<16x8x80xi32, #tpu.memory_space<hbm>>, %arg9: memref<20480x128xf32, #tpu.memory_space<hbm>>, %arg10: memref<20480x8xf32, #tpu.memory_space<hbm>>, %arg11: memref<16x80xi32, #tpu.memory_space<vmem>>, %arg12: memref<16x80xi32, #tpu.memory_space<vmem>>, %arg13: memref<8x80xi32, #tpu.memory_space<vmem>>, %arg14: memref<80x128xf32, #tpu.memory_space<vmem>>, %arg15: memref<80x128xf32, #tpu.memory_space<vmem>>, %arg16: memref<80x8xf32, #tpu.memory_space<vmem>>, %arg17: memref<10240x128xf32, #tpu.memory_space<vmem_shared>>, %arg18: memref<10240x8xf32, #tpu.memory_space<vmem_shared>>, %arg19: memref<!tpu.dma_semaphore, #tpu.memory_space<semaphore_mem>>, %arg20: memref<!tpu.dma_semaphore, #tpu.memory_space<semaphore_mem>>, %arg21: memref<!tpu.dma_semaphore, #tpu.memory_space<semaphore_mem>>) attributes {dimension_semantics = [#tpu.dimension_semantics<core_parallel>, #tpu.dimension_semantics<subcore_parallel>], iteration_bounds = array<i64: 2, 16>, scalar_prefetch = 0 : i64, scratch_operands = 11 : i64, tpu.core_type = #tpu.core_type<sc_vector_subcore>, window_params = [{transform_indices = #map}, {transform_indices = #map}, {transform_indices = #map}, {transform_indices = #map}, {transform_indices = #map}, {transform_indices = #map}, {transform_indices = #map1}, {transform_indices = #map}, {transform_indices = #map}]} {
    %mul3A = arith.constant 16 : i32
    %mul3A_0 = arith.muli %arg0, %mul3A : i32
    %add3A = arith.addi %mul3A_0, %arg1 : i32
    "tpu.region"() ({
      %run_scoped3A = tpu.sem_alloc : memref<!tpu.dma_semaphore, #tpu.memory_space<semaphore_mem>>
      tpu.enqueue_dma source(%arg5 : memref<80x128xf32, #tpu.memory_space<hbm>>) target(%arg14 : memref<80x128xf32, #tpu.memory_space<vmem>>) target_semaphore(%run_scoped3A : memref<!tpu.dma_semaphore, #tpu.memory_space<semaphore_mem>>)
      tpu.wait_dma2 semaphore(%run_scoped3A : memref<!tpu.dma_semaphore, #tpu.memory_space<semaphore_mem>>) src(%arg5 : memref<80x128xf32, #tpu.memory_space<hbm>>) dst(%arg14 : memref<80x128xf32, #tpu.memory_space<vmem>>)
      tpu.yield
    }) : () -> ()
    "tpu.region"() ({
      %run_scoped3A = tpu.sem_alloc : memref<!tpu.dma_semaphore, #tpu.memory_space<semaphore_mem>>
      tpu.enqueue_dma source(%arg6 : memref<80x8xf32, #tpu.memory_space<hbm>>) target(%arg16 : memref<80x8xf32, #tpu.memory_space<vmem>>) target_semaphore(%run_scoped3A : memref<!tpu.dma_semaphore, #tpu.memory_space<semaphore_mem>>)
      tpu.wait_dma2 semaphore(%run_scoped3A : memref<!tpu.dma_semaphore, #tpu.memory_space<semaphore_mem>>) src(%arg6 : memref<80x8xf32, #tpu.memory_space<hbm>>) dst(%arg16 : memref<80x8xf32, #tpu.memory_space<vmem>>)
      tpu.yield
    }) : () -> ()
    "tpu.region"() ({
      %run_scoped3A = tpu.sem_alloc : memref<!tpu.dma_semaphore, #tpu.memory_space<semaphore_mem>>
      %dma_start3A_685 = arith.constant 0 : i32
      %dma_start3A_686 = arith.constant 0 : i32
      %dma_start3A_687 = tpu.memref_slice %arg8[%arg1, %dma_start3A_685, %dma_start3A_686] : memref<16x8x80xi32, #tpu.memory_space<hbm>> -> memref<1x8x80xi32, #tpu.memory_space<hbm>>
      %dma_start3A_688 = tpu.memref_squeeze %dma_start3A_687 : memref<1x8x80xi32, #tpu.memory_space<hbm>> -> memref<8x80xi32, #tpu.memory_space<hbm>>
      %dma_start3A_689 = arith.constant 0 : i32
      %dma_start3A_690 = arith.constant 0 : i32
      %dma_start3A_691 = tpu.memref_slice %arg8[%arg1, %dma_start3A_689, %dma_start3A_690] : memref<16x8x80xi32, #tpu.memory_space<hbm>> -> memref<1x8x80xi32, #tpu.memory_space<hbm>>
      %dma_start3A_692 = tpu.memref_squeeze %dma_start3A_691 : memref<1x8x80xi32, #tpu.memory_space<hbm>> -> memref<8x80xi32, #tpu.memory_space<hbm>>
      tpu.enqueue_dma source(%dma_start3A_692 : memref<8x80xi32, #tpu.memory_space<hbm>>) target(%arg13 : memref<8x80xi32, #tpu.memory_space<vmem>>) target_semaphore(%run_scoped3A : memref<!tpu.dma_semaphore, #tpu.memory_space<semaphore_mem>>)
      %dma_wait3A_693 = arith.constant 0 : i32
      %dma_wait3A_694 = arith.constant 0 : i32
      %dma_wait3A_695 = tpu.memref_slice %arg8[%arg1, %dma_wait3A_693, %dma_wait3A_694] : memref<16x8x80xi32, #tpu.memory_space<hbm>> -> memref<1x8x80xi32, #tpu.memory_space<hbm>>
      %dma_wait3A_696 = tpu.memref_squeeze %dma_wait3A_695 : memref<1x8x80xi32, #tpu.memory_space<hbm>> -> memref<8x80xi32, #tpu.memory_space<hbm>>
      %dma_wait3A_697 = arith.constant 0 : i32
      %dma_wait3A_698 = arith.constant 0 : i32
      %dma_wait3A_699 = tpu.memref_slice %arg8[%arg1, %dma_wait3A_697, %dma_wait3A_698] : memref<16x8x80xi32, #tpu.memory_space<hbm>> -> memref<1x8x80xi32, #tpu.memory_space<hbm>>
      %dma_wait3A_700 = tpu.memref_squeeze %dma_wait3A_699 : memref<1x8x80xi32, #tpu.memory_space<hbm>> -> memref<8x80xi32, #tpu.memory_space<hbm>>
      tpu.wait_dma2 semaphore(%run_scoped3A : memref<!tpu.dma_semaphore, #tpu.memory_space<semaphore_mem>>) src(%dma_wait3A_700 : memref<8x80xi32, #tpu.memory_space<hbm>>) dst(%arg13 : memref<8x80xi32, #tpu.memory_space<vmem>>)
      tpu.yield
    }) : () -> ()
    %dma_start3A = arith.constant 0 : i32
    %dma_start3A_1 = arith.constant 0 : i32
    %dma_start3A_2 = tpu.memref_slice %arg13[%dma_start3A, %dma_start3A_1] : memref<8x80xi32, #tpu.memory_space<vmem>> -> memref<1x80xi32, #tpu.memory_space<vmem>>
    %dma_start3A_3 = tpu.memref_squeeze %dma_start3A_2 : memref<1x80xi32, #tpu.memory_space<vmem>> -> memref<80xi32, #tpu.memory_space<vmem>>
    %dma_start3A_4 = arith.constant 0 : i32
    %dma_start3A_5 = arith.constant 0 : i32
    %dma_start3A_6 = tpu.memref_slice %arg17[%dma_start3A_4, %dma_start3A_5] : memref<10240x128xf32, #tpu.memory_space<vmem_shared>> -> memref<10240x128xf32, #tpu.memory_space<vmem_shared>>
    tpu.enqueue_indirect_dma source(%arg14 : memref<80x128xf32, #tpu.memory_space<vmem>>) target(%dma_start3A_6 : memref<10240x128xf32, #tpu.memory_space<vmem_shared>>) offsets(%dma_start3A_3 : memref<80xi32, #tpu.memory_space<vmem>>) semaphore(%arg20 : memref<!tpu.dma_semaphore, #tpu.memory_space<semaphore_mem>>)
    %dma_start3A_7 = arith.constant 0 : i32
    %dma_start3A_8 = arith.constant 0 : i32
    %dma_start3A_9 = tpu.memref_slice %arg13[%dma_start3A_7, %dma_start3A_8] : memref<8x80xi32, #tpu.memory_space<vmem>> -> memref<1x80xi32, #tpu.memory_space<vmem>>
    %dma_start3A_10 = tpu.memref_squeeze %dma_start3A_9 : memref<1x80xi32, #tpu.memory_space<vmem>> -> memref<80xi32, #tpu.memory_space<vmem>>
    %dma_start3A_11 = arith.constant 0 : i32
    %dma_start3A_12 = arith.constant 0 : i32
    %dma_start3A_13 = tpu.memref_slice %arg18[%dma_start3A_11, %dma_start3A_12] : memref<10240x8xf32, #tpu.memory_space<vmem_shared>> -> memref<10240x8xf32, #tpu.memory_space<vmem_shared>>
    tpu.enqueue_indirect_dma source(%arg16 : memref<80x8xf32, #tpu.memory_space<vmem>>) target(%dma_start3A_13 : memref<10240x8xf32, #tpu.memory_space<vmem_shared>>) offsets(%dma_start3A_10 : memref<80xi32, #tpu.memory_space<vmem>>) semaphore(%arg21 : memref<!tpu.dma_semaphore, #tpu.memory_space<semaphore_mem>>)
    %dma_start3A_14 = arith.constant 1 : i32
    %dma_start3A_15 = arith.constant 0 : i32
    %dma_start3A_16 = tpu.memref_slice %arg13[%dma_start3A_14, %dma_start3A_15] : memref<8x80xi32, #tpu.memory_space<vmem>> -> memref<1x80xi32, #tpu.memory_space<vmem>>
    %dma_start3A_17 = tpu.memref_squeeze %dma_start3A_16 : memref<1x80xi32, #tpu.memory_space<vmem>> -> memref<80xi32, #tpu.memory_space<vmem>>
    %dma_start3A_18 = arith.constant 0 : i32
    %dma_start3A_19 = arith.constant 0 : i32
    %dma_start3A_20 = tpu.memref_slice %arg17[%dma_start3A_18, %dma_start3A_19] : memref<10240x128xf32, #tpu.memory_space<vmem_shared>> -> memref<10240x128xf32, #tpu.memory_space<vmem_shared>>
    tpu.enqueue_indirect_dma source(%arg14 : memref<80x128xf32, #tpu.memory_space<vmem>>) target(%dma_start3A_20 : memref<10240x128xf32, #tpu.memory_space<vmem_shared>>) offsets(%dma_start3A_17 : memref<80xi32, #tpu.memory_space<vmem>>) semaphore(%arg20 : memref<!tpu.dma_semaphore, #tpu.memory_space<semaphore_mem>>)
    %dma_start3A_21 = arith.constant 1 : i32
    %dma_start3A_22 = arith.constant 0 : i32
    %dma_start3A_23 = tpu.memref_slice %arg13[%dma_start3A_21, %dma_start3A_22] : memref<8x80xi32, #tpu.memory_space<vmem>> -> memref<1x80xi32, #tpu.memory_space<vmem>>
    %dma_start3A_24 = tpu.memref_squeeze %dma_start3A_23 : memref<1x80xi32, #tpu.memory_space<vmem>> -> memref<80xi32, #tpu.memory_space<vmem>>
    %dma_start3A_25 = arith.constant 0 : i32
    %dma_start3A_26 = arith.constant 0 : i32
    %dma_start3A_27 = tpu.memref_slice %arg18[%dma_start3A_25, %dma_start3A_26] : memref<10240x8xf32, #tpu.memory_space<vmem_shared>> -> memref<10240x8xf32, #tpu.memory_space<vmem_shared>>
    tpu.enqueue_indirect_dma source(%arg16 : memref<80x8xf32, #tpu.memory_space<vmem>>) target(%dma_start3A_27 : memref<10240x8xf32, #tpu.memory_space<vmem_shared>>) offsets(%dma_start3A_24 : memref<80xi32, #tpu.memory_space<vmem>>) semaphore(%arg21 : memref<!tpu.dma_semaphore, #tpu.memory_space<semaphore_mem>>)
    %dma_start3A_28 = arith.constant 2 : i32
    %dma_start3A_29 = arith.constant 0 : i32
    %dma_start3A_30 = tpu.memref_slice %arg13[%dma_start3A_28, %dma_start3A_29] : memref<8x80xi32, #tpu.memory_space<vmem>> -> memref<1x80xi32, #tpu.memory_space<vmem>>
    %dma_start3A_31 = tpu.memref_squeeze %dma_start3A_30 : memref<1x80xi32, #tpu.memory_space<vmem>> -> memref<80xi32, #tpu.memory_space<vmem>>
    %dma_start3A_32 = arith.constant 0 : i32
    %dma_start3A_33 = arith.constant 0 : i32
    %dma_start3A_34 = tpu.memref_slice %arg17[%dma_start3A_32, %dma_start3A_33] : memref<10240x128xf32, #tpu.memory_space<vmem_shared>> -> memref<10240x128xf32, #tpu.memory_space<vmem_shared>>
    tpu.enqueue_indirect_dma source(%arg14 : memref<80x128xf32, #tpu.memory_space<vmem>>) target(%dma_start3A_34 : memref<10240x128xf32, #tpu.memory_space<vmem_shared>>) offsets(%dma_start3A_31 : memref<80xi32, #tpu.memory_space<vmem>>) semaphore(%arg20 : memref<!tpu.dma_semaphore, #tpu.memory_space<semaphore_mem>>)
    %dma_start3A_35 = arith.constant 2 : i32
    %dma_start3A_36 = arith.constant 0 : i32
    %dma_start3A_37 = tpu.memref_slice %arg13[%dma_start3A_35, %dma_start3A_36] : memref<8x80xi32, #tpu.memory_space<vmem>> -> memref<1x80xi32, #tpu.memory_space<vmem>>
    %dma_start3A_38 = tpu.memref_squeeze %dma_start3A_37 : memref<1x80xi32, #tpu.memory_space<vmem>> -> memref<80xi32, #tpu.memory_space<vmem>>
    %dma_start3A_39 = arith.constant 0 : i32
    %dma_start3A_40 = arith.constant 0 : i32
    %dma_start3A_41 = tpu.memref_slice %arg18[%dma_start3A_39, %dma_start3A_40] : memref<10240x8xf32, #tpu.memory_space<vmem_shared>> -> memref<10240x8xf32, #tpu.memory_space<vmem_shared>>
    tpu.enqueue_indirect_dma source(%arg16 : memref<80x8xf32, #tpu.memory_space<vmem>>) target(%dma_start3A_41 : memref<10240x8xf32, #tpu.memory_space<vmem_shared>>) offsets(%dma_start3A_38 : memref<80xi32, #tpu.memory_space<vmem>>) semaphore(%arg21 : memref<!tpu.dma_semaphore, #tpu.memory_space<semaphore_mem>>)
    %dma_start3A_42 = arith.constant 3 : i32
    %dma_start3A_43 = arith.constant 0 : i32
    %dma_start3A_44 = tpu.memref_slice %arg13[%dma_start3A_42, %dma_start3A_43] : memref<8x80xi32, #tpu.memory_space<vmem>> -> memref<1x80xi32, #tpu.memory_space<vmem>>
    %dma_start3A_45 = tpu.memref_squeeze %dma_start3A_44 : memref<1x80xi32, #tpu.memory_space<vmem>> -> memref<80xi32, #tpu.memory_space<vmem>>
    %dma_start3A_46 = arith.constant 0 : i32
    %dma_start3A_47 = arith.constant 0 : i32
    %dma_start3A_48 = tpu.memref_slice %arg17[%dma_start3A_46, %dma_start3A_47] : memref<10240x128xf32, #tpu.memory_space<vmem_shared>> -> memref<10240x128xf32, #tpu.memory_space<vmem_shared>>
    tpu.enqueue_indirect_dma source(%arg14 : memref<80x128xf32, #tpu.memory_space<vmem>>) target(%dma_start3A_48 : memref<10240x128xf32, #tpu.memory_space<vmem_shared>>) offsets(%dma_start3A_45 : memref<80xi32, #tpu.memory_space<vmem>>) semaphore(%arg20 : memref<!tpu.dma_semaphore, #tpu.memory_space<semaphore_mem>>)
    %dma_start3A_49 = arith.constant 3 : i32
    %dma_start3A_50 = arith.constant 0 : i32
    %dma_start3A_51 = tpu.memref_slice %arg13[%dma_start3A_49, %dma_start3A_50] : memref<8x80xi32, #tpu.memory_space<vmem>> -> memref<1x80xi32, #tpu.memory_space<vmem>>
    %dma_start3A_52 = tpu.memref_squeeze %dma_start3A_51 : memref<1x80xi32, #tpu.memory_space<vmem>> -> memref<80xi32, #tpu.memory_space<vmem>>
    %dma_start3A_53 = arith.constant 0 : i32
    %dma_start3A_54 = arith.constant 0 : i32
    %dma_start3A_55 = tpu.memref_slice %arg18[%dma_start3A_53, %dma_start3A_54] : memref<10240x8xf32, #tpu.memory_space<vmem_shared>> -> memref<10240x8xf32, #tpu.memory_space<vmem_shared>>
    tpu.enqueue_indirect_dma source(%arg16 : memref<80x8xf32, #tpu.memory_space<vmem>>) target(%dma_start3A_55 : memref<10240x8xf32, #tpu.memory_space<vmem_shared>>) offsets(%dma_start3A_52 : memref<80xi32, #tpu.memory_space<vmem>>) semaphore(%arg21 : memref<!tpu.dma_semaphore, #tpu.memory_space<semaphore_mem>>)
    %dma_start3A_56 = arith.constant 4 : i32
    %dma_start3A_57 = arith.constant 0 : i32
    %dma_start3A_58 = tpu.memref_slice %arg13[%dma_start3A_56, %dma_start3A_57] : memref<8x80xi32, #tpu.memory_space<vmem>> -> memref<1x80xi32, #tpu.memory_space<vmem>>
    %dma_start3A_59 = tpu.memref_squeeze %dma_start3A_58 : memref<1x80xi32, #tpu.memory_space<vmem>> -> memref<80xi32, #tpu.memory_space<vmem>>
    %dma_start3A_60 = arith.constant 0 : i32
    %dma_start3A_61 = arith.constant 0 : i32
    %dma_start3A_62 = tpu.memref_slice %arg17[%dma_start3A_60, %dma_start3A_61] : memref<10240x128xf32, #tpu.memory_space<vmem_shared>> -> memref<10240x128xf32, #tpu.memory_space<vmem_shared>>
    tpu.enqueue_indirect_dma source(%arg14 : memref<80x128xf32, #tpu.memory_space<vmem>>) target(%dma_start3A_62 : memref<10240x128xf32, #tpu.memory_space<vmem_shared>>) offsets(%dma_start3A_59 : memref<80xi32, #tpu.memory_space<vmem>>) semaphore(%arg20 : memref<!tpu.dma_semaphore, #tpu.memory_space<semaphore_mem>>)
    %dma_start3A_63 = arith.constant 4 : i32
    %dma_start3A_64 = arith.constant 0 : i32
    %dma_start3A_65 = tpu.memref_slice %arg13[%dma_start3A_63, %dma_start3A_64] : memref<8x80xi32, #tpu.memory_space<vmem>> -> memref<1x80xi32, #tpu.memory_space<vmem>>
    %dma_start3A_66 = tpu.memref_squeeze %dma_start3A_65 : memref<1x80xi32, #tpu.memory_space<vmem>> -> memref<80xi32, #tpu.memory_space<vmem>>
    %dma_start3A_67 = arith.constant 0 : i32
    %dma_start3A_68 = arith.constant 0 : i32
    %dma_start3A_69 = tpu.memref_slice %arg18[%dma_start3A_67, %dma_start3A_68] : memref<10240x8xf32, #tpu.memory_space<vmem_shared>> -> memref<10240x8xf32, #tpu.memory_space<vmem_shared>>
    tpu.enqueue_indirect_dma source(%arg16 : memref<80x8xf32, #tpu.memory_space<vmem>>) target(%dma_start3A_69 : memref<10240x8xf32, #tpu.memory_space<vmem_shared>>) offsets(%dma_start3A_66 : memref<80xi32, #tpu.memory_space<vmem>>) semaphore(%arg21 : memref<!tpu.dma_semaphore, #tpu.memory_space<semaphore_mem>>)
    %dma_start3A_70 = arith.constant 5 : i32
    %dma_start3A_71 = arith.constant 0 : i32
    %dma_start3A_72 = tpu.memref_slice %arg13[%dma_start3A_70, %dma_start3A_71] : memref<8x80xi32, #tpu.memory_space<vmem>> -> memref<1x80xi32, #tpu.memory_space<vmem>>
    %dma_start3A_73 = tpu.memref_squeeze %dma_start3A_72 : memref<1x80xi32, #tpu.memory_space<vmem>> -> memref<80xi32, #tpu.memory_space<vmem>>
    %dma_start3A_74 = arith.constant 0 : i32
    %dma_start3A_75 = arith.constant 0 : i32
    %dma_start3A_76 = tpu.memref_slice %arg17[%dma_start3A_74, %dma_start3A_75] : memref<10240x128xf32, #tpu.memory_space<vmem_shared>> -> memref<10240x128xf32, #tpu.memory_space<vmem_shared>>
    tpu.enqueue_indirect_dma source(%arg14 : memref<80x128xf32, #tpu.memory_space<vmem>>) target(%dma_start3A_76 : memref<10240x128xf32, #tpu.memory_space<vmem_shared>>) offsets(%dma_start3A_73 : memref<80xi32, #tpu.memory_space<vmem>>) semaphore(%arg20 : memref<!tpu.dma_semaphore, #tpu.memory_space<semaphore_mem>>)
    %dma_start3A_77 = arith.constant 5 : i32
    %dma_start3A_78 = arith.constant 0 : i32
    %dma_start3A_79 = tpu.memref_slice %arg13[%dma_start3A_77, %dma_start3A_78] : memref<8x80xi32, #tpu.memory_space<vmem>> -> memref<1x80xi32, #tpu.memory_space<vmem>>
    %dma_start3A_80 = tpu.memref_squeeze %dma_start3A_79 : memref<1x80xi32, #tpu.memory_space<vmem>> -> memref<80xi32, #tpu.memory_space<vmem>>
    %dma_start3A_81 = arith.constant 0 : i32
    %dma_start3A_82 = arith.constant 0 : i32
    %dma_start3A_83 = tpu.memref_slice %arg18[%dma_start3A_81, %dma_start3A_82] : memref<10240x8xf32, #tpu.memory_space<vmem_shared>> -> memref<10240x8xf32, #tpu.memory_space<vmem_shared>>
    tpu.enqueue_indirect_dma source(%arg16 : memref<80x8xf32, #tpu.memory_space<vmem>>) target(%dma_start3A_83 : memref<10240x8xf32, #tpu.memory_space<vmem_shared>>) offsets(%dma_start3A_80 : memref<80xi32, #tpu.memory_space<vmem>>) semaphore(%arg21 : memref<!tpu.dma_semaphore, #tpu.memory_space<semaphore_mem>>)
    %dma_start3A_84 = arith.constant 6 : i32
    %dma_start3A_85 = arith.constant 0 : i32
    %dma_start3A_86 = tpu.memref_slice %arg13[%dma_start3A_84, %dma_start3A_85] : memref<8x80xi32, #tpu.memory_space<vmem>> -> memref<1x80xi32, #tpu.memory_space<vmem>>
    %dma_start3A_87 = tpu.memref_squeeze %dma_start3A_86 : memref<1x80xi32, #tpu.memory_space<vmem>> -> memref<80xi32, #tpu.memory_space<vmem>>
    %dma_start3A_88 = arith.constant 0 : i32
    %dma_start3A_89 = arith.constant 0 : i32
    %dma_start3A_90 = tpu.memref_slice %arg17[%dma_start3A_88, %dma_start3A_89] : memref<10240x128xf32, #tpu.memory_space<vmem_shared>> -> memref<10240x128xf32, #tpu.memory_space<vmem_shared>>
    tpu.enqueue_indirect_dma source(%arg14 : memref<80x128xf32, #tpu.memory_space<vmem>>) target(%dma_start3A_90 : memref<10240x128xf32, #tpu.memory_space<vmem_shared>>) offsets(%dma_start3A_87 : memref<80xi32, #tpu.memory_space<vmem>>) semaphore(%arg20 : memref<!tpu.dma_semaphore, #tpu.memory_space<semaphore_mem>>)
    %dma_start3A_91 = arith.constant 6 : i32
    %dma_start3A_92 = arith.constant 0 : i32
    %dma_start3A_93 = tpu.memref_slice %arg13[%dma_start3A_91, %dma_start3A_92] : memref<8x80xi32, #tpu.memory_space<vmem>> -> memref<1x80xi32, #tpu.memory_space<vmem>>
    %dma_start3A_94 = tpu.memref_squeeze %dma_start3A_93 : memref<1x80xi32, #tpu.memory_space<vmem>> -> memref<80xi32, #tpu.memory_space<vmem>>
    %dma_start3A_95 = arith.constant 0 : i32
    %dma_start3A_96 = arith.constant 0 : i32
    %dma_start3A_97 = tpu.memref_slice %arg18[%dma_start3A_95, %dma_start3A_96] : memref<10240x8xf32, #tpu.memory_space<vmem_shared>> -> memref<10240x8xf32, #tpu.memory_space<vmem_shared>>
    tpu.enqueue_indirect_dma source(%arg16 : memref<80x8xf32, #tpu.memory_space<vmem>>) target(%dma_start3A_97 : memref<10240x8xf32, #tpu.memory_space<vmem_shared>>) offsets(%dma_start3A_94 : memref<80xi32, #tpu.memory_space<vmem>>) semaphore(%arg21 : memref<!tpu.dma_semaphore, #tpu.memory_space<semaphore_mem>>)
    %dma_start3A_98 = arith.constant 7 : i32
    %dma_start3A_99 = arith.constant 0 : i32
    %dma_start3A_100 = tpu.memref_slice %arg13[%dma_start3A_98, %dma_start3A_99] : memref<8x80xi32, #tpu.memory_space<vmem>> -> memref<1x80xi32, #tpu.memory_space<vmem>>
    %dma_start3A_101 = tpu.memref_squeeze %dma_start3A_100 : memref<1x80xi32, #tpu.memory_space<vmem>> -> memref<80xi32, #tpu.memory_space<vmem>>
    %dma_start3A_102 = arith.constant 0 : i32
    %dma_start3A_103 = arith.constant 0 : i32
    %dma_start3A_104 = tpu.memref_slice %arg17[%dma_start3A_102, %dma_start3A_103] : memref<10240x128xf32, #tpu.memory_space<vmem_shared>> -> memref<10240x128xf32, #tpu.memory_space<vmem_shared>>
    tpu.enqueue_indirect_dma source(%arg14 : memref<80x128xf32, #tpu.memory_space<vmem>>) target(%dma_start3A_104 : memref<10240x128xf32, #tpu.memory_space<vmem_shared>>) offsets(%dma_start3A_101 : memref<80xi32, #tpu.memory_space<vmem>>) semaphore(%arg20 : memref<!tpu.dma_semaphore, #tpu.memory_space<semaphore_mem>>)
    %dma_start3A_105 = arith.constant 7 : i32
    %dma_start3A_106 = arith.constant 0 : i32
    %dma_start3A_107 = tpu.memref_slice %arg13[%dma_start3A_105, %dma_start3A_106] : memref<8x80xi32, #tpu.memory_space<vmem>> -> memref<1x80xi32, #tpu.memory_space<vmem>>
    %dma_start3A_108 = tpu.memref_squeeze %dma_start3A_107 : memref<1x80xi32, #tpu.memory_space<vmem>> -> memref<80xi32, #tpu.memory_space<vmem>>
    %dma_start3A_109 = arith.constant 0 : i32
    %dma_start3A_110 = arith.constant 0 : i32
    %dma_start3A_111 = tpu.memref_slice %arg18[%dma_start3A_109, %dma_start3A_110] : memref<10240x8xf32, #tpu.memory_space<vmem_shared>> -> memref<10240x8xf32, #tpu.memory_space<vmem_shared>>
    tpu.enqueue_indirect_dma source(%arg16 : memref<80x8xf32, #tpu.memory_space<vmem>>) target(%dma_start3A_111 : memref<10240x8xf32, #tpu.memory_space<vmem_shared>>) offsets(%dma_start3A_108 : memref<80xi32, #tpu.memory_space<vmem>>) semaphore(%arg21 : memref<!tpu.dma_semaphore, #tpu.memory_space<semaphore_mem>>)
    %dma_wait3A = arith.constant 0 : i32
    %dma_wait3A_112 = arith.constant 0 : i32
    %dma_wait3A_113 = tpu.memref_slice %arg13[%dma_wait3A, %dma_wait3A_112] : memref<8x80xi32, #tpu.memory_space<vmem>> -> memref<1x80xi32, #tpu.memory_space<vmem>>
    %dma_wait3A_114 = tpu.memref_squeeze %dma_wait3A_113 : memref<1x80xi32, #tpu.memory_space<vmem>> -> memref<80xi32, #tpu.memory_space<vmem>>
    %dma_wait3A_115 = arith.constant 0 : i32
    %dma_wait3A_116 = arith.constant 0 : i32
    %dma_wait3A_117 = tpu.memref_slice %arg17[%dma_wait3A_115, %dma_wait3A_116] : memref<10240x128xf32, #tpu.memory_space<vmem_shared>> -> memref<10240x128xf32, #tpu.memory_space<vmem_shared>>
    tpu.wait_indirect_dma semaphore(%arg20 : memref<!tpu.dma_semaphore, #tpu.memory_space<semaphore_mem>>) src(%arg14 : memref<80x128xf32, #tpu.memory_space<vmem>>) dst(%dma_wait3A_117 : memref<10240x128xf32, #tpu.memory_space<vmem_shared>>)
    %dma_wait3A_118 = arith.constant 0 : i32
    %dma_wait3A_119 = arith.constant 0 : i32
    %dma_wait3A_120 = tpu.memref_slice %arg13[%dma_wait3A_118, %dma_wait3A_119] : memref<8x80xi32, #tpu.memory_space<vmem>> -> memref<1x80xi32, #tpu.memory_space<vmem>>
    %dma_wait3A_121 = tpu.memref_squeeze %dma_wait3A_120 : memref<1x80xi32, #tpu.memory_space<vmem>> -> memref<80xi32, #tpu.memory_space<vmem>>
    %dma_wait3A_122 = arith.constant 0 : i32
    %dma_wait3A_123 = arith.constant 0 : i32
    %dma_wait3A_124 = tpu.memref_slice %arg18[%dma_wait3A_122, %dma_wait3A_123] : memref<10240x8xf32, #tpu.memory_space<vmem_shared>> -> memref<10240x8xf32, #tpu.memory_space<vmem_shared>>
    tpu.wait_indirect_dma semaphore(%arg21 : memref<!tpu.dma_semaphore, #tpu.memory_space<semaphore_mem>>) src(%arg16 : memref<80x8xf32, #tpu.memory_space<vmem>>) dst(%dma_wait3A_124 : memref<10240x8xf32, #tpu.memory_space<vmem_shared>>)
    %dma_wait3A_125 = arith.constant 1 : i32
    %dma_wait3A_126 = arith.constant 0 : i32
    %dma_wait3A_127 = tpu.memref_slice %arg13[%dma_wait3A_125, %dma_wait3A_126] : memref<8x80xi32, #tpu.memory_space<vmem>> -> memref<1x80xi32, #tpu.memory_space<vmem>>
    %dma_wait3A_128 = tpu.memref_squeeze %dma_wait3A_127 : memref<1x80xi32, #tpu.memory_space<vmem>> -> memref<80xi32, #tpu.memory_space<vmem>>
    %dma_wait3A_129 = arith.constant 0 : i32
    %dma_wait3A_130 = arith.constant 0 : i32
    %dma_wait3A_131 = tpu.memref_slice %arg17[%dma_wait3A_129, %dma_wait3A_130] : memref<10240x128xf32, #tpu.memory_space<vmem_shared>> -> memref<10240x128xf32, #tpu.memory_space<vmem_shared>>
    tpu.wait_indirect_dma semaphore(%arg20 : memref<!tpu.dma_semaphore, #tpu.memory_space<semaphore_mem>>) src(%arg14 : memref<80x128xf32, #tpu.memory_space<vmem>>) dst(%dma_wait3A_131 : memref<10240x128xf32, #tpu.memory_space<vmem_shared>>)
    %dma_wait3A_132 = arith.constant 1 : i32
    %dma_wait3A_133 = arith.constant 0 : i32
    %dma_wait3A_134 = tpu.memref_slice %arg13[%dma_wait3A_132, %dma_wait3A_133] : memref<8x80xi32, #tpu.memory_space<vmem>> -> memref<1x80xi32, #tpu.memory_space<vmem>>
    %dma_wait3A_135 = tpu.memref_squeeze %dma_wait3A_134 : memref<1x80xi32, #tpu.memory_space<vmem>> -> memref<80xi32, #tpu.memory_space<vmem>>
    %dma_wait3A_136 = arith.constant 0 : i32
    %dma_wait3A_137 = arith.constant 0 : i32
    %dma_wait3A_138 = tpu.memref_slice %arg18[%dma_wait3A_136, %dma_wait3A_137] : memref<10240x8xf32, #tpu.memory_space<vmem_shared>> -> memref<10240x8xf32, #tpu.memory_space<vmem_shared>>
    tpu.wait_indirect_dma semaphore(%arg21 : memref<!tpu.dma_semaphore, #tpu.memory_space<semaphore_mem>>) src(%arg16 : memref<80x8xf32, #tpu.memory_space<vmem>>) dst(%dma_wait3A_138 : memref<10240x8xf32, #tpu.memory_space<vmem_shared>>)
    %dma_wait3A_139 = arith.constant 2 : i32
    %dma_wait3A_140 = arith.constant 0 : i32
    %dma_wait3A_141 = tpu.memref_slice %arg13[%dma_wait3A_139, %dma_wait3A_140] : memref<8x80xi32, #tpu.memory_space<vmem>> -> memref<1x80xi32, #tpu.memory_space<vmem>>
    %dma_wait3A_142 = tpu.memref_squeeze %dma_wait3A_141 : memref<1x80xi32, #tpu.memory_space<vmem>> -> memref<80xi32, #tpu.memory_space<vmem>>
    %dma_wait3A_143 = arith.constant 0 : i32
    %dma_wait3A_144 = arith.constant 0 : i32
    %dma_wait3A_145 = tpu.memref_slice %arg17[%dma_wait3A_143, %dma_wait3A_144] : memref<10240x128xf32, #tpu.memory_space<vmem_shared>> -> memref<10240x128xf32, #tpu.memory_space<vmem_shared>>
    tpu.wait_indirect_dma semaphore(%arg20 : memref<!tpu.dma_semaphore, #tpu.memory_space<semaphore_mem>>) src(%arg14 : memref<80x128xf32, #tpu.memory_space<vmem>>) dst(%dma_wait3A_145 : memref<10240x128xf32, #tpu.memory_space<vmem_shared>>)
    %dma_wait3A_146 = arith.constant 2 : i32
    %dma_wait3A_147 = arith.constant 0 : i32
    %dma_wait3A_148 = tpu.memref_slice %arg13[%dma_wait3A_146, %dma_wait3A_147] : memref<8x80xi32, #tpu.memory_space<vmem>> -> memref<1x80xi32, #tpu.memory_space<vmem>>
    %dma_wait3A_149 = tpu.memref_squeeze %dma_wait3A_148 : memref<1x80xi32, #tpu.memory_space<vmem>> -> memref<80xi32, #tpu.memory_space<vmem>>
    %dma_wait3A_150 = arith.constant 0 : i32
    %dma_wait3A_151 = arith.constant 0 : i32
    %dma_wait3A_152 = tpu.memref_slice %arg18[%dma_wait3A_150, %dma_wait3A_151] : memref<10240x8xf32, #tpu.memory_space<vmem_shared>> -> memref<10240x8xf32, #tpu.memory_space<vmem_shared>>
    tpu.wait_indirect_dma semaphore(%arg21 : memref<!tpu.dma_semaphore, #tpu.memory_space<semaphore_mem>>) src(%arg16 : memref<80x8xf32, #tpu.memory_space<vmem>>) dst(%dma_wait3A_152 : memref<10240x8xf32, #tpu.memory_space<vmem_shared>>)
    %dma_wait3A_153 = arith.constant 3 : i32
    %dma_wait3A_154 = arith.constant 0 : i32
    %dma_wait3A_155 = tpu.memref_slice %arg13[%dma_wait3A_153, %dma_wait3A_154] : memref<8x80xi32, #tpu.memory_space<vmem>> -> memref<1x80xi32, #tpu.memory_space<vmem>>
    %dma_wait3A_156 = tpu.memref_squeeze %dma_wait3A_155 : memref<1x80xi32, #tpu.memory_space<vmem>> -> memref<80xi32, #tpu.memory_space<vmem>>
    %dma_wait3A_157 = arith.constant 0 : i32
    %dma_wait3A_158 = arith.constant 0 : i32
    %dma_wait3A_159 = tpu.memref_slice %arg17[%dma_wait3A_157, %dma_wait3A_158] : memref<10240x128xf32, #tpu.memory_space<vmem_shared>> -> memref<10240x128xf32, #tpu.memory_space<vmem_shared>>
    tpu.wait_indirect_dma semaphore(%arg20 : memref<!tpu.dma_semaphore, #tpu.memory_space<semaphore_mem>>) src(%arg14 : memref<80x128xf32, #tpu.memory_space<vmem>>) dst(%dma_wait3A_159 : memref<10240x128xf32, #tpu.memory_space<vmem_shared>>)
    %dma_wait3A_160 = arith.constant 3 : i32
    %dma_wait3A_161 = arith.constant 0 : i32
    %dma_wait3A_162 = tpu.memref_slice %arg13[%dma_wait3A_160, %dma_wait3A_161] : memref<8x80xi32, #tpu.memory_space<vmem>> -> memref<1x80xi32, #tpu.memory_space<vmem>>
    %dma_wait3A_163 = tpu.memref_squeeze %dma_wait3A_162 : memref<1x80xi32, #tpu.memory_space<vmem>> -> memref<80xi32, #tpu.memory_space<vmem>>
    %dma_wait3A_164 = arith.constant 0 : i32
    %dma_wait3A_165 = arith.constant 0 : i32
    %dma_wait3A_166 = tpu.memref_slice %arg18[%dma_wait3A_164, %dma_wait3A_165] : memref<10240x8xf32, #tpu.memory_space<vmem_shared>> -> memref<10240x8xf32, #tpu.memory_space<vmem_shared>>
    tpu.wait_indirect_dma semaphore(%arg21 : memref<!tpu.dma_semaphore, #tpu.memory_space<semaphore_mem>>) src(%arg16 : memref<80x8xf32, #tpu.memory_space<vmem>>) dst(%dma_wait3A_166 : memref<10240x8xf32, #tpu.memory_space<vmem_shared>>)
    %dma_wait3A_167 = arith.constant 4 : i32
    %dma_wait3A_168 = arith.constant 0 : i32
    %dma_wait3A_169 = tpu.memref_slice %arg13[%dma_wait3A_167, %dma_wait3A_168] : memref<8x80xi32, #tpu.memory_space<vmem>> -> memref<1x80xi32, #tpu.memory_space<vmem>>
    %dma_wait3A_170 = tpu.memref_squeeze %dma_wait3A_169 : memref<1x80xi32, #tpu.memory_space<vmem>> -> memref<80xi32, #tpu.memory_space<vmem>>
    %dma_wait3A_171 = arith.constant 0 : i32
    %dma_wait3A_172 = arith.constant 0 : i32
    %dma_wait3A_173 = tpu.memref_slice %arg17[%dma_wait3A_171, %dma_wait3A_172] : memref<10240x128xf32, #tpu.memory_space<vmem_shared>> -> memref<10240x128xf32, #tpu.memory_space<vmem_shared>>
    tpu.wait_indirect_dma semaphore(%arg20 : memref<!tpu.dma_semaphore, #tpu.memory_space<semaphore_mem>>) src(%arg14 : memref<80x128xf32, #tpu.memory_space<vmem>>) dst(%dma_wait3A_173 : memref<10240x128xf32, #tpu.memory_space<vmem_shared>>)
    %dma_wait3A_174 = arith.constant 4 : i32
    %dma_wait3A_175 = arith.constant 0 : i32
    %dma_wait3A_176 = tpu.memref_slice %arg13[%dma_wait3A_174, %dma_wait3A_175] : memref<8x80xi32, #tpu.memory_space<vmem>> -> memref<1x80xi32, #tpu.memory_space<vmem>>
    %dma_wait3A_177 = tpu.memref_squeeze %dma_wait3A_176 : memref<1x80xi32, #tpu.memory_space<vmem>> -> memref<80xi32, #tpu.memory_space<vmem>>
    %dma_wait3A_178 = arith.constant 0 : i32
    %dma_wait3A_179 = arith.constant 0 : i32
    %dma_wait3A_180 = tpu.memref_slice %arg18[%dma_wait3A_178, %dma_wait3A_179] : memref<10240x8xf32, #tpu.memory_space<vmem_shared>> -> memref<10240x8xf32, #tpu.memory_space<vmem_shared>>
    tpu.wait_indirect_dma semaphore(%arg21 : memref<!tpu.dma_semaphore, #tpu.memory_space<semaphore_mem>>) src(%arg16 : memref<80x8xf32, #tpu.memory_space<vmem>>) dst(%dma_wait3A_180 : memref<10240x8xf32, #tpu.memory_space<vmem_shared>>)
    %dma_wait3A_181 = arith.constant 5 : i32
    %dma_wait3A_182 = arith.constant 0 : i32
    %dma_wait3A_183 = tpu.memref_slice %arg13[%dma_wait3A_181, %dma_wait3A_182] : memref<8x80xi32, #tpu.memory_space<vmem>> -> memref<1x80xi32, #tpu.memory_space<vmem>>
    %dma_wait3A_184 = tpu.memref_squeeze %dma_wait3A_183 : memref<1x80xi32, #tpu.memory_space<vmem>> -> memref<80xi32, #tpu.memory_space<vmem>>
    %dma_wait3A_185 = arith.constant 0 : i32
    %dma_wait3A_186 = arith.constant 0 : i32
    %dma_wait3A_187 = tpu.memref_slice %arg17[%dma_wait3A_185, %dma_wait3A_186] : memref<10240x128xf32, #tpu.memory_space<vmem_shared>> -> memref<10240x128xf32, #tpu.memory_space<vmem_shared>>
    tpu.wait_indirect_dma semaphore(%arg20 : memref<!tpu.dma_semaphore, #tpu.memory_space<semaphore_mem>>) src(%arg14 : memref<80x128xf32, #tpu.memory_space<vmem>>) dst(%dma_wait3A_187 : memref<10240x128xf32, #tpu.memory_space<vmem_shared>>)
    %dma_wait3A_188 = arith.constant 5 : i32
    %dma_wait3A_189 = arith.constant 0 : i32
    %dma_wait3A_190 = tpu.memref_slice %arg13[%dma_wait3A_188, %dma_wait3A_189] : memref<8x80xi32, #tpu.memory_space<vmem>> -> memref<1x80xi32, #tpu.memory_space<vmem>>
    %dma_wait3A_191 = tpu.memref_squeeze %dma_wait3A_190 : memref<1x80xi32, #tpu.memory_space<vmem>> -> memref<80xi32, #tpu.memory_space<vmem>>
    %dma_wait3A_192 = arith.constant 0 : i32
    %dma_wait3A_193 = arith.constant 0 : i32
    %dma_wait3A_194 = tpu.memref_slice %arg18[%dma_wait3A_192, %dma_wait3A_193] : memref<10240x8xf32, #tpu.memory_space<vmem_shared>> -> memref<10240x8xf32, #tpu.memory_space<vmem_shared>>
    tpu.wait_indirect_dma semaphore(%arg21 : memref<!tpu.dma_semaphore, #tpu.memory_space<semaphore_mem>>) src(%arg16 : memref<80x8xf32, #tpu.memory_space<vmem>>) dst(%dma_wait3A_194 : memref<10240x8xf32, #tpu.memory_space<vmem_shared>>)
    %dma_wait3A_195 = arith.constant 6 : i32
    %dma_wait3A_196 = arith.constant 0 : i32
    %dma_wait3A_197 = tpu.memref_slice %arg13[%dma_wait3A_195, %dma_wait3A_196] : memref<8x80xi32, #tpu.memory_space<vmem>> -> memref<1x80xi32, #tpu.memory_space<vmem>>
    %dma_wait3A_198 = tpu.memref_squeeze %dma_wait3A_197 : memref<1x80xi32, #tpu.memory_space<vmem>> -> memref<80xi32, #tpu.memory_space<vmem>>
    %dma_wait3A_199 = arith.constant 0 : i32
    %dma_wait3A_200 = arith.constant 0 : i32
    %dma_wait3A_201 = tpu.memref_slice %arg17[%dma_wait3A_199, %dma_wait3A_200] : memref<10240x128xf32, #tpu.memory_space<vmem_shared>> -> memref<10240x128xf32, #tpu.memory_space<vmem_shared>>
    tpu.wait_indirect_dma semaphore(%arg20 : memref<!tpu.dma_semaphore, #tpu.memory_space<semaphore_mem>>) src(%arg14 : memref<80x128xf32, #tpu.memory_space<vmem>>) dst(%dma_wait3A_201 : memref<10240x128xf32, #tpu.memory_space<vmem_shared>>)
    %dma_wait3A_202 = arith.constant 6 : i32
    %dma_wait3A_203 = arith.constant 0 : i32
    %dma_wait3A_204 = tpu.memref_slice %arg13[%dma_wait3A_202, %dma_wait3A_203] : memref<8x80xi32, #tpu.memory_space<vmem>> -> memref<1x80xi32, #tpu.memory_space<vmem>>
    %dma_wait3A_205 = tpu.memref_squeeze %dma_wait3A_204 : memref<1x80xi32, #tpu.memory_space<vmem>> -> memref<80xi32, #tpu.memory_space<vmem>>
    %dma_wait3A_206 = arith.constant 0 : i32
    %dma_wait3A_207 = arith.constant 0 : i32
    %dma_wait3A_208 = tpu.memref_slice %arg18[%dma_wait3A_206, %dma_wait3A_207] : memref<10240x8xf32, #tpu.memory_space<vmem_shared>> -> memref<10240x8xf32, #tpu.memory_space<vmem_shared>>
    tpu.wait_indirect_dma semaphore(%arg21 : memref<!tpu.dma_semaphore, #tpu.memory_space<semaphore_mem>>) src(%arg16 : memref<80x8xf32, #tpu.memory_space<vmem>>) dst(%dma_wait3A_208 : memref<10240x8xf32, #tpu.memory_space<vmem_shared>>)
    %dma_wait3A_209 = arith.constant 7 : i32
    %dma_wait3A_210 = arith.constant 0 : i32
    %dma_wait3A_211 = tpu.memref_slice %arg13[%dma_wait3A_209, %dma_wait3A_210] : memref<8x80xi32, #tpu.memory_space<vmem>> -> memref<1x80xi32, #tpu.memory_space<vmem>>
    %dma_wait3A_212 = tpu.memref_squeeze %dma_wait3A_211 : memref<1x80xi32, #tpu.memory_space<vmem>> -> memref<80xi32, #tpu.memory_space<vmem>>
    %dma_wait3A_213 = arith.constant 0 : i32
    %dma_wait3A_214 = arith.constant 0 : i32
    %dma_wait3A_215 = tpu.memref_slice %arg17[%dma_wait3A_213, %dma_wait3A_214] : memref<10240x128xf32, #tpu.memory_space<vmem_shared>> -> memref<10240x128xf32, #tpu.memory_space<vmem_shared>>
    tpu.wait_indirect_dma semaphore(%arg20 : memref<!tpu.dma_semaphore, #tpu.memory_space<semaphore_mem>>) src(%arg14 : memref<80x128xf32, #tpu.memory_space<vmem>>) dst(%dma_wait3A_215 : memref<10240x128xf32, #tpu.memory_space<vmem_shared>>)
    %dma_wait3A_216 = arith.constant 7 : i32
    %dma_wait3A_217 = arith.constant 0 : i32
    %dma_wait3A_218 = tpu.memref_slice %arg13[%dma_wait3A_216, %dma_wait3A_217] : memref<8x80xi32, #tpu.memory_space<vmem>> -> memref<1x80xi32, #tpu.memory_space<vmem>>
    %dma_wait3A_219 = tpu.memref_squeeze %dma_wait3A_218 : memref<1x80xi32, #tpu.memory_space<vmem>> -> memref<80xi32, #tpu.memory_space<vmem>>
    %dma_wait3A_220 = arith.constant 0 : i32
    %dma_wait3A_221 = arith.constant 0 : i32
    %dma_wait3A_222 = tpu.memref_slice %arg18[%dma_wait3A_220, %dma_wait3A_221] : memref<10240x8xf32, #tpu.memory_space<vmem_shared>> -> memref<10240x8xf32, #tpu.memory_space<vmem_shared>>
    tpu.wait_indirect_dma semaphore(%arg21 : memref<!tpu.dma_semaphore, #tpu.memory_space<semaphore_mem>>) src(%arg16 : memref<80x8xf32, #tpu.memory_space<vmem>>) dst(%dma_wait3A_222 : memref<10240x8xf32, #tpu.memory_space<vmem_shared>>)
    "tpu.region"() ({
      %run_scoped3A = tpu.sem_alloc : memref<!tpu.dma_semaphore, #tpu.memory_space<semaphore_mem>>
      tpu.enqueue_dma source(%arg7 : memref<80x8xf32, #tpu.memory_space<hbm>>) target(%arg16 : memref<80x8xf32, #tpu.memory_space<vmem>>) target_semaphore(%run_scoped3A : memref<!tpu.dma_semaphore, #tpu.memory_space<semaphore_mem>>)
      tpu.wait_dma2 semaphore(%run_scoped3A : memref<!tpu.dma_semaphore, #tpu.memory_space<semaphore_mem>>) src(%arg7 : memref<80x8xf32, #tpu.memory_space<hbm>>) dst(%arg16 : memref<80x8xf32, #tpu.memory_space<vmem>>)
      tpu.yield
    }) : () -> ()
    %barrier3A = arith.constant 0 : index
    tpu.barrier barrier_id(%barrier3A)
    %scan3A = arith.constant 0 : i32
    %scan3A_223 = arith.constant 0 : i32
    %scan3A_224 = arith.constant 8 : i32
    %scan3A_225 = arith.addi %scan3A_223, %scan3A_224 : i32
    %scan3A_226 = arith.constant 1 : i32
    scf.for %scan3A_685 = %scan3A_223 to %scan3A_225 step %scan3A_226  : i32 {
      %mul3A_686 = arith.constant 128 : i32
      %mul3A_687 = arith.muli %add3A, %mul3A_686 : i32
      %mul3A_688 = arith.constant 16 : i32
      %mul3A_689 = arith.muli %scan3A_685, %mul3A_688 : i32
      %add3A_690 = arith.addi %mul3A_687, %mul3A_689 : i32
      "tpu.region"() ({
        %run_scoped3A = tpu.sem_alloc : memref<!tpu.dma_semaphore, #tpu.memory_space<semaphore_mem>>
        %dma_start3A_1363 = arith.constant 0 : i32
        %dma_start3A_1364 = tpu.memref_slice %arg3[%add3A_690, %dma_start3A_1363] : memref<4096x80xi32, #tpu.memory_space<hbm>> -> memref<16x80xi32, #tpu.memory_space<hbm>>
        %dma_start3A_1365 = arith.constant 0 : i32
        %dma_start3A_1366 = tpu.memref_slice %arg3[%add3A_690, %dma_start3A_1365] : memref<4096x80xi32, #tpu.memory_space<hbm>> -> memref<16x80xi32, #tpu.memory_space<hbm>>
        tpu.enqueue_dma source(%dma_start3A_1366 : memref<16x80xi32, #tpu.memory_space<hbm>>) target(%arg11 : memref<16x80xi32, #tpu.memory_space<vmem>>) target_semaphore(%run_scoped3A : memref<!tpu.dma_semaphore, #tpu.memory_space<semaphore_mem>>)
        %dma_wait3A_1367 = arith.constant 0 : i32
        %dma_wait3A_1368 = tpu.memref_slice %arg3[%add3A_690, %dma_wait3A_1367] : memref<4096x80xi32, #tpu.memory_space<hbm>> -> memref<16x80xi32, #tpu.memory_space<hbm>>
        %dma_wait3A_1369 = arith.constant 0 : i32
        %dma_wait3A_1370 = tpu.memref_slice %arg3[%add3A_690, %dma_wait3A_1369] : memref<4096x80xi32, #tpu.memory_space<hbm>> -> memref<16x80xi32, #tpu.memory_space<hbm>>
        tpu.wait_dma2 semaphore(%run_scoped3A : memref<!tpu.dma_semaphore, #tpu.memory_space<semaphore_mem>>) src(%dma_wait3A_1370 : memref<16x80xi32, #tpu.memory_space<hbm>>) dst(%arg11 : memref<16x80xi32, #tpu.memory_space<vmem>>)
        tpu.yield
      }) : () -> ()
      "tpu.region"() ({
        %run_scoped3A = tpu.sem_alloc : memref<!tpu.dma_semaphore, #tpu.memory_space<semaphore_mem>>
        %dma_start3A_1363 = arith.constant 0 : i32
        %dma_start3A_1364 = tpu.memref_slice %arg4[%add3A_690, %dma_start3A_1363] : memref<4096x80xi32, #tpu.memory_space<hbm>> -> memref<16x80xi32, #tpu.memory_space<hbm>>
        %dma_start3A_1365 = arith.constant 0 : i32
        %dma_start3A_1366 = tpu.memref_slice %arg4[%add3A_690, %dma_start3A_1365] : memref<4096x80xi32, #tpu.memory_space<hbm>> -> memref<16x80xi32, #tpu.memory_space<hbm>>
        tpu.enqueue_dma source(%dma_start3A_1366 : memref<16x80xi32, #tpu.memory_space<hbm>>) target(%arg12 : memref<16x80xi32, #tpu.memory_space<vmem>>) target_semaphore(%run_scoped3A : memref<!tpu.dma_semaphore, #tpu.memory_space<semaphore_mem>>)
        %dma_wait3A_1367 = arith.constant 0 : i32
        %dma_wait3A_1368 = tpu.memref_slice %arg4[%add3A_690, %dma_wait3A_1367] : memref<4096x80xi32, #tpu.memory_space<hbm>> -> memref<16x80xi32, #tpu.memory_space<hbm>>
        %dma_wait3A_1369 = arith.constant 0 : i32
        %dma_wait3A_1370 = tpu.memref_slice %arg4[%add3A_690, %dma_wait3A_1369] : memref<4096x80xi32, #tpu.memory_space<hbm>> -> memref<16x80xi32, #tpu.memory_space<hbm>>
        tpu.wait_dma2 semaphore(%run_scoped3A : memref<!tpu.dma_semaphore, #tpu.memory_space<semaphore_mem>>) src(%dma_wait3A_1370 : memref<16x80xi32, #tpu.memory_space<hbm>>) dst(%arg12 : memref<16x80xi32, #tpu.memory_space<vmem>>)
        tpu.yield
      }) : () -> ()
      %dma_start3A_691 = arith.constant 0 : i32
      %dma_start3A_692 = arith.constant 0 : i32
      %dma_start3A_693 = tpu.memref_slice %arg11[%dma_start3A_691, %dma_start3A_692] : memref<16x80xi32, #tpu.memory_space<vmem>> -> memref<1x80xi32, #tpu.memory_space<vmem>>
      %dma_start3A_694 = tpu.memref_squeeze %dma_start3A_693 : memref<1x80xi32, #tpu.memory_space<vmem>> -> memref<80xi32, #tpu.memory_space<vmem>>
      %dma_start3A_695 = arith.constant 0 : i32
      %dma_start3A_696 = arith.constant 0 : i32
      %dma_start3A_697 = tpu.memref_slice %arg2[%dma_start3A_695, %dma_start3A_696] : memref<10000x128xf32, #tpu.memory_space<hbm>> -> memref<10000x128xf32, #tpu.memory_space<hbm>>
      tpu.enqueue_indirect_dma source(%dma_start3A_697 : memref<10000x128xf32, #tpu.memory_space<hbm>>) target(%arg14 : memref<80x128xf32, #tpu.memory_space<vmem>>) offsets(%dma_start3A_694 : memref<80xi32, #tpu.memory_space<vmem>>) semaphore(%arg19 : memref<!tpu.dma_semaphore, #tpu.memory_space<semaphore_mem>>)
      %dma_wait3A_698 = arith.constant 0 : i32
      %dma_wait3A_699 = arith.constant 0 : i32
      %dma_wait3A_700 = tpu.memref_slice %arg11[%dma_wait3A_698, %dma_wait3A_699] : memref<16x80xi32, #tpu.memory_space<vmem>> -> memref<1x80xi32, #tpu.memory_space<vmem>>
      %dma_wait3A_701 = tpu.memref_squeeze %dma_wait3A_700 : memref<1x80xi32, #tpu.memory_space<vmem>> -> memref<80xi32, #tpu.memory_space<vmem>>
      %dma_wait3A_702 = arith.constant 0 : i32
      %dma_wait3A_703 = arith.constant 0 : i32
      %dma_wait3A_704 = tpu.memref_slice %arg2[%dma_wait3A_702, %dma_wait3A_703] : memref<10000x128xf32, #tpu.memory_space<hbm>> -> memref<10000x128xf32, #tpu.memory_space<hbm>>
      tpu.wait_indirect_dma semaphore(%arg19 : memref<!tpu.dma_semaphore, #tpu.memory_space<semaphore_mem>>) src(%dma_wait3A_704 : memref<10000x128xf32, #tpu.memory_space<hbm>>) dst(%arg14 : memref<80x128xf32, #tpu.memory_space<vmem>>)
      %dma_start3A_705 = arith.constant 1 : i32
      %dma_start3A_706 = arith.constant 0 : i32
      %dma_start3A_707 = tpu.memref_slice %arg11[%dma_start3A_705, %dma_start3A_706] : memref<16x80xi32, #tpu.memory_space<vmem>> -> memref<1x80xi32, #tpu.memory_space<vmem>>
      %dma_start3A_708 = tpu.memref_squeeze %dma_start3A_707 : memref<1x80xi32, #tpu.memory_space<vmem>> -> memref<80xi32, #tpu.memory_space<vmem>>
      %dma_start3A_709 = arith.constant 0 : i32
      %dma_start3A_710 = arith.constant 0 : i32
      %dma_start3A_711 = tpu.memref_slice %arg2[%dma_start3A_709, %dma_start3A_710] : memref<10000x128xf32, #tpu.memory_space<hbm>> -> memref<10000x128xf32, #tpu.memory_space<hbm>>
      tpu.enqueue_indirect_dma source(%dma_start3A_711 : memref<10000x128xf32, #tpu.memory_space<hbm>>) target(%arg15 : memref<80x128xf32, #tpu.memory_space<vmem>>) offsets(%dma_start3A_708 : memref<80xi32, #tpu.memory_space<vmem>>) semaphore(%arg19 : memref<!tpu.dma_semaphore, #tpu.memory_space<semaphore_mem>>)
      %dma_start3A_712 = arith.constant 0 : i32
      %dma_start3A_713 = arith.constant 0 : i32
      %dma_start3A_714 = tpu.memref_slice %arg12[%dma_start3A_712, %dma_start3A_713] : memref<16x80xi32, #tpu.memory_space<vmem>> -> memref<1x80xi32, #tpu.memory_space<vmem>>
      %dma_start3A_715 = tpu.memref_squeeze %dma_start3A_714 : memref<1x80xi32, #tpu.memory_space<vmem>> -> memref<80xi32, #tpu.memory_space<vmem>>
      %dma_start3A_716 = arith.constant 0 : i32
      %dma_start3A_717 = arith.constant 0 : i32
      %dma_start3A_718 = tpu.memref_slice %arg17[%dma_start3A_716, %dma_start3A_717] : memref<10240x128xf32, #tpu.memory_space<vmem_shared>> -> memref<10240x128xf32, #tpu.memory_space<vmem_shared>>
      tpu.enqueue_indirect_dma source(%arg14 : memref<80x128xf32, #tpu.memory_space<vmem>>) target(%dma_start3A_718 : memref<10240x128xf32, #tpu.memory_space<vmem_shared>>) offsets(%dma_start3A_715 : memref<80xi32, #tpu.memory_space<vmem>>) semaphore(%arg20 : memref<!tpu.dma_semaphore, #tpu.memory_space<semaphore_mem>>) {add = true}
      %dma_start3A_719 = arith.constant 0 : i32
      %dma_start3A_720 = arith.constant 0 : i32
      %dma_start3A_721 = tpu.memref_slice %arg12[%dma_start3A_719, %dma_start3A_720] : memref<16x80xi32, #tpu.memory_space<vmem>> -> memref<1x80xi32, #tpu.memory_space<vmem>>
      %dma_start3A_722 = tpu.memref_squeeze %dma_start3A_721 : memref<1x80xi32, #tpu.memory_space<vmem>> -> memref<80xi32, #tpu.memory_space<vmem>>
      %dma_start3A_723 = arith.constant 0 : i32
      %dma_start3A_724 = arith.constant 0 : i32
      %dma_start3A_725 = tpu.memref_slice %arg18[%dma_start3A_723, %dma_start3A_724] : memref<10240x8xf32, #tpu.memory_space<vmem_shared>> -> memref<10240x8xf32, #tpu.memory_space<vmem_shared>>
      tpu.enqueue_indirect_dma source(%arg16 : memref<80x8xf32, #tpu.memory_space<vmem>>) target(%dma_start3A_725 : memref<10240x8xf32, #tpu.memory_space<vmem_shared>>) offsets(%dma_start3A_722 : memref<80xi32, #tpu.memory_space<vmem>>) semaphore(%arg21 : memref<!tpu.dma_semaphore, #tpu.memory_space<semaphore_mem>>) {add = true}
      %dma_wait3A_726 = arith.constant 1 : i32
      %dma_wait3A_727 = arith.constant 0 : i32
      %dma_wait3A_728 = tpu.memref_slice %arg11[%dma_wait3A_726, %dma_wait3A_727] : memref<16x80xi32, #tpu.memory_space<vmem>> -> memref<1x80xi32, #tpu.memory_space<vmem>>
      %dma_wait3A_729 = tpu.memref_squeeze %dma_wait3A_728 : memref<1x80xi32, #tpu.memory_space<vmem>> -> memref<80xi32, #tpu.memory_space<vmem>>
      %dma_wait3A_730 = arith.constant 0 : i32
      %dma_wait3A_731 = arith.constant 0 : i32
      %dma_wait3A_732 = tpu.memref_slice %arg2[%dma_wait3A_730, %dma_wait3A_731] : memref<10000x128xf32, #tpu.memory_space<hbm>> -> memref<10000x128xf32, #tpu.memory_space<hbm>>
      tpu.wait_indirect_dma semaphore(%arg19 : memref<!tpu.dma_semaphore, #tpu.memory_space<semaphore_mem>>) src(%dma_wait3A_732 : memref<10000x128xf32, #tpu.memory_space<hbm>>) dst(%arg15 : memref<80x128xf32, #tpu.memory_space<vmem>>)
      %dma_wait3A_733 = arith.constant 0 : i32
      %dma_wait3A_734 = arith.constant 0 : i32
      %dma_wait3A_735 = tpu.memref_slice %arg12[%dma_wait3A_733, %dma_wait3A_734] : memref<16x80xi32, #tpu.memory_space<vmem>> -> memref<1x80xi32, #tpu.memory_space<vmem>>
      %dma_wait3A_736 = tpu.memref_squeeze %dma_wait3A_735 : memref<1x80xi32, #tpu.memory_space<vmem>> -> memref<80xi32, #tpu.memory_space<vmem>>
      %dma_wait3A_737 = arith.constant 0 : i32
      %dma_wait3A_738 = arith.constant 0 : i32
      %dma_wait3A_739 = tpu.memref_slice %arg17[%dma_wait3A_737, %dma_wait3A_738] : memref<10240x128xf32, #tpu.memory_space<vmem_shared>> -> memref<10240x128xf32, #tpu.memory_space<vmem_shared>>
      tpu.wait_indirect_dma semaphore(%arg20 : memref<!tpu.dma_semaphore, #tpu.memory_space<semaphore_mem>>) src(%arg14 : memref<80x128xf32, #tpu.memory_space<vmem>>) dst(%dma_wait3A_739 : memref<10240x128xf32, #tpu.memory_space<vmem_shared>>)
      %dma_start3A_740 = arith.constant 2 : i32
      %dma_start3A_741 = arith.constant 0 : i32
      %dma_start3A_742 = tpu.memref_slice %arg11[%dma_start3A_740, %dma_start3A_741] : memref<16x80xi32, #tpu.memory_space<vmem>> -> memref<1x80xi32, #tpu.memory_space<vmem>>
      %dma_start3A_743 = tpu.memref_squeeze %dma_start3A_742 : memref<1x80xi32, #tpu.memory_space<vmem>> -> memref<80xi32, #tpu.memory_space<vmem>>
      %dma_start3A_744 = arith.constant 0 : i32
      %dma_start3A_745 = arith.constant 0 : i32
      %dma_start3A_746 = tpu.memref_slice %arg2[%dma_start3A_744, %dma_start3A_745] : memref<10000x128xf32, #tpu.memory_space<hbm>> -> memref<10000x128xf32, #tpu.memory_space<hbm>>
      tpu.enqueue_indirect_dma source(%dma_start3A_746 : memref<10000x128xf32, #tpu.memory_space<hbm>>) target(%arg14 : memref<80x128xf32, #tpu.memory_space<vmem>>) offsets(%dma_start3A_743 : memref<80xi32, #tpu.memory_space<vmem>>) semaphore(%arg19 : memref<!tpu.dma_semaphore, #tpu.memory_space<semaphore_mem>>)
      %dma_wait3A_747 = arith.constant 0 : i32
      %dma_wait3A_748 = arith.constant 0 : i32
      %dma_wait3A_749 = tpu.memref_slice %arg12[%dma_wait3A_747, %dma_wait3A_748] : memref<16x80xi32, #tpu.memory_space<vmem>> -> memref<1x80xi32, #tpu.memory_space<vmem>>
      %dma_wait3A_750 = tpu.memref_squeeze %dma_wait3A_749 : memref<1x80xi32, #tpu.memory_space<vmem>> -> memref<80xi32, #tpu.memory_space<vmem>>
      %dma_wait3A_751 = arith.constant 0 : i32
      %dma_wait3A_752 = arith.constant 0 : i32
      %dma_wait3A_753 = tpu.memref_slice %arg18[%dma_wait3A_751, %dma_wait3A_752] : memref<10240x8xf32, #tpu.memory_space<vmem_shared>> -> memref<10240x8xf32, #tpu.memory_space<vmem_shared>>
      tpu.wait_indirect_dma semaphore(%arg21 : memref<!tpu.dma_semaphore, #tpu.memory_space<semaphore_mem>>) src(%arg16 : memref<80x8xf32, #tpu.memory_space<vmem>>) dst(%dma_wait3A_753 : memref<10240x8xf32, #tpu.memory_space<vmem_shared>>)
      %dma_start3A_754 = arith.constant 1 : i32
      %dma_start3A_755 = arith.constant 0 : i32
      %dma_start3A_756 = tpu.memref_slice %arg12[%dma_start3A_754, %dma_start3A_755] : memref<16x80xi32, #tpu.memory_space<vmem>> -> memref<1x80xi32, #tpu.memory_space<vmem>>
      %dma_start3A_757 = tpu.memref_squeeze %dma_start3A_756 : memref<1x80xi32, #tpu.memory_space<vmem>> -> memref<80xi32, #tpu.memory_space<vmem>>
      %dma_start3A_758 = arith.constant 0 : i32
      %dma_start3A_759 = arith.constant 0 : i32
      %dma_start3A_760 = tpu.memref_slice %arg17[%dma_start3A_758, %dma_start3A_759] : memref<10240x128xf32, #tpu.memory_space<vmem_shared>> -> memref<10240x128xf32, #tpu.memory_space<vmem_shared>>
      tpu.enqueue_indirect_dma source(%arg15 : memref<80x128xf32, #tpu.memory_space<vmem>>) target(%dma_start3A_760 : memref<10240x128xf32, #tpu.memory_space<vmem_shared>>) offsets(%dma_start3A_757 : memref<80xi32, #tpu.memory_space<vmem>>) semaphore(%arg20 : memref<!tpu.dma_semaphore, #tpu.memory_space<semaphore_mem>>) {add = true}
      %dma_start3A_761 = arith.constant 1 : i32
      %dma_start3A_762 = arith.constant 0 : i32
      %dma_start3A_763 = tpu.memref_slice %arg12[%dma_start3A_761, %dma_start3A_762] : memref<16x80xi32, #tpu.memory_space<vmem>> -> memref<1x80xi32, #tpu.memory_space<vmem>>
      %dma_start3A_764 = tpu.memref_squeeze %dma_start3A_763 : memref<1x80xi32, #tpu.memory_space<vmem>> -> memref<80xi32, #tpu.memory_space<vmem>>
      %dma_start3A_765 = arith.constant 0 : i32
      %dma_start3A_766 = arith.constant 0 : i32
      %dma_start3A_767 = tpu.memref_slice %arg18[%dma_start3A_765, %dma_start3A_766] : memref<10240x8xf32, #tpu.memory_space<vmem_shared>> -> memref<10240x8xf32, #tpu.memory_space<vmem_shared>>
      tpu.enqueue_indirect_dma source(%arg16 : memref<80x8xf32, #tpu.memory_space<vmem>>) target(%dma_start3A_767 : memref<10240x8xf32, #tpu.memory_space<vmem_shared>>) offsets(%dma_start3A_764 : memref<80xi32, #tpu.memory_space<vmem>>) semaphore(%arg21 : memref<!tpu.dma_semaphore, #tpu.memory_space<semaphore_mem>>) {add = true}
      %dma_wait3A_768 = arith.constant 2 : i32
      %dma_wait3A_769 = arith.constant 0 : i32
      %dma_wait3A_770 = tpu.memref_slice %arg11[%dma_wait3A_768, %dma_wait3A_769] : memref<16x80xi32, #tpu.memory_space<vmem>> -> memref<1x80xi32, #tpu.memory_space<vmem>>
      %dma_wait3A_771 = tpu.memref_squeeze %dma_wait3A_770 : memref<1x80xi32, #tpu.memory_space<vmem>> -> memref<80xi32, #tpu.memory_space<vmem>>
      %dma_wait3A_772 = arith.constant 0 : i32
      %dma_wait3A_773 = arith.constant 0 : i32
      %dma_wait3A_774 = tpu.memref_slice %arg2[%dma_wait3A_772, %dma_wait3A_773] : memref<10000x128xf32, #tpu.memory_space<hbm>> -> memref<10000x128xf32, #tpu.memory_space<hbm>>
      tpu.wait_indirect_dma semaphore(%arg19 : memref<!tpu.dma_semaphore, #tpu.memory_space<semaphore_mem>>) src(%dma_wait3A_774 : memref<10000x128xf32, #tpu.memory_space<hbm>>) dst(%arg14 : memref<80x128xf32, #tpu.memory_space<vmem>>)
      %dma_wait3A_775 = arith.constant 1 : i32
      %dma_wait3A_776 = arith.constant 0 : i32
      %dma_wait3A_777 = tpu.memref_slice %arg12[%dma_wait3A_775, %dma_wait3A_776] : memref<16x80xi32, #tpu.memory_space<vmem>> -> memref<1x80xi32, #tpu.memory_space<vmem>>
      %dma_wait3A_778 = tpu.memref_squeeze %dma_wait3A_777 : memref<1x80xi32, #tpu.memory_space<vmem>> -> memref<80xi32, #tpu.memory_space<vmem>>
      %dma_wait3A_779 = arith.constant 0 : i32
      %dma_wait3A_780 = arith.constant 0 : i32
      %dma_wait3A_781 = tpu.memref_slice %arg17[%dma_wait3A_779, %dma_wait3A_780] : memref<10240x128xf32, #tpu.memory_space<vmem_shared>> -> memref<10240x128xf32, #tpu.memory_space<vmem_shared>>
      tpu.wait_indirect_dma semaphore(%arg20 : memref<!tpu.dma_semaphore, #tpu.memory_space<semaphore_mem>>) src(%arg15 : memref<80x128xf32, #tpu.memory_space<vmem>>) dst(%dma_wait3A_781 : memref<10240x128xf32, #tpu.memory_space<vmem_shared>>)
      %dma_start3A_782 = arith.constant 3 : i32
      %dma_start3A_783 = arith.constant 0 : i32
      %dma_start3A_784 = tpu.memref_slice %arg11[%dma_start3A_782, %dma_start3A_783] : memref<16x80xi32, #tpu.memory_space<vmem>> -> memref<1x80xi32, #tpu.memory_space<vmem>>
      %dma_start3A_785 = tpu.memref_squeeze %dma_start3A_784 : memref<1x80xi32, #tpu.memory_space<vmem>> -> memref<80xi32, #tpu.memory_space<vmem>>
      %dma_start3A_786 = arith.constant 0 : i32
      %dma_start3A_787 = arith.constant 0 : i32
      %dma_start3A_788 = tpu.memref_slice %arg2[%dma_start3A_786, %dma_start3A_787] : memref<10000x128xf32, #tpu.memory_space<hbm>> -> memref<10000x128xf32, #tpu.memory_space<hbm>>
      tpu.enqueue_indirect_dma source(%dma_start3A_788 : memref<10000x128xf32, #tpu.memory_space<hbm>>) target(%arg15 : memref<80x128xf32, #tpu.memory_space<vmem>>) offsets(%dma_start3A_785 : memref<80xi32, #tpu.memory_space<vmem>>) semaphore(%arg19 : memref<!tpu.dma_semaphore, #tpu.memory_space<semaphore_mem>>)
      %dma_wait3A_789 = arith.constant 1 : i32
      %dma_wait3A_790 = arith.constant 0 : i32
      %dma_wait3A_791 = tpu.memref_slice %arg12[%dma_wait3A_789, %dma_wait3A_790] : memref<16x80xi32, #tpu.memory_space<vmem>> -> memref<1x80xi32, #tpu.memory_space<vmem>>
      %dma_wait3A_792 = tpu.memref_squeeze %dma_wait3A_791 : memref<1x80xi32, #tpu.memory_space<vmem>> -> memref<80xi32, #tpu.memory_space<vmem>>
      %dma_wait3A_793 = arith.constant 0 : i32
      %dma_wait3A_794 = arith.constant 0 : i32
      %dma_wait3A_795 = tpu.memref_slice %arg18[%dma_wait3A_793, %dma_wait3A_794] : memref<10240x8xf32, #tpu.memory_space<vmem_shared>> -> memref<10240x8xf32, #tpu.memory_space<vmem_shared>>
      tpu.wait_indirect_dma semaphore(%arg21 : memref<!tpu.dma_semaphore, #tpu.memory_space<semaphore_mem>>) src(%arg16 : memref<80x8xf32, #tpu.memory_space<vmem>>) dst(%dma_wait3A_795 : memref<10240x8xf32, #tpu.memory_space<vmem_shared>>)
      %dma_start3A_796 = arith.constant 2 : i32
      %dma_start3A_797 = arith.constant 0 : i32
      %dma_start3A_798 = tpu.memref_slice %arg12[%dma_start3A_796, %dma_start3A_797] : memref<16x80xi32, #tpu.memory_space<vmem>> -> memref<1x80xi32, #tpu.memory_space<vmem>>
      %dma_start3A_799 = tpu.memref_squeeze %dma_start3A_798 : memref<1x80xi32, #tpu.memory_space<vmem>> -> memref<80xi32, #tpu.memory_space<vmem>>
      %dma_start3A_800 = arith.constant 0 : i32
      %dma_start3A_801 = arith.constant 0 : i32
      %dma_start3A_802 = tpu.memref_slice %arg17[%dma_start3A_800, %dma_start3A_801] : memref<10240x128xf32, #tpu.memory_space<vmem_shared>> -> memref<10240x128xf32, #tpu.memory_space<vmem_shared>>
      tpu.enqueue_indirect_dma source(%arg14 : memref<80x128xf32, #tpu.memory_space<vmem>>) target(%dma_start3A_802 : memref<10240x128xf32, #tpu.memory_space<vmem_shared>>) offsets(%dma_start3A_799 : memref<80xi32, #tpu.memory_space<vmem>>) semaphore(%arg20 : memref<!tpu.dma_semaphore, #tpu.memory_space<semaphore_mem>>) {add = true}
      %dma_start3A_803 = arith.constant 2 : i32
      %dma_start3A_804 = arith.constant 0 : i32
      %dma_start3A_805 = tpu.memref_slice %arg12[%dma_start3A_803, %dma_start3A_804] : memref<16x80xi32, #tpu.memory_space<vmem>> -> memref<1x80xi32, #tpu.memory_space<vmem>>
      %dma_start3A_806 = tpu.memref_squeeze %dma_start3A_805 : memref<1x80xi32, #tpu.memory_space<vmem>> -> memref<80xi32, #tpu.memory_space<vmem>>
      %dma_start3A_807 = arith.constant 0 : i32
      %dma_start3A_808 = arith.constant 0 : i32
      %dma_start3A_809 = tpu.memref_slice %arg18[%dma_start3A_807, %dma_start3A_808] : memref<10240x8xf32, #tpu.memory_space<vmem_shared>> -> memref<10240x8xf32, #tpu.memory_space<vmem_shared>>
      tpu.enqueue_indirect_dma source(%arg16 : memref<80x8xf32, #tpu.memory_space<vmem>>) target(%dma_start3A_809 : memref<10240x8xf32, #tpu.memory_space<vmem_shared>>) offsets(%dma_start3A_806 : memref<80xi32, #tpu.memory_space<vmem>>) semaphore(%arg21 : memref<!tpu.dma_semaphore, #tpu.memory_space<semaphore_mem>>) {add = true}
      %dma_wait3A_810 = arith.constant 3 : i32
      %dma_wait3A_811 = arith.constant 0 : i32
      %dma_wait3A_812 = tpu.memref_slice %arg11[%dma_wait3A_810, %dma_wait3A_811] : memref<16x80xi32, #tpu.memory_space<vmem>> -> memref<1x80xi32, #tpu.memory_space<vmem>>
      %dma_wait3A_813 = tpu.memref_squeeze %dma_wait3A_812 : memref<1x80xi32, #tpu.memory_space<vmem>> -> memref<80xi32, #tpu.memory_space<vmem>>
      %dma_wait3A_814 = arith.constant 0 : i32
      %dma_wait3A_815 = arith.constant 0 : i32
      %dma_wait3A_816 = tpu.memref_slice %arg2[%dma_wait3A_814, %dma_wait3A_815] : memref<10000x128xf32, #tpu.memory_space<hbm>> -> memref<10000x128xf32, #tpu.memory_space<hbm>>
      tpu.wait_indirect_dma semaphore(%arg19 : memref<!tpu.dma_semaphore, #tpu.memory_space<semaphore_mem>>) src(%dma_wait3A_816 : memref<10000x128xf32, #tpu.memory_space<hbm>>) dst(%arg15 : memref<80x128xf32, #tpu.memory_space<vmem>>)
      %dma_wait3A_817 = arith.constant 2 : i32
      %dma_wait3A_818 = arith.constant 0 : i32
      %dma_wait3A_819 = tpu.memref_slice %arg12[%dma_wait3A_817, %dma_wait3A_818] : memref<16x80xi32, #tpu.memory_space<vmem>> -> memref<1x80xi32, #tpu.memory_space<vmem>>
      %dma_wait3A_820 = tpu.memref_squeeze %dma_wait3A_819 : memref<1x80xi32, #tpu.memory_space<vmem>> -> memref<80xi32, #tpu.memory_space<vmem>>
      %dma_wait3A_821 = arith.constant 0 : i32
      %dma_wait3A_822 = arith.constant 0 : i32
      %dma_wait3A_823 = tpu.memref_slice %arg17[%dma_wait3A_821, %dma_wait3A_822] : memref<10240x128xf32, #tpu.memory_space<vmem_shared>> -> memref<10240x128xf32, #tpu.memory_space<vmem_shared>>
      tpu.wait_indirect_dma semaphore(%arg20 : memref<!tpu.dma_semaphore, #tpu.memory_space<semaphore_mem>>) src(%arg14 : memref<80x128xf32, #tpu.memory_space<vmem>>) dst(%dma_wait3A_823 : memref<10240x128xf32, #tpu.memory_space<vmem_shared>>)
      %dma_start3A_824 = arith.constant 4 : i32
      %dma_start3A_825 = arith.constant 0 : i32
      %dma_start3A_826 = tpu.memref_slice %arg11[%dma_start3A_824, %dma_start3A_825] : memref<16x80xi32, #tpu.memory_space<vmem>> -> memref<1x80xi32, #tpu.memory_space<vmem>>
      %dma_start3A_827 = tpu.memref_squeeze %dma_start3A_826 : memref<1x80xi32, #tpu.memory_space<vmem>> -> memref<80xi32, #tpu.memory_space<vmem>>
      %dma_start3A_828 = arith.constant 0 : i32
      %dma_start3A_829 = arith.constant 0 : i32
      %dma_start3A_830 = tpu.memref_slice %arg2[%dma_start3A_828, %dma_start3A_829] : memref<10000x128xf32, #tpu.memory_space<hbm>> -> memref<10000x128xf32, #tpu.memory_space<hbm>>
      tpu.enqueue_indirect_dma source(%dma_start3A_830 : memref<10000x128xf32, #tpu.memory_space<hbm>>) target(%arg14 : memref<80x128xf32, #tpu.memory_space<vmem>>) offsets(%dma_start3A_827 : memref<80xi32, #tpu.memory_space<vmem>>) semaphore(%arg19 : memref<!tpu.dma_semaphore, #tpu.memory_space<semaphore_mem>>)
      %dma_wait3A_831 = arith.constant 2 : i32
      %dma_wait3A_832 = arith.constant 0 : i32
      %dma_wait3A_833 = tpu.memref_slice %arg12[%dma_wait3A_831, %dma_wait3A_832] : memref<16x80xi32, #tpu.memory_space<vmem>> -> memref<1x80xi32, #tpu.memory_space<vmem>>
      %dma_wait3A_834 = tpu.memref_squeeze %dma_wait3A_833 : memref<1x80xi32, #tpu.memory_space<vmem>> -> memref<80xi32, #tpu.memory_space<vmem>>
      %dma_wait3A_835 = arith.constant 0 : i32
      %dma_wait3A_836 = arith.constant 0 : i32
      %dma_wait3A_837 = tpu.memref_slice %arg18[%dma_wait3A_835, %dma_wait3A_836] : memref<10240x8xf32, #tpu.memory_space<vmem_shared>> -> memref<10240x8xf32, #tpu.memory_space<vmem_shared>>
      tpu.wait_indirect_dma semaphore(%arg21 : memref<!tpu.dma_semaphore, #tpu.memory_space<semaphore_mem>>) src(%arg16 : memref<80x8xf32, #tpu.memory_space<vmem>>) dst(%dma_wait3A_837 : memref<10240x8xf32, #tpu.memory_space<vmem_shared>>)
      %dma_start3A_838 = arith.constant 3 : i32
      %dma_start3A_839 = arith.constant 0 : i32
      %dma_start3A_840 = tpu.memref_slice %arg12[%dma_start3A_838, %dma_start3A_839] : memref<16x80xi32, #tpu.memory_space<vmem>> -> memref<1x80xi32, #tpu.memory_space<vmem>>
      %dma_start3A_841 = tpu.memref_squeeze %dma_start3A_840 : memref<1x80xi32, #tpu.memory_space<vmem>> -> memref<80xi32, #tpu.memory_space<vmem>>
      %dma_start3A_842 = arith.constant 0 : i32
      %dma_start3A_843 = arith.constant 0 : i32
      %dma_start3A_844 = tpu.memref_slice %arg17[%dma_start3A_842, %dma_start3A_843] : memref<10240x128xf32, #tpu.memory_space<vmem_shared>> -> memref<10240x128xf32, #tpu.memory_space<vmem_shared>>
      tpu.enqueue_indirect_dma source(%arg15 : memref<80x128xf32, #tpu.memory_space<vmem>>) target(%dma_start3A_844 : memref<10240x128xf32, #tpu.memory_space<vmem_shared>>) offsets(%dma_start3A_841 : memref<80xi32, #tpu.memory_space<vmem>>) semaphore(%arg20 : memref<!tpu.dma_semaphore, #tpu.memory_space<semaphore_mem>>) {add = true}
      %dma_start3A_845 = arith.constant 3 : i32
      %dma_start3A_846 = arith.constant 0 : i32
      %dma_start3A_847 = tpu.memref_slice %arg12[%dma_start3A_845, %dma_start3A_846] : memref<16x80xi32, #tpu.memory_space<vmem>> -> memref<1x80xi32, #tpu.memory_space<vmem>>
      %dma_start3A_848 = tpu.memref_squeeze %dma_start3A_847 : memref<1x80xi32, #tpu.memory_space<vmem>> -> memref<80xi32, #tpu.memory_space<vmem>>
      %dma_start3A_849 = arith.constant 0 : i32
      %dma_start3A_850 = arith.constant 0 : i32
      %dma_start3A_851 = tpu.memref_slice %arg18[%dma_start3A_849, %dma_start3A_850] : memref<10240x8xf32, #tpu.memory_space<vmem_shared>> -> memref<10240x8xf32, #tpu.memory_space<vmem_shared>>
      tpu.enqueue_indirect_dma source(%arg16 : memref<80x8xf32, #tpu.memory_space<vmem>>) target(%dma_start3A_851 : memref<10240x8xf32, #tpu.memory_space<vmem_shared>>) offsets(%dma_start3A_848 : memref<80xi32, #tpu.memory_space<vmem>>) semaphore(%arg21 : memref<!tpu.dma_semaphore, #tpu.memory_space<semaphore_mem>>) {add = true}
      %dma_wait3A_852 = arith.constant 4 : i32
      %dma_wait3A_853 = arith.constant 0 : i32
      %dma_wait3A_854 = tpu.memref_slice %arg11[%dma_wait3A_852, %dma_wait3A_853] : memref<16x80xi32, #tpu.memory_space<vmem>> -> memref<1x80xi32, #tpu.memory_space<vmem>>
      %dma_wait3A_855 = tpu.memref_squeeze %dma_wait3A_854 : memref<1x80xi32, #tpu.memory_space<vmem>> -> memref<80xi32, #tpu.memory_space<vmem>>
      %dma_wait3A_856 = arith.constant 0 : i32
      %dma_wait3A_857 = arith.constant 0 : i32
      %dma_wait3A_858 = tpu.memref_slice %arg2[%dma_wait3A_856, %dma_wait3A_857] : memref<10000x128xf32, #tpu.memory_space<hbm>> -> memref<10000x128xf32, #tpu.memory_space<hbm>>
      tpu.wait_indirect_dma semaphore(%arg19 : memref<!tpu.dma_semaphore, #tpu.memory_space<semaphore_mem>>) src(%dma_wait3A_858 : memref<10000x128xf32, #tpu.memory_space<hbm>>) dst(%arg14 : memref<80x128xf32, #tpu.memory_space<vmem>>)
      %dma_wait3A_859 = arith.constant 3 : i32
      %dma_wait3A_860 = arith.constant 0 : i32
      %dma_wait3A_861 = tpu.memref_slice %arg12[%dma_wait3A_859, %dma_wait3A_860] : memref<16x80xi32, #tpu.memory_space<vmem>> -> memref<1x80xi32, #tpu.memory_space<vmem>>
      %dma_wait3A_862 = tpu.memref_squeeze %dma_wait3A_861 : memref<1x80xi32, #tpu.memory_space<vmem>> -> memref<80xi32, #tpu.memory_space<vmem>>
      %dma_wait3A_863 = arith.constant 0 : i32
      %dma_wait3A_864 = arith.constant 0 : i32
      %dma_wait3A_865 = tpu.memref_slice %arg17[%dma_wait3A_863, %dma_wait3A_864] : memref<10240x128xf32, #tpu.memory_space<vmem_shared>> -> memref<10240x128xf32, #tpu.memory_space<vmem_shared>>
      tpu.wait_indirect_dma semaphore(%arg20 : memref<!tpu.dma_semaphore, #tpu.memory_space<semaphore_mem>>) src(%arg15 : memref<80x128xf32, #tpu.memory_space<vmem>>) dst(%dma_wait3A_865 : memref<10240x128xf32, #tpu.memory_space<vmem_shared>>)
      %dma_start3A_866 = arith.constant 5 : i32
      %dma_start3A_867 = arith.constant 0 : i32
      %dma_start3A_868 = tpu.memref_slice %arg11[%dma_start3A_866, %dma_start3A_867] : memref<16x80xi32, #tpu.memory_space<vmem>> -> memref<1x80xi32, #tpu.memory_space<vmem>>
      %dma_start3A_869 = tpu.memref_squeeze %dma_start3A_868 : memref<1x80xi32, #tpu.memory_space<vmem>> -> memref<80xi32, #tpu.memory_space<vmem>>
      %dma_start3A_870 = arith.constant 0 : i32
      %dma_start3A_871 = arith.constant 0 : i32
      %dma_start3A_872 = tpu.memref_slice %arg2[%dma_start3A_870, %dma_start3A_871] : memref<10000x128xf32, #tpu.memory_space<hbm>> -> memref<10000x128xf32, #tpu.memory_space<hbm>>
      tpu.enqueue_indirect_dma source(%dma_start3A_872 : memref<10000x128xf32, #tpu.memory_space<hbm>>) target(%arg15 : memref<80x128xf32, #tpu.memory_space<vmem>>) offsets(%dma_start3A_869 : memref<80xi32, #tpu.memory_space<vmem>>) semaphore(%arg19 : memref<!tpu.dma_semaphore, #tpu.memory_space<semaphore_mem>>)
      %dma_wait3A_873 = arith.constant 3 : i32
      %dma_wait3A_874 = arith.constant 0 : i32
      %dma_wait3A_875 = tpu.memref_slice %arg12[%dma_wait3A_873, %dma_wait3A_874] : memref<16x80xi32, #tpu.memory_space<vmem>> -> memref<1x80xi32, #tpu.memory_space<vmem>>
      %dma_wait3A_876 = tpu.memref_squeeze %dma_wait3A_875 : memref<1x80xi32, #tpu.memory_space<vmem>> -> memref<80xi32, #tpu.memory_space<vmem>>
      %dma_wait3A_877 = arith.constant 0 : i32
      %dma_wait3A_878 = arith.constant 0 : i32
      %dma_wait3A_879 = tpu.memref_slice %arg18[%dma_wait3A_877, %dma_wait3A_878] : memref<10240x8xf32, #tpu.memory_space<vmem_shared>> -> memref<10240x8xf32, #tpu.memory_space<vmem_shared>>
      tpu.wait_indirect_dma semaphore(%arg21 : memref<!tpu.dma_semaphore, #tpu.memory_space<semaphore_mem>>) src(%arg16 : memref<80x8xf32, #tpu.memory_space<vmem>>) dst(%dma_wait3A_879 : memref<10240x8xf32, #tpu.memory_space<vmem_shared>>)
      %dma_start3A_880 = arith.constant 4 : i32
      %dma_start3A_881 = arith.constant 0 : i32
      %dma_start3A_882 = tpu.memref_slice %arg12[%dma_start3A_880, %dma_start3A_881] : memref<16x80xi32, #tpu.memory_space<vmem>> -> memref<1x80xi32, #tpu.memory_space<vmem>>
      %dma_start3A_883 = tpu.memref_squeeze %dma_start3A_882 : memref<1x80xi32, #tpu.memory_space<vmem>> -> memref<80xi32, #tpu.memory_space<vmem>>
      %dma_start3A_884 = arith.constant 0 : i32
      %dma_start3A_885 = arith.constant 0 : i32
      %dma_start3A_886 = tpu.memref_slice %arg17[%dma_start3A_884, %dma_start3A_885] : memref<10240x128xf32, #tpu.memory_space<vmem_shared>> -> memref<10240x128xf32, #tpu.memory_space<vmem_shared>>
      tpu.enqueue_indirect_dma source(%arg14 : memref<80x128xf32, #tpu.memory_space<vmem>>) target(%dma_start3A_886 : memref<10240x128xf32, #tpu.memory_space<vmem_shared>>) offsets(%dma_start3A_883 : memref<80xi32, #tpu.memory_space<vmem>>) semaphore(%arg20 : memref<!tpu.dma_semaphore, #tpu.memory_space<semaphore_mem>>) {add = true}
      %dma_start3A_887 = arith.constant 4 : i32
      %dma_start3A_888 = arith.constant 0 : i32
      %dma_start3A_889 = tpu.memref_slice %arg12[%dma_start3A_887, %dma_start3A_888] : memref<16x80xi32, #tpu.memory_space<vmem>> -> memref<1x80xi32, #tpu.memory_space<vmem>>
      %dma_start3A_890 = tpu.memref_squeeze %dma_start3A_889 : memref<1x80xi32, #tpu.memory_space<vmem>> -> memref<80xi32, #tpu.memory_space<vmem>>
      %dma_start3A_891 = arith.constant 0 : i32
      %dma_start3A_892 = arith.constant 0 : i32
      %dma_start3A_893 = tpu.memref_slice %arg18[%dma_start3A_891, %dma_start3A_892] : memref<10240x8xf32, #tpu.memory_space<vmem_shared>> -> memref<10240x8xf32, #tpu.memory_space<vmem_shared>>
      tpu.enqueue_indirect_dma source(%arg16 : memref<80x8xf32, #tpu.memory_space<vmem>>) target(%dma_start3A_893 : memref<10240x8xf32, #tpu.memory_space<vmem_shared>>) offsets(%dma_start3A_890 : memref<80xi32, #tpu.memory_space<vmem>>) semaphore(%arg21 : memref<!tpu.dma_semaphore, #tpu.memory_space<semaphore_mem>>) {add = true}
      %dma_wait3A_894 = arith.constant 5 : i32
      %dma_wait3A_895 = arith.constant 0 : i32
      %dma_wait3A_896 = tpu.memref_slice %arg11[%dma_wait3A_894, %dma_wait3A_895] : memref<16x80xi32, #tpu.memory_space<vmem>> -> memref<1x80xi32, #tpu.memory_space<vmem>>
      %dma_wait3A_897 = tpu.memref_squeeze %dma_wait3A_896 : memref<1x80xi32, #tpu.memory_space<vmem>> -> memref<80xi32, #tpu.memory_space<vmem>>
      %dma_wait3A_898 = arith.constant 0 : i32
      %dma_wait3A_899 = arith.constant 0 : i32
      %dma_wait3A_900 = tpu.memref_slice %arg2[%dma_wait3A_898, %dma_wait3A_899] : memref<10000x128xf32, #tpu.memory_space<hbm>> -> memref<10000x128xf32, #tpu.memory_space<hbm>>
      tpu.wait_indirect_dma semaphore(%arg19 : memref<!tpu.dma_semaphore, #tpu.memory_space<semaphore_mem>>) src(%dma_wait3A_900 : memref<10000x128xf32, #tpu.memory_space<hbm>>) dst(%arg15 : memref<80x128xf32, #tpu.memory_space<vmem>>)
      %dma_wait3A_901 = arith.constant 4 : i32
      %dma_wait3A_902 = arith.constant 0 : i32
      %dma_wait3A_903 = tpu.memref_slice %arg12[%dma_wait3A_901, %dma_wait3A_902] : memref<16x80xi32, #tpu.memory_space<vmem>> -> memref<1x80xi32, #tpu.memory_space<vmem>>
      %dma_wait3A_904 = tpu.memref_squeeze %dma_wait3A_903 : memref<1x80xi32, #tpu.memory_space<vmem>> -> memref<80xi32, #tpu.memory_space<vmem>>
      %dma_wait3A_905 = arith.constant 0 : i32
      %dma_wait3A_906 = arith.constant 0 : i32
      %dma_wait3A_907 = tpu.memref_slice %arg17[%dma_wait3A_905, %dma_wait3A_906] : memref<10240x128xf32, #tpu.memory_space<vmem_shared>> -> memref<10240x128xf32, #tpu.memory_space<vmem_shared>>
      tpu.wait_indirect_dma semaphore(%arg20 : memref<!tpu.dma_semaphore, #tpu.memory_space<semaphore_mem>>) src(%arg14 : memref<80x128xf32, #tpu.memory_space<vmem>>) dst(%dma_wait3A_907 : memref<10240x128xf32, #tpu.memory_space<vmem_shared>>)
      %dma_start3A_908 = arith.constant 6 : i32
      %dma_start3A_909 = arith.constant 0 : i32
      %dma_start3A_910 = tpu.memref_slice %arg11[%dma_start3A_908, %dma_start3A_909] : memref<16x80xi32, #tpu.memory_space<vmem>> -> memref<1x80xi32, #tpu.memory_space<vmem>>
      %dma_start3A_911 = tpu.memref_squeeze %dma_start3A_910 : memref<1x80xi32, #tpu.memory_space<vmem>> -> memref<80xi32, #tpu.memory_space<vmem>>
      %dma_start3A_912 = arith.constant 0 : i32
      %dma_start3A_913 = arith.constant 0 : i32
      %dma_start3A_914 = tpu.memref_slice %arg2[%dma_start3A_912, %dma_start3A_913] : memref<10000x128xf32, #tpu.memory_space<hbm>> -> memref<10000x128xf32, #tpu.memory_space<hbm>>
      tpu.enqueue_indirect_dma source(%dma_start3A_914 : memref<10000x128xf32, #tpu.memory_space<hbm>>) target(%arg14 : memref<80x128xf32, #tpu.memory_space<vmem>>) offsets(%dma_start3A_911 : memref<80xi32, #tpu.memory_space<vmem>>) semaphore(%arg19 : memref<!tpu.dma_semaphore, #tpu.memory_space<semaphore_mem>>)
      %dma_wait3A_915 = arith.constant 4 : i32
      %dma_wait3A_916 = arith.constant 0 : i32
      %dma_wait3A_917 = tpu.memref_slice %arg12[%dma_wait3A_915, %dma_wait3A_916] : memref<16x80xi32, #tpu.memory_space<vmem>> -> memref<1x80xi32, #tpu.memory_space<vmem>>
      %dma_wait3A_918 = tpu.memref_squeeze %dma_wait3A_917 : memref<1x80xi32, #tpu.memory_space<vmem>> -> memref<80xi32, #tpu.memory_space<vmem>>
      %dma_wait3A_919 = arith.constant 0 : i32
      %dma_wait3A_920 = arith.constant 0 : i32
      %dma_wait3A_921 = tpu.memref_slice %arg18[%dma_wait3A_919, %dma_wait3A_920] : memref<10240x8xf32, #tpu.memory_space<vmem_shared>> -> memref<10240x8xf32, #tpu.memory_space<vmem_shared>>
      tpu.wait_indirect_dma semaphore(%arg21 : memref<!tpu.dma_semaphore, #tpu.memory_space<semaphore_mem>>) src(%arg16 : memref<80x8xf32, #tpu.memory_space<vmem>>) dst(%dma_wait3A_921 : memref<10240x8xf32, #tpu.memory_space<vmem_shared>>)
      %dma_start3A_922 = arith.constant 5 : i32
      %dma_start3A_923 = arith.constant 0 : i32
      %dma_start3A_924 = tpu.memref_slice %arg12[%dma_start3A_922, %dma_start3A_923] : memref<16x80xi32, #tpu.memory_space<vmem>> -> memref<1x80xi32, #tpu.memory_space<vmem>>
      %dma_start3A_925 = tpu.memref_squeeze %dma_start3A_924 : memref<1x80xi32, #tpu.memory_space<vmem>> -> memref<80xi32, #tpu.memory_space<vmem>>
      %dma_start3A_926 = arith.constant 0 : i32
      %dma_start3A_927 = arith.constant 0 : i32
      %dma_start3A_928 = tpu.memref_slice %arg17[%dma_start3A_926, %dma_start3A_927] : memref<10240x128xf32, #tpu.memory_space<vmem_shared>> -> memref<10240x128xf32, #tpu.memory_space<vmem_shared>>
      tpu.enqueue_indirect_dma source(%arg15 : memref<80x128xf32, #tpu.memory_space<vmem>>) target(%dma_start3A_928 : memref<10240x128xf32, #tpu.memory_space<vmem_shared>>) offsets(%dma_start3A_925 : memref<80xi32, #tpu.memory_space<vmem>>) semaphore(%arg20 : memref<!tpu.dma_semaphore, #tpu.memory_space<semaphore_mem>>) {add = true}
      %dma_start3A_929 = arith.constant 5 : i32
      %dma_start3A_930 = arith.constant 0 : i32
      %dma_start3A_931 = tpu.memref_slice %arg12[%dma_start3A_929, %dma_start3A_930] : memref<16x80xi32, #tpu.memory_space<vmem>> -> memref<1x80xi32, #tpu.memory_space<vmem>>
      %dma_start3A_932 = tpu.memref_squeeze %dma_start3A_931 : memref<1x80xi32, #tpu.memory_space<vmem>> -> memref<80xi32, #tpu.memory_space<vmem>>
      %dma_start3A_933 = arith.constant 0 : i32
      %dma_start3A_934 = arith.constant 0 : i32
      %dma_start3A_935 = tpu.memref_slice %arg18[%dma_start3A_933, %dma_start3A_934] : memref<10240x8xf32, #tpu.memory_space<vmem_shared>> -> memref<10240x8xf32, #tpu.memory_space<vmem_shared>>
      tpu.enqueue_indirect_dma source(%arg16 : memref<80x8xf32, #tpu.memory_space<vmem>>) target(%dma_start3A_935 : memref<10240x8xf32, #tpu.memory_space<vmem_shared>>) offsets(%dma_start3A_932 : memref<80xi32, #tpu.memory_space<vmem>>) semaphore(%arg21 : memref<!tpu.dma_semaphore, #tpu.memory_space<semaphore_mem>>) {add = true}
      %dma_wait3A_936 = arith.constant 6 : i32
      %dma_wait3A_937 = arith.constant 0 : i32
      %dma_wait3A_938 = tpu.memref_slice %arg11[%dma_wait3A_936, %dma_wait3A_937] : memref<16x80xi32, #tpu.memory_space<vmem>> -> memref<1x80xi32, #tpu.memory_space<vmem>>
      %dma_wait3A_939 = tpu.memref_squeeze %dma_wait3A_938 : memref<1x80xi32, #tpu.memory_space<vmem>> -> memref<80xi32, #tpu.memory_space<vmem>>
      %dma_wait3A_940 = arith.constant 0 : i32
      %dma_wait3A_941 = arith.constant 0 : i32
      %dma_wait3A_942 = tpu.memref_slice %arg2[%dma_wait3A_940, %dma_wait3A_941] : memref<10000x128xf32, #tpu.memory_space<hbm>> -> memref<10000x128xf32, #tpu.memory_space<hbm>>
      tpu.wait_indirect_dma semaphore(%arg19 : memref<!tpu.dma_semaphore, #tpu.memory_space<semaphore_mem>>) src(%dma_wait3A_942 : memref<10000x128xf32, #tpu.memory_space<hbm>>) dst(%arg14 : memref<80x128xf32, #tpu.memory_space<vmem>>)
      %dma_wait3A_943 = arith.constant 5 : i32
      %dma_wait3A_944 = arith.constant 0 : i32
      %dma_wait3A_945 = tpu.memref_slice %arg12[%dma_wait3A_943, %dma_wait3A_944] : memref<16x80xi32, #tpu.memory_space<vmem>> -> memref<1x80xi32, #tpu.memory_space<vmem>>
      %dma_wait3A_946 = tpu.memref_squeeze %dma_wait3A_945 : memref<1x80xi32, #tpu.memory_space<vmem>> -> memref<80xi32, #tpu.memory_space<vmem>>
      %dma_wait3A_947 = arith.constant 0 : i32
      %dma_wait3A_948 = arith.constant 0 : i32
      %dma_wait3A_949 = tpu.memref_slice %arg17[%dma_wait3A_947, %dma_wait3A_948] : memref<10240x128xf32, #tpu.memory_space<vmem_shared>> -> memref<10240x128xf32, #tpu.memory_space<vmem_shared>>
      tpu.wait_indirect_dma semaphore(%arg20 : memref<!tpu.dma_semaphore, #tpu.memory_space<semaphore_mem>>) src(%arg15 : memref<80x128xf32, #tpu.memory_space<vmem>>) dst(%dma_wait3A_949 : memref<10240x128xf32, #tpu.memory_space<vmem_shared>>)
      %dma_start3A_950 = arith.constant 7 : i32
      %dma_start3A_951 = arith.constant 0 : i32
      %dma_start3A_952 = tpu.memref_slice %arg11[%dma_start3A_950, %dma_start3A_951] : memref<16x80xi32, #tpu.memory_space<vmem>> -> memref<1x80xi32, #tpu.memory_space<vmem>>
      %dma_start3A_953 = tpu.memref_squeeze %dma_start3A_952 : memref<1x80xi32, #tpu.memory_space<vmem>> -> memref<80xi32, #tpu.memory_space<vmem>>
      %dma_start3A_954 = arith.constant 0 : i32
      %dma_start3A_955 = arith.constant 0 : i32
      %dma_start3A_956 = tpu.memref_slice %arg2[%dma_start3A_954, %dma_start3A_955] : memref<10000x128xf32, #tpu.memory_space<hbm>> -> memref<10000x128xf32, #tpu.memory_space<hbm>>
      tpu.enqueue_indirect_dma source(%dma_start3A_956 : memref<10000x128xf32, #tpu.memory_space<hbm>>) target(%arg15 : memref<80x128xf32, #tpu.memory_space<vmem>>) offsets(%dma_start3A_953 : memref<80xi32, #tpu.memory_space<vmem>>) semaphore(%arg19 : memref<!tpu.dma_semaphore, #tpu.memory_space<semaphore_mem>>)
      %dma_wait3A_957 = arith.constant 5 : i32
      %dma_wait3A_958 = arith.constant 0 : i32
      %dma_wait3A_959 = tpu.memref_slice %arg12[%dma_wait3A_957, %dma_wait3A_958] : memref<16x80xi32, #tpu.memory_space<vmem>> -> memref<1x80xi32, #tpu.memory_space<vmem>>
      %dma_wait3A_960 = tpu.memref_squeeze %dma_wait3A_959 : memref<1x80xi32, #tpu.memory_space<vmem>> -> memref<80xi32, #tpu.memory_space<vmem>>
      %dma_wait3A_961 = arith.constant 0 : i32
      %dma_wait3A_962 = arith.constant 0 : i32
      %dma_wait3A_963 = tpu.memref_slice %arg18[%dma_wait3A_961, %dma_wait3A_962] : memref<10240x8xf32, #tpu.memory_space<vmem_shared>> -> memref<10240x8xf32, #tpu.memory_space<vmem_shared>>
      tpu.wait_indirect_dma semaphore(%arg21 : memref<!tpu.dma_semaphore, #tpu.memory_space<semaphore_mem>>) src(%arg16 : memref<80x8xf32, #tpu.memory_space<vmem>>) dst(%dma_wait3A_963 : memref<10240x8xf32, #tpu.memory_space<vmem_shared>>)
      %dma_start3A_964 = arith.constant 6 : i32
      %dma_start3A_965 = arith.constant 0 : i32
      %dma_start3A_966 = tpu.memref_slice %arg12[%dma_start3A_964, %dma_start3A_965] : memref<16x80xi32, #tpu.memory_space<vmem>> -> memref<1x80xi32, #tpu.memory_space<vmem>>
      %dma_start3A_967 = tpu.memref_squeeze %dma_start3A_966 : memref<1x80xi32, #tpu.memory_space<vmem>> -> memref<80xi32, #tpu.memory_space<vmem>>
      %dma_start3A_968 = arith.constant 0 : i32
      %dma_start3A_969 = arith.constant 0 : i32
      %dma_start3A_970 = tpu.memref_slice %arg17[%dma_start3A_968, %dma_start3A_969] : memref<10240x128xf32, #tpu.memory_space<vmem_shared>> -> memref<10240x128xf32, #tpu.memory_space<vmem_shared>>
      tpu.enqueue_indirect_dma source(%arg14 : memref<80x128xf32, #tpu.memory_space<vmem>>) target(%dma_start3A_970 : memref<10240x128xf32, #tpu.memory_space<vmem_shared>>) offsets(%dma_start3A_967 : memref<80xi32, #tpu.memory_space<vmem>>) semaphore(%arg20 : memref<!tpu.dma_semaphore, #tpu.memory_space<semaphore_mem>>) {add = true}
      %dma_start3A_971 = arith.constant 6 : i32
      %dma_start3A_972 = arith.constant 0 : i32
      %dma_start3A_973 = tpu.memref_slice %arg12[%dma_start3A_971, %dma_start3A_972] : memref<16x80xi32, #tpu.memory_space<vmem>> -> memref<1x80xi32, #tpu.memory_space<vmem>>
      %dma_start3A_974 = tpu.memref_squeeze %dma_start3A_973 : memref<1x80xi32, #tpu.memory_space<vmem>> -> memref<80xi32, #tpu.memory_space<vmem>>
      %dma_start3A_975 = arith.constant 0 : i32
      %dma_start3A_976 = arith.constant 0 : i32
      %dma_start3A_977 = tpu.memref_slice %arg18[%dma_start3A_975, %dma_start3A_976] : memref<10240x8xf32, #tpu.memory_space<vmem_shared>> -> memref<10240x8xf32, #tpu.memory_space<vmem_shared>>
      tpu.enqueue_indirect_dma source(%arg16 : memref<80x8xf32, #tpu.memory_space<vmem>>) target(%dma_start3A_977 : memref<10240x8xf32, #tpu.memory_space<vmem_shared>>) offsets(%dma_start3A_974 : memref<80xi32, #tpu.memory_space<vmem>>) semaphore(%arg21 : memref<!tpu.dma_semaphore, #tpu.memory_space<semaphore_mem>>) {add = true}
      %dma_wait3A_978 = arith.constant 7 : i32
      %dma_wait3A_979 = arith.constant 0 : i32
      %dma_wait3A_980 = tpu.memref_slice %arg11[%dma_wait3A_978, %dma_wait3A_979] : memref<16x80xi32, #tpu.memory_space<vmem>> -> memref<1x80xi32, #tpu.memory_space<vmem>>
      %dma_wait3A_981 = tpu.memref_squeeze %dma_wait3A_980 : memref<1x80xi32, #tpu.memory_space<vmem>> -> memref<80xi32, #tpu.memory_space<vmem>>
      %dma_wait3A_982 = arith.constant 0 : i32
      %dma_wait3A_983 = arith.constant 0 : i32
      %dma_wait3A_984 = tpu.memref_slice %arg2[%dma_wait3A_982, %dma_wait3A_983] : memref<10000x128xf32, #tpu.memory_space<hbm>> -> memref<10000x128xf32, #tpu.memory_space<hbm>>
      tpu.wait_indirect_dma semaphore(%arg19 : memref<!tpu.dma_semaphore, #tpu.memory_space<semaphore_mem>>) src(%dma_wait3A_984 : memref<10000x128xf32, #tpu.memory_space<hbm>>) dst(%arg15 : memref<80x128xf32, #tpu.memory_space<vmem>>)
      %dma_wait3A_985 = arith.constant 6 : i32
      %dma_wait3A_986 = arith.constant 0 : i32
      %dma_wait3A_987 = tpu.memref_slice %arg12[%dma_wait3A_985, %dma_wait3A_986] : memref<16x80xi32, #tpu.memory_space<vmem>> -> memref<1x80xi32, #tpu.memory_space<vmem>>
      %dma_wait3A_988 = tpu.memref_squeeze %dma_wait3A_987 : memref<1x80xi32, #tpu.memory_space<vmem>> -> memref<80xi32, #tpu.memory_space<vmem>>
      %dma_wait3A_989 = arith.constant 0 : i32
      %dma_wait3A_990 = arith.constant 0 : i32
      %dma_wait3A_991 = tpu.memref_slice %arg17[%dma_wait3A_989, %dma_wait3A_990] : memref<10240x128xf32, #tpu.memory_space<vmem_shared>> -> memref<10240x128xf32, #tpu.memory_space<vmem_shared>>
      tpu.wait_indirect_dma semaphore(%arg20 : memref<!tpu.dma_semaphore, #tpu.memory_space<semaphore_mem>>) src(%arg14 : memref<80x128xf32, #tpu.memory_space<vmem>>) dst(%dma_wait3A_991 : memref<10240x128xf32, #tpu.memory_space<vmem_shared>>)
      %dma_start3A_992 = arith.constant 8 : i32
      %dma_start3A_993 = arith.constant 0 : i32
      %dma_start3A_994 = tpu.memref_slice %arg11[%dma_start3A_992, %dma_start3A_993] : memref<16x80xi32, #tpu.memory_space<vmem>> -> memref<1x80xi32, #tpu.memory_space<vmem>>
      %dma_start3A_995 = tpu.memref_squeeze %dma_start3A_994 : memref<1x80xi32, #tpu.memory_space<vmem>> -> memref<80xi32, #tpu.memory_space<vmem>>
      %dma_start3A_996 = arith.constant 0 : i32
      %dma_start3A_997 = arith.constant 0 : i32
      %dma_start3A_998 = tpu.memref_slice %arg2[%dma_start3A_996, %dma_start3A_997] : memref<10000x128xf32, #tpu.memory_space<hbm>> -> memref<10000x128xf32, #tpu.memory_space<hbm>>
      tpu.enqueue_indirect_dma source(%dma_start3A_998 : memref<10000x128xf32, #tpu.memory_space<hbm>>) target(%arg14 : memref<80x128xf32, #tpu.memory_space<vmem>>) offsets(%dma_start3A_995 : memref<80xi32, #tpu.memory_space<vmem>>) semaphore(%arg19 : memref<!tpu.dma_semaphore, #tpu.memory_space<semaphore_mem>>)
      %dma_wait3A_999 = arith.constant 6 : i32
      %dma_wait3A_1000 = arith.constant 0 : i32
      %dma_wait3A_1001 = tpu.memref_slice %arg12[%dma_wait3A_999, %dma_wait3A_1000] : memref<16x80xi32, #tpu.memory_space<vmem>> -> memref<1x80xi32, #tpu.memory_space<vmem>>
      %dma_wait3A_1002 = tpu.memref_squeeze %dma_wait3A_1001 : memref<1x80xi32, #tpu.memory_space<vmem>> -> memref<80xi32, #tpu.memory_space<vmem>>
      %dma_wait3A_1003 = arith.constant 0 : i32
      %dma_wait3A_1004 = arith.constant 0 : i32
      %dma_wait3A_1005 = tpu.memref_slice %arg18[%dma_wait3A_1003, %dma_wait3A_1004] : memref<10240x8xf32, #tpu.memory_space<vmem_shared>> -> memref<10240x8xf32, #tpu.memory_space<vmem_shared>>
      tpu.wait_indirect_dma semaphore(%arg21 : memref<!tpu.dma_semaphore, #tpu.memory_space<semaphore_mem>>) src(%arg16 : memref<80x8xf32, #tpu.memory_space<vmem>>) dst(%dma_wait3A_1005 : memref<10240x8xf32, #tpu.memory_space<vmem_shared>>)
      %dma_start3A_1006 = arith.constant 7 : i32
      %dma_start3A_1007 = arith.constant 0 : i32
      %dma_start3A_1008 = tpu.memref_slice %arg12[%dma_start3A_1006, %dma_start3A_1007] : memref<16x80xi32, #tpu.memory_space<vmem>> -> memref<1x80xi32, #tpu.memory_space<vmem>>
      %dma_start3A_1009 = tpu.memref_squeeze %dma_start3A_1008 : memref<1x80xi32, #tpu.memory_space<vmem>> -> memref<80xi32, #tpu.memory_space<vmem>>
      %dma_start3A_1010 = arith.constant 0 : i32
      %dma_start3A_1011 = arith.constant 0 : i32
      %dma_start3A_1012 = tpu.memref_slice %arg17[%dma_start3A_1010, %dma_start3A_1011] : memref<10240x128xf32, #tpu.memory_space<vmem_shared>> -> memref<10240x128xf32, #tpu.memory_space<vmem_shared>>
      tpu.enqueue_indirect_dma source(%arg15 : memref<80x128xf32, #tpu.memory_space<vmem>>) target(%dma_start3A_1012 : memref<10240x128xf32, #tpu.memory_space<vmem_shared>>) offsets(%dma_start3A_1009 : memref<80xi32, #tpu.memory_space<vmem>>) semaphore(%arg20 : memref<!tpu.dma_semaphore, #tpu.memory_space<semaphore_mem>>) {add = true}
      %dma_start3A_1013 = arith.constant 7 : i32
      %dma_start3A_1014 = arith.constant 0 : i32
      %dma_start3A_1015 = tpu.memref_slice %arg12[%dma_start3A_1013, %dma_start3A_1014] : memref<16x80xi32, #tpu.memory_space<vmem>> -> memref<1x80xi32, #tpu.memory_space<vmem>>
      %dma_start3A_1016 = tpu.memref_squeeze %dma_start3A_1015 : memref<1x80xi32, #tpu.memory_space<vmem>> -> memref<80xi32, #tpu.memory_space<vmem>>
      %dma_start3A_1017 = arith.constant 0 : i32
      %dma_start3A_1018 = arith.constant 0 : i32
      %dma_start3A_1019 = tpu.memref_slice %arg18[%dma_start3A_1017, %dma_start3A_1018] : memref<10240x8xf32, #tpu.memory_space<vmem_shared>> -> memref<10240x8xf32, #tpu.memory_space<vmem_shared>>
      tpu.enqueue_indirect_dma source(%arg16 : memref<80x8xf32, #tpu.memory_space<vmem>>) target(%dma_start3A_1019 : memref<10240x8xf32, #tpu.memory_space<vmem_shared>>) offsets(%dma_start3A_1016 : memref<80xi32, #tpu.memory_space<vmem>>) semaphore(%arg21 : memref<!tpu.dma_semaphore, #tpu.memory_space<semaphore_mem>>) {add = true}
      %dma_wait3A_1020 = arith.constant 8 : i32
      %dma_wait3A_1021 = arith.constant 0 : i32
      %dma_wait3A_1022 = tpu.memref_slice %arg11[%dma_wait3A_1020, %dma_wait3A_1021] : memref<16x80xi32, #tpu.memory_space<vmem>> -> memref<1x80xi32, #tpu.memory_space<vmem>>
      %dma_wait3A_1023 = tpu.memref_squeeze %dma_wait3A_1022 : memref<1x80xi32, #tpu.memory_space<vmem>> -> memref<80xi32, #tpu.memory_space<vmem>>
      %dma_wait3A_1024 = arith.constant 0 : i32
      %dma_wait3A_1025 = arith.constant 0 : i32
      %dma_wait3A_1026 = tpu.memref_slice %arg2[%dma_wait3A_1024, %dma_wait3A_1025] : memref<10000x128xf32, #tpu.memory_space<hbm>> -> memref<10000x128xf32, #tpu.memory_space<hbm>>
      tpu.wait_indirect_dma semaphore(%arg19 : memref<!tpu.dma_semaphore, #tpu.memory_space<semaphore_mem>>) src(%dma_wait3A_1026 : memref<10000x128xf32, #tpu.memory_space<hbm>>) dst(%arg14 : memref<80x128xf32, #tpu.memory_space<vmem>>)
      %dma_wait3A_1027 = arith.constant 7 : i32
      %dma_wait3A_1028 = arith.constant 0 : i32
      %dma_wait3A_1029 = tpu.memref_slice %arg12[%dma_wait3A_1027, %dma_wait3A_1028] : memref<16x80xi32, #tpu.memory_space<vmem>> -> memref<1x80xi32, #tpu.memory_space<vmem>>
      %dma_wait3A_1030 = tpu.memref_squeeze %dma_wait3A_1029 : memref<1x80xi32, #tpu.memory_space<vmem>> -> memref<80xi32, #tpu.memory_space<vmem>>
      %dma_wait3A_1031 = arith.constant 0 : i32
      %dma_wait3A_1032 = arith.constant 0 : i32
      %dma_wait3A_1033 = tpu.memref_slice %arg17[%dma_wait3A_1031, %dma_wait3A_1032] : memref<10240x128xf32, #tpu.memory_space<vmem_shared>> -> memref<10240x128xf32, #tpu.memory_space<vmem_shared>>
      tpu.wait_indirect_dma semaphore(%arg20 : memref<!tpu.dma_semaphore, #tpu.memory_space<semaphore_mem>>) src(%arg15 : memref<80x128xf32, #tpu.memory_space<vmem>>) dst(%dma_wait3A_1033 : memref<10240x128xf32, #tpu.memory_space<vmem_shared>>)
      %dma_start3A_1034 = arith.constant 9 : i32
      %dma_start3A_1035 = arith.constant 0 : i32
      %dma_start3A_1036 = tpu.memref_slice %arg11[%dma_start3A_1034, %dma_start3A_1035] : memref<16x80xi32, #tpu.memory_space<vmem>> -> memref<1x80xi32, #tpu.memory_space<vmem>>
      %dma_start3A_1037 = tpu.memref_squeeze %dma_start3A_1036 : memref<1x80xi32, #tpu.memory_space<vmem>> -> memref<80xi32, #tpu.memory_space<vmem>>
      %dma_start3A_1038 = arith.constant 0 : i32
      %dma_start3A_1039 = arith.constant 0 : i32
      %dma_start3A_1040 = tpu.memref_slice %arg2[%dma_start3A_1038, %dma_start3A_1039] : memref<10000x128xf32, #tpu.memory_space<hbm>> -> memref<10000x128xf32, #tpu.memory_space<hbm>>
      tpu.enqueue_indirect_dma source(%dma_start3A_1040 : memref<10000x128xf32, #tpu.memory_space<hbm>>) target(%arg15 : memref<80x128xf32, #tpu.memory_space<vmem>>) offsets(%dma_start3A_1037 : memref<80xi32, #tpu.memory_space<vmem>>) semaphore(%arg19 : memref<!tpu.dma_semaphore, #tpu.memory_space<semaphore_mem>>)
      %dma_wait3A_1041 = arith.constant 7 : i32
      %dma_wait3A_1042 = arith.constant 0 : i32
      %dma_wait3A_1043 = tpu.memref_slice %arg12[%dma_wait3A_1041, %dma_wait3A_1042] : memref<16x80xi32, #tpu.memory_space<vmem>> -> memref<1x80xi32, #tpu.memory_space<vmem>>
      %dma_wait3A_1044 = tpu.memref_squeeze %dma_wait3A_1043 : memref<1x80xi32, #tpu.memory_space<vmem>> -> memref<80xi32, #tpu.memory_space<vmem>>
      %dma_wait3A_1045 = arith.constant 0 : i32
      %dma_wait3A_1046 = arith.constant 0 : i32
      %dma_wait3A_1047 = tpu.memref_slice %arg18[%dma_wait3A_1045, %dma_wait3A_1046] : memref<10240x8xf32, #tpu.memory_space<vmem_shared>> -> memref<10240x8xf32, #tpu.memory_space<vmem_shared>>
      tpu.wait_indirect_dma semaphore(%arg21 : memref<!tpu.dma_semaphore, #tpu.memory_space<semaphore_mem>>) src(%arg16 : memref<80x8xf32, #tpu.memory_space<vmem>>) dst(%dma_wait3A_1047 : memref<10240x8xf32, #tpu.memory_space<vmem_shared>>)
      %dma_start3A_1048 = arith.constant 8 : i32
      %dma_start3A_1049 = arith.constant 0 : i32
      %dma_start3A_1050 = tpu.memref_slice %arg12[%dma_start3A_1048, %dma_start3A_1049] : memref<16x80xi32, #tpu.memory_space<vmem>> -> memref<1x80xi32, #tpu.memory_space<vmem>>
      %dma_start3A_1051 = tpu.memref_squeeze %dma_start3A_1050 : memref<1x80xi32, #tpu.memory_space<vmem>> -> memref<80xi32, #tpu.memory_space<vmem>>
      %dma_start3A_1052 = arith.constant 0 : i32
      %dma_start3A_1053 = arith.constant 0 : i32
      %dma_start3A_1054 = tpu.memref_slice %arg17[%dma_start3A_1052, %dma_start3A_1053] : memref<10240x128xf32, #tpu.memory_space<vmem_shared>> -> memref<10240x128xf32, #tpu.memory_space<vmem_shared>>
      tpu.enqueue_indirect_dma source(%arg14 : memref<80x128xf32, #tpu.memory_space<vmem>>) target(%dma_start3A_1054 : memref<10240x128xf32, #tpu.memory_space<vmem_shared>>) offsets(%dma_start3A_1051 : memref<80xi32, #tpu.memory_space<vmem>>) semaphore(%arg20 : memref<!tpu.dma_semaphore, #tpu.memory_space<semaphore_mem>>) {add = true}
      %dma_start3A_1055 = arith.constant 8 : i32
      %dma_start3A_1056 = arith.constant 0 : i32
      %dma_start3A_1057 = tpu.memref_slice %arg12[%dma_start3A_1055, %dma_start3A_1056] : memref<16x80xi32, #tpu.memory_space<vmem>> -> memref<1x80xi32, #tpu.memory_space<vmem>>
      %dma_start3A_1058 = tpu.memref_squeeze %dma_start3A_1057 : memref<1x80xi32, #tpu.memory_space<vmem>> -> memref<80xi32, #tpu.memory_space<vmem>>
      %dma_start3A_1059 = arith.constant 0 : i32
      %dma_start3A_1060 = arith.constant 0 : i32
      %dma_start3A_1061 = tpu.memref_slice %arg18[%dma_start3A_1059, %dma_start3A_1060] : memref<10240x8xf32, #tpu.memory_space<vmem_shared>> -> memref<10240x8xf32, #tpu.memory_space<vmem_shared>>
      tpu.enqueue_indirect_dma source(%arg16 : memref<80x8xf32, #tpu.memory_space<vmem>>) target(%dma_start3A_1061 : memref<10240x8xf32, #tpu.memory_space<vmem_shared>>) offsets(%dma_start3A_1058 : memref<80xi32, #tpu.memory_space<vmem>>) semaphore(%arg21 : memref<!tpu.dma_semaphore, #tpu.memory_space<semaphore_mem>>) {add = true}
      %dma_wait3A_1062 = arith.constant 9 : i32
      %dma_wait3A_1063 = arith.constant 0 : i32
      %dma_wait3A_1064 = tpu.memref_slice %arg11[%dma_wait3A_1062, %dma_wait3A_1063] : memref<16x80xi32, #tpu.memory_space<vmem>> -> memref<1x80xi32, #tpu.memory_space<vmem>>
      %dma_wait3A_1065 = tpu.memref_squeeze %dma_wait3A_1064 : memref<1x80xi32, #tpu.memory_space<vmem>> -> memref<80xi32, #tpu.memory_space<vmem>>
      %dma_wait3A_1066 = arith.constant 0 : i32
      %dma_wait3A_1067 = arith.constant 0 : i32
      %dma_wait3A_1068 = tpu.memref_slice %arg2[%dma_wait3A_1066, %dma_wait3A_1067] : memref<10000x128xf32, #tpu.memory_space<hbm>> -> memref<10000x128xf32, #tpu.memory_space<hbm>>
      tpu.wait_indirect_dma semaphore(%arg19 : memref<!tpu.dma_semaphore, #tpu.memory_space<semaphore_mem>>) src(%dma_wait3A_1068 : memref<10000x128xf32, #tpu.memory_space<hbm>>) dst(%arg15 : memref<80x128xf32, #tpu.memory_space<vmem>>)
      %dma_wait3A_1069 = arith.constant 8 : i32
      %dma_wait3A_1070 = arith.constant 0 : i32
      %dma_wait3A_1071 = tpu.memref_slice %arg12[%dma_wait3A_1069, %dma_wait3A_1070] : memref<16x80xi32, #tpu.memory_space<vmem>> -> memref<1x80xi32, #tpu.memory_space<vmem>>
      %dma_wait3A_1072 = tpu.memref_squeeze %dma_wait3A_1071 : memref<1x80xi32, #tpu.memory_space<vmem>> -> memref<80xi32, #tpu.memory_space<vmem>>
      %dma_wait3A_1073 = arith.constant 0 : i32
      %dma_wait3A_1074 = arith.constant 0 : i32
      %dma_wait3A_1075 = tpu.memref_slice %arg17[%dma_wait3A_1073, %dma_wait3A_1074] : memref<10240x128xf32, #tpu.memory_space<vmem_shared>> -> memref<10240x128xf32, #tpu.memory_space<vmem_shared>>
      tpu.wait_indirect_dma semaphore(%arg20 : memref<!tpu.dma_semaphore, #tpu.memory_space<semaphore_mem>>) src(%arg14 : memref<80x128xf32, #tpu.memory_space<vmem>>) dst(%dma_wait3A_1075 : memref<10240x128xf32, #tpu.memory_space<vmem_shared>>)
      %dma_start3A_1076 = arith.constant 10 : i32
      %dma_start3A_1077 = arith.constant 0 : i32
      %dma_start3A_1078 = tpu.memref_slice %arg11[%dma_start3A_1076, %dma_start3A_1077] : memref<16x80xi32, #tpu.memory_space<vmem>> -> memref<1x80xi32, #tpu.memory_space<vmem>>
      %dma_start3A_1079 = tpu.memref_squeeze %dma_start3A_1078 : memref<1x80xi32, #tpu.memory_space<vmem>> -> memref<80xi32, #tpu.memory_space<vmem>>
      %dma_start3A_1080 = arith.constant 0 : i32
      %dma_start3A_1081 = arith.constant 0 : i32
      %dma_start3A_1082 = tpu.memref_slice %arg2[%dma_start3A_1080, %dma_start3A_1081] : memref<10000x128xf32, #tpu.memory_space<hbm>> -> memref<10000x128xf32, #tpu.memory_space<hbm>>
      tpu.enqueue_indirect_dma source(%dma_start3A_1082 : memref<10000x128xf32, #tpu.memory_space<hbm>>) target(%arg14 : memref<80x128xf32, #tpu.memory_space<vmem>>) offsets(%dma_start3A_1079 : memref<80xi32, #tpu.memory_space<vmem>>) semaphore(%arg19 : memref<!tpu.dma_semaphore, #tpu.memory_space<semaphore_mem>>)
      %dma_wait3A_1083 = arith.constant 8 : i32
      %dma_wait3A_1084 = arith.constant 0 : i32
      %dma_wait3A_1085 = tpu.memref_slice %arg12[%dma_wait3A_1083, %dma_wait3A_1084] : memref<16x80xi32, #tpu.memory_space<vmem>> -> memref<1x80xi32, #tpu.memory_space<vmem>>
      %dma_wait3A_1086 = tpu.memref_squeeze %dma_wait3A_1085 : memref<1x80xi32, #tpu.memory_space<vmem>> -> memref<80xi32, #tpu.memory_space<vmem>>
      %dma_wait3A_1087 = arith.constant 0 : i32
      %dma_wait3A_1088 = arith.constant 0 : i32
      %dma_wait3A_1089 = tpu.memref_slice %arg18[%dma_wait3A_1087, %dma_wait3A_1088] : memref<10240x8xf32, #tpu.memory_space<vmem_shared>> -> memref<10240x8xf32, #tpu.memory_space<vmem_shared>>
      tpu.wait_indirect_dma semaphore(%arg21 : memref<!tpu.dma_semaphore, #tpu.memory_space<semaphore_mem>>) src(%arg16 : memref<80x8xf32, #tpu.memory_space<vmem>>) dst(%dma_wait3A_1089 : memref<10240x8xf32, #tpu.memory_space<vmem_shared>>)
      %dma_start3A_1090 = arith.constant 9 : i32
      %dma_start3A_1091 = arith.constant 0 : i32
      %dma_start3A_1092 = tpu.memref_slice %arg12[%dma_start3A_1090, %dma_start3A_1091] : memref<16x80xi32, #tpu.memory_space<vmem>> -> memref<1x80xi32, #tpu.memory_space<vmem>>
      %dma_start3A_1093 = tpu.memref_squeeze %dma_start3A_1092 : memref<1x80xi32, #tpu.memory_space<vmem>> -> memref<80xi32, #tpu.memory_space<vmem>>
      %dma_start3A_1094 = arith.constant 0 : i32
      %dma_start3A_1095 = arith.constant 0 : i32
      %dma_start3A_1096 = tpu.memref_slice %arg17[%dma_start3A_1094, %dma_start3A_1095] : memref<10240x128xf32, #tpu.memory_space<vmem_shared>> -> memref<10240x128xf32, #tpu.memory_space<vmem_shared>>
      tpu.enqueue_indirect_dma source(%arg15 : memref<80x128xf32, #tpu.memory_space<vmem>>) target(%dma_start3A_1096 : memref<10240x128xf32, #tpu.memory_space<vmem_shared>>) offsets(%dma_start3A_1093 : memref<80xi32, #tpu.memory_space<vmem>>) semaphore(%arg20 : memref<!tpu.dma_semaphore, #tpu.memory_space<semaphore_mem>>) {add = true}
      %dma_start3A_1097 = arith.constant 9 : i32
      %dma_start3A_1098 = arith.constant 0 : i32
      %dma_start3A_1099 = tpu.memref_slice %arg12[%dma_start3A_1097, %dma_start3A_1098] : memref<16x80xi32, #tpu.memory_space<vmem>> -> memref<1x80xi32, #tpu.memory_space<vmem>>
      %dma_start3A_1100 = tpu.memref_squeeze %dma_start3A_1099 : memref<1x80xi32, #tpu.memory_space<vmem>> -> memref<80xi32, #tpu.memory_space<vmem>>
      %dma_start3A_1101 = arith.constant 0 : i32
      %dma_start3A_1102 = arith.constant 0 : i32
      %dma_start3A_1103 = tpu.memref_slice %arg18[%dma_start3A_1101, %dma_start3A_1102] : memref<10240x8xf32, #tpu.memory_space<vmem_shared>> -> memref<10240x8xf32, #tpu.memory_space<vmem_shared>>
      tpu.enqueue_indirect_dma source(%arg16 : memref<80x8xf32, #tpu.memory_space<vmem>>) target(%dma_start3A_1103 : memref<10240x8xf32, #tpu.memory_space<vmem_shared>>) offsets(%dma_start3A_1100 : memref<80xi32, #tpu.memory_space<vmem>>) semaphore(%arg21 : memref<!tpu.dma_semaphore, #tpu.memory_space<semaphore_mem>>) {add = true}
      %dma_wait3A_1104 = arith.constant 10 : i32
      %dma_wait3A_1105 = arith.constant 0 : i32
      %dma_wait3A_1106 = tpu.memref_slice %arg11[%dma_wait3A_1104, %dma_wait3A_1105] : memref<16x80xi32, #tpu.memory_space<vmem>> -> memref<1x80xi32, #tpu.memory_space<vmem>>
      %dma_wait3A_1107 = tpu.memref_squeeze %dma_wait3A_1106 : memref<1x80xi32, #tpu.memory_space<vmem>> -> memref<80xi32, #tpu.memory_space<vmem>>
      %dma_wait3A_1108 = arith.constant 0 : i32
      %dma_wait3A_1109 = arith.constant 0 : i32
      %dma_wait3A_1110 = tpu.memref_slice %arg2[%dma_wait3A_1108, %dma_wait3A_1109] : memref<10000x128xf32, #tpu.memory_space<hbm>> -> memref<10000x128xf32, #tpu.memory_space<hbm>>
      tpu.wait_indirect_dma semaphore(%arg19 : memref<!tpu.dma_semaphore, #tpu.memory_space<semaphore_mem>>) src(%dma_wait3A_1110 : memref<10000x128xf32, #tpu.memory_space<hbm>>) dst(%arg14 : memref<80x128xf32, #tpu.memory_space<vmem>>)
      %dma_wait3A_1111 = arith.constant 9 : i32
      %dma_wait3A_1112 = arith.constant 0 : i32
      %dma_wait3A_1113 = tpu.memref_slice %arg12[%dma_wait3A_1111, %dma_wait3A_1112] : memref<16x80xi32, #tpu.memory_space<vmem>> -> memref<1x80xi32, #tpu.memory_space<vmem>>
      %dma_wait3A_1114 = tpu.memref_squeeze %dma_wait3A_1113 : memref<1x80xi32, #tpu.memory_space<vmem>> -> memref<80xi32, #tpu.memory_space<vmem>>
      %dma_wait3A_1115 = arith.constant 0 : i32
      %dma_wait3A_1116 = arith.constant 0 : i32
      %dma_wait3A_1117 = tpu.memref_slice %arg17[%dma_wait3A_1115, %dma_wait3A_1116] : memref<10240x128xf32, #tpu.memory_space<vmem_shared>> -> memref<10240x128xf32, #tpu.memory_space<vmem_shared>>
      tpu.wait_indirect_dma semaphore(%arg20 : memref<!tpu.dma_semaphore, #tpu.memory_space<semaphore_mem>>) src(%arg15 : memref<80x128xf32, #tpu.memory_space<vmem>>) dst(%dma_wait3A_1117 : memref<10240x128xf32, #tpu.memory_space<vmem_shared>>)
      %dma_start3A_1118 = arith.constant 11 : i32
      %dma_start3A_1119 = arith.constant 0 : i32
      %dma_start3A_1120 = tpu.memref_slice %arg11[%dma_start3A_1118, %dma_start3A_1119] : memref<16x80xi32, #tpu.memory_space<vmem>> -> memref<1x80xi32, #tpu.memory_space<vmem>>
      %dma_start3A_1121 = tpu.memref_squeeze %dma_start3A_1120 : memref<1x80xi32, #tpu.memory_space<vmem>> -> memref<80xi32, #tpu.memory_space<vmem>>
      %dma_start3A_1122 = arith.constant 0 : i32
      %dma_start3A_1123 = arith.constant 0 : i32
      %dma_start3A_1124 = tpu.memref_slice %arg2[%dma_start3A_1122, %dma_start3A_1123] : memref<10000x128xf32, #tpu.memory_space<hbm>> -> memref<10000x128xf32, #tpu.memory_space<hbm>>
      tpu.enqueue_indirect_dma source(%dma_start3A_1124 : memref<10000x128xf32, #tpu.memory_space<hbm>>) target(%arg15 : memref<80x128xf32, #tpu.memory_space<vmem>>) offsets(%dma_start3A_1121 : memref<80xi32, #tpu.memory_space<vmem>>) semaphore(%arg19 : memref<!tpu.dma_semaphore, #tpu.memory_space<semaphore_mem>>)
      %dma_wait3A_1125 = arith.constant 9 : i32
      %dma_wait3A_1126 = arith.constant 0 : i32
      %dma_wait3A_1127 = tpu.memref_slice %arg12[%dma_wait3A_1125, %dma_wait3A_1126] : memref<16x80xi32, #tpu.memory_space<vmem>> -> memref<1x80xi32, #tpu.memory_space<vmem>>
      %dma_wait3A_1128 = tpu.memref_squeeze %dma_wait3A_1127 : memref<1x80xi32, #tpu.memory_space<vmem>> -> memref<80xi32, #tpu.memory_space<vmem>>
      %dma_wait3A_1129 = arith.constant 0 : i32
      %dma_wait3A_1130 = arith.constant 0 : i32
      %dma_wait3A_1131 = tpu.memref_slice %arg18[%dma_wait3A_1129, %dma_wait3A_1130] : memref<10240x8xf32, #tpu.memory_space<vmem_shared>> -> memref<10240x8xf32, #tpu.memory_space<vmem_shared>>
      tpu.wait_indirect_dma semaphore(%arg21 : memref<!tpu.dma_semaphore, #tpu.memory_space<semaphore_mem>>) src(%arg16 : memref<80x8xf32, #tpu.memory_space<vmem>>) dst(%dma_wait3A_1131 : memref<10240x8xf32, #tpu.memory_space<vmem_shared>>)
      %dma_start3A_1132 = arith.constant 10 : i32
      %dma_start3A_1133 = arith.constant 0 : i32
      %dma_start3A_1134 = tpu.memref_slice %arg12[%dma_start3A_1132, %dma_start3A_1133] : memref<16x80xi32, #tpu.memory_space<vmem>> -> memref<1x80xi32, #tpu.memory_space<vmem>>
      %dma_start3A_1135 = tpu.memref_squeeze %dma_start3A_1134 : memref<1x80xi32, #tpu.memory_space<vmem>> -> memref<80xi32, #tpu.memory_space<vmem>>
      %dma_start3A_1136 = arith.constant 0 : i32
      %dma_start3A_1137 = arith.constant 0 : i32
      %dma_start3A_1138 = tpu.memref_slice %arg17[%dma_start3A_1136, %dma_start3A_1137] : memref<10240x128xf32, #tpu.memory_space<vmem_shared>> -> memref<10240x128xf32, #tpu.memory_space<vmem_shared>>
      tpu.enqueue_indirect_dma source(%arg14 : memref<80x128xf32, #tpu.memory_space<vmem>>) target(%dma_start3A_1138 : memref<10240x128xf32, #tpu.memory_space<vmem_shared>>) offsets(%dma_start3A_1135 : memref<80xi32, #tpu.memory_space<vmem>>) semaphore(%arg20 : memref<!tpu.dma_semaphore, #tpu.memory_space<semaphore_mem>>) {add = true}
      %dma_start3A_1139 = arith.constant 10 : i32
      %dma_start3A_1140 = arith.constant 0 : i32
      %dma_start3A_1141 = tpu.memref_slice %arg12[%dma_start3A_1139, %dma_start3A_1140] : memref<16x80xi32, #tpu.memory_space<vmem>> -> memref<1x80xi32, #tpu.memory_space<vmem>>
      %dma_start3A_1142 = tpu.memref_squeeze %dma_start3A_1141 : memref<1x80xi32, #tpu.memory_space<vmem>> -> memref<80xi32, #tpu.memory_space<vmem>>
      %dma_start3A_1143 = arith.constant 0 : i32
      %dma_start3A_1144 = arith.constant 0 : i32
      %dma_start3A_1145 = tpu.memref_slice %arg18[%dma_start3A_1143, %dma_start3A_1144] : memref<10240x8xf32, #tpu.memory_space<vmem_shared>> -> memref<10240x8xf32, #tpu.memory_space<vmem_shared>>
      tpu.enqueue_indirect_dma source(%arg16 : memref<80x8xf32, #tpu.memory_space<vmem>>) target(%dma_start3A_1145 : memref<10240x8xf32, #tpu.memory_space<vmem_shared>>) offsets(%dma_start3A_1142 : memref<80xi32, #tpu.memory_space<vmem>>) semaphore(%arg21 : memref<!tpu.dma_semaphore, #tpu.memory_space<semaphore_mem>>) {add = true}
      %dma_wait3A_1146 = arith.constant 11 : i32
      %dma_wait3A_1147 = arith.constant 0 : i32
      %dma_wait3A_1148 = tpu.memref_slice %arg11[%dma_wait3A_1146, %dma_wait3A_1147] : memref<16x80xi32, #tpu.memory_space<vmem>> -> memref<1x80xi32, #tpu.memory_space<vmem>>
      %dma_wait3A_1149 = tpu.memref_squeeze %dma_wait3A_1148 : memref<1x80xi32, #tpu.memory_space<vmem>> -> memref<80xi32, #tpu.memory_space<vmem>>
      %dma_wait3A_1150 = arith.constant 0 : i32
      %dma_wait3A_1151 = arith.constant 0 : i32
      %dma_wait3A_1152 = tpu.memref_slice %arg2[%dma_wait3A_1150, %dma_wait3A_1151] : memref<10000x128xf32, #tpu.memory_space<hbm>> -> memref<10000x128xf32, #tpu.memory_space<hbm>>
      tpu.wait_indirect_dma semaphore(%arg19 : memref<!tpu.dma_semaphore, #tpu.memory_space<semaphore_mem>>) src(%dma_wait3A_1152 : memref<10000x128xf32, #tpu.memory_space<hbm>>) dst(%arg15 : memref<80x128xf32, #tpu.memory_space<vmem>>)
      %dma_wait3A_1153 = arith.constant 10 : i32
      %dma_wait3A_1154 = arith.constant 0 : i32
      %dma_wait3A_1155 = tpu.memref_slice %arg12[%dma_wait3A_1153, %dma_wait3A_1154] : memref<16x80xi32, #tpu.memory_space<vmem>> -> memref<1x80xi32, #tpu.memory_space<vmem>>
      %dma_wait3A_1156 = tpu.memref_squeeze %dma_wait3A_1155 : memref<1x80xi32, #tpu.memory_space<vmem>> -> memref<80xi32, #tpu.memory_space<vmem>>
      %dma_wait3A_1157 = arith.constant 0 : i32
      %dma_wait3A_1158 = arith.constant 0 : i32
      %dma_wait3A_1159 = tpu.memref_slice %arg17[%dma_wait3A_1157, %dma_wait3A_1158] : memref<10240x128xf32, #tpu.memory_space<vmem_shared>> -> memref<10240x128xf32, #tpu.memory_space<vmem_shared>>
      tpu.wait_indirect_dma semaphore(%arg20 : memref<!tpu.dma_semaphore, #tpu.memory_space<semaphore_mem>>) src(%arg14 : memref<80x128xf32, #tpu.memory_space<vmem>>) dst(%dma_wait3A_1159 : memref<10240x128xf32, #tpu.memory_space<vmem_shared>>)
      %dma_start3A_1160 = arith.constant 12 : i32
      %dma_start3A_1161 = arith.constant 0 : i32
      %dma_start3A_1162 = tpu.memref_slice %arg11[%dma_start3A_1160, %dma_start3A_1161] : memref<16x80xi32, #tpu.memory_space<vmem>> -> memref<1x80xi32, #tpu.memory_space<vmem>>
      %dma_start3A_1163 = tpu.memref_squeeze %dma_start3A_1162 : memref<1x80xi32, #tpu.memory_space<vmem>> -> memref<80xi32, #tpu.memory_space<vmem>>
      %dma_start3A_1164 = arith.constant 0 : i32
      %dma_start3A_1165 = arith.constant 0 : i32
      %dma_start3A_1166 = tpu.memref_slice %arg2[%dma_start3A_1164, %dma_start3A_1165] : memref<10000x128xf32, #tpu.memory_space<hbm>> -> memref<10000x128xf32, #tpu.memory_space<hbm>>
      tpu.enqueue_indirect_dma source(%dma_start3A_1166 : memref<10000x128xf32, #tpu.memory_space<hbm>>) target(%arg14 : memref<80x128xf32, #tpu.memory_space<vmem>>) offsets(%dma_start3A_1163 : memref<80xi32, #tpu.memory_space<vmem>>) semaphore(%arg19 : memref<!tpu.dma_semaphore, #tpu.memory_space<semaphore_mem>>)
      %dma_wait3A_1167 = arith.constant 10 : i32
      %dma_wait3A_1168 = arith.constant 0 : i32
      %dma_wait3A_1169 = tpu.memref_slice %arg12[%dma_wait3A_1167, %dma_wait3A_1168] : memref<16x80xi32, #tpu.memory_space<vmem>> -> memref<1x80xi32, #tpu.memory_space<vmem>>
      %dma_wait3A_1170 = tpu.memref_squeeze %dma_wait3A_1169 : memref<1x80xi32, #tpu.memory_space<vmem>> -> memref<80xi32, #tpu.memory_space<vmem>>
      %dma_wait3A_1171 = arith.constant 0 : i32
      %dma_wait3A_1172 = arith.constant 0 : i32
      %dma_wait3A_1173 = tpu.memref_slice %arg18[%dma_wait3A_1171, %dma_wait3A_1172] : memref<10240x8xf32, #tpu.memory_space<vmem_shared>> -> memref<10240x8xf32, #tpu.memory_space<vmem_shared>>
      tpu.wait_indirect_dma semaphore(%arg21 : memref<!tpu.dma_semaphore, #tpu.memory_space<semaphore_mem>>) src(%arg16 : memref<80x8xf32, #tpu.memory_space<vmem>>) dst(%dma_wait3A_1173 : memref<10240x8xf32, #tpu.memory_space<vmem_shared>>)
      %dma_start3A_1174 = arith.constant 11 : i32
      %dma_start3A_1175 = arith.constant 0 : i32
      %dma_start3A_1176 = tpu.memref_slice %arg12[%dma_start3A_1174, %dma_start3A_1175] : memref<16x80xi32, #tpu.memory_space<vmem>> -> memref<1x80xi32, #tpu.memory_space<vmem>>
      %dma_start3A_1177 = tpu.memref_squeeze %dma_start3A_1176 : memref<1x80xi32, #tpu.memory_space<vmem>> -> memref<80xi32, #tpu.memory_space<vmem>>
      %dma_start3A_1178 = arith.constant 0 : i32
      %dma_start3A_1179 = arith.constant 0 : i32
      %dma_start3A_1180 = tpu.memref_slice %arg17[%dma_start3A_1178, %dma_start3A_1179] : memref<10240x128xf32, #tpu.memory_space<vmem_shared>> -> memref<10240x128xf32, #tpu.memory_space<vmem_shared>>
      tpu.enqueue_indirect_dma source(%arg15 : memref<80x128xf32, #tpu.memory_space<vmem>>) target(%dma_start3A_1180 : memref<10240x128xf32, #tpu.memory_space<vmem_shared>>) offsets(%dma_start3A_1177 : memref<80xi32, #tpu.memory_space<vmem>>) semaphore(%arg20 : memref<!tpu.dma_semaphore, #tpu.memory_space<semaphore_mem>>) {add = true}
      %dma_start3A_1181 = arith.constant 11 : i32
      %dma_start3A_1182 = arith.constant 0 : i32
      %dma_start3A_1183 = tpu.memref_slice %arg12[%dma_start3A_1181, %dma_start3A_1182] : memref<16x80xi32, #tpu.memory_space<vmem>> -> memref<1x80xi32, #tpu.memory_space<vmem>>
      %dma_start3A_1184 = tpu.memref_squeeze %dma_start3A_1183 : memref<1x80xi32, #tpu.memory_space<vmem>> -> memref<80xi32, #tpu.memory_space<vmem>>
      %dma_start3A_1185 = arith.constant 0 : i32
      %dma_start3A_1186 = arith.constant 0 : i32
      %dma_start3A_1187 = tpu.memref_slice %arg18[%dma_start3A_1185, %dma_start3A_1186] : memref<10240x8xf32, #tpu.memory_space<vmem_shared>> -> memref<10240x8xf32, #tpu.memory_space<vmem_shared>>
      tpu.enqueue_indirect_dma source(%arg16 : memref<80x8xf32, #tpu.memory_space<vmem>>) target(%dma_start3A_1187 : memref<10240x8xf32, #tpu.memory_space<vmem_shared>>) offsets(%dma_start3A_1184 : memref<80xi32, #tpu.memory_space<vmem>>) semaphore(%arg21 : memref<!tpu.dma_semaphore, #tpu.memory_space<semaphore_mem>>) {add = true}
      %dma_wait3A_1188 = arith.constant 12 : i32
      %dma_wait3A_1189 = arith.constant 0 : i32
      %dma_wait3A_1190 = tpu.memref_slice %arg11[%dma_wait3A_1188, %dma_wait3A_1189] : memref<16x80xi32, #tpu.memory_space<vmem>> -> memref<1x80xi32, #tpu.memory_space<vmem>>
      %dma_wait3A_1191 = tpu.memref_squeeze %dma_wait3A_1190 : memref<1x80xi32, #tpu.memory_space<vmem>> -> memref<80xi32, #tpu.memory_space<vmem>>
      %dma_wait3A_1192 = arith.constant 0 : i32
      %dma_wait3A_1193 = arith.constant 0 : i32
      %dma_wait3A_1194 = tpu.memref_slice %arg2[%dma_wait3A_1192, %dma_wait3A_1193] : memref<10000x128xf32, #tpu.memory_space<hbm>> -> memref<10000x128xf32, #tpu.memory_space<hbm>>
      tpu.wait_indirect_dma semaphore(%arg19 : memref<!tpu.dma_semaphore, #tpu.memory_space<semaphore_mem>>) src(%dma_wait3A_1194 : memref<10000x128xf32, #tpu.memory_space<hbm>>) dst(%arg14 : memref<80x128xf32, #tpu.memory_space<vmem>>)
      %dma_wait3A_1195 = arith.constant 11 : i32
      %dma_wait3A_1196 = arith.constant 0 : i32
      %dma_wait3A_1197 = tpu.memref_slice %arg12[%dma_wait3A_1195, %dma_wait3A_1196] : memref<16x80xi32, #tpu.memory_space<vmem>> -> memref<1x80xi32, #tpu.memory_space<vmem>>
      %dma_wait3A_1198 = tpu.memref_squeeze %dma_wait3A_1197 : memref<1x80xi32, #tpu.memory_space<vmem>> -> memref<80xi32, #tpu.memory_space<vmem>>
      %dma_wait3A_1199 = arith.constant 0 : i32
      %dma_wait3A_1200 = arith.constant 0 : i32
      %dma_wait3A_1201 = tpu.memref_slice %arg17[%dma_wait3A_1199, %dma_wait3A_1200] : memref<10240x128xf32, #tpu.memory_space<vmem_shared>> -> memref<10240x128xf32, #tpu.memory_space<vmem_shared>>
      tpu.wait_indirect_dma semaphore(%arg20 : memref<!tpu.dma_semaphore, #tpu.memory_space<semaphore_mem>>) src(%arg15 : memref<80x128xf32, #tpu.memory_space<vmem>>) dst(%dma_wait3A_1201 : memref<10240x128xf32, #tpu.memory_space<vmem_shared>>)
      %dma_start3A_1202 = arith.constant 13 : i32
      %dma_start3A_1203 = arith.constant 0 : i32
      %dma_start3A_1204 = tpu.memref_slice %arg11[%dma_start3A_1202, %dma_start3A_1203] : memref<16x80xi32, #tpu.memory_space<vmem>> -> memref<1x80xi32, #tpu.memory_space<vmem>>
      %dma_start3A_1205 = tpu.memref_squeeze %dma_start3A_1204 : memref<1x80xi32, #tpu.memory_space<vmem>> -> memref<80xi32, #tpu.memory_space<vmem>>
      %dma_start3A_1206 = arith.constant 0 : i32
      %dma_start3A_1207 = arith.constant 0 : i32
      %dma_start3A_1208 = tpu.memref_slice %arg2[%dma_start3A_1206, %dma_start3A_1207] : memref<10000x128xf32, #tpu.memory_space<hbm>> -> memref<10000x128xf32, #tpu.memory_space<hbm>>
      tpu.enqueue_indirect_dma source(%dma_start3A_1208 : memref<10000x128xf32, #tpu.memory_space<hbm>>) target(%arg15 : memref<80x128xf32, #tpu.memory_space<vmem>>) offsets(%dma_start3A_1205 : memref<80xi32, #tpu.memory_space<vmem>>) semaphore(%arg19 : memref<!tpu.dma_semaphore, #tpu.memory_space<semaphore_mem>>)
      %dma_wait3A_1209 = arith.constant 11 : i32
      %dma_wait3A_1210 = arith.constant 0 : i32
      %dma_wait3A_1211 = tpu.memref_slice %arg12[%dma_wait3A_1209, %dma_wait3A_1210] : memref<16x80xi32, #tpu.memory_space<vmem>> -> memref<1x80xi32, #tpu.memory_space<vmem>>
      %dma_wait3A_1212 = tpu.memref_squeeze %dma_wait3A_1211 : memref<1x80xi32, #tpu.memory_space<vmem>> -> memref<80xi32, #tpu.memory_space<vmem>>
      %dma_wait3A_1213 = arith.constant 0 : i32
      %dma_wait3A_1214 = arith.constant 0 : i32
      %dma_wait3A_1215 = tpu.memref_slice %arg18[%dma_wait3A_1213, %dma_wait3A_1214] : memref<10240x8xf32, #tpu.memory_space<vmem_shared>> -> memref<10240x8xf32, #tpu.memory_space<vmem_shared>>
      tpu.wait_indirect_dma semaphore(%arg21 : memref<!tpu.dma_semaphore, #tpu.memory_space<semaphore_mem>>) src(%arg16 : memref<80x8xf32, #tpu.memory_space<vmem>>) dst(%dma_wait3A_1215 : memref<10240x8xf32, #tpu.memory_space<vmem_shared>>)
      %dma_start3A_1216 = arith.constant 12 : i32
      %dma_start3A_1217 = arith.constant 0 : i32
      %dma_start3A_1218 = tpu.memref_slice %arg12[%dma_start3A_1216, %dma_start3A_1217] : memref<16x80xi32, #tpu.memory_space<vmem>> -> memref<1x80xi32, #tpu.memory_space<vmem>>
      %dma_start3A_1219 = tpu.memref_squeeze %dma_start3A_1218 : memref<1x80xi32, #tpu.memory_space<vmem>> -> memref<80xi32, #tpu.memory_space<vmem>>
      %dma_start3A_1220 = arith.constant 0 : i32
      %dma_start3A_1221 = arith.constant 0 : i32
      %dma_start3A_1222 = tpu.memref_slice %arg17[%dma_start3A_1220, %dma_start3A_1221] : memref<10240x128xf32, #tpu.memory_space<vmem_shared>> -> memref<10240x128xf32, #tpu.memory_space<vmem_shared>>
      tpu.enqueue_indirect_dma source(%arg14 : memref<80x128xf32, #tpu.memory_space<vmem>>) target(%dma_start3A_1222 : memref<10240x128xf32, #tpu.memory_space<vmem_shared>>) offsets(%dma_start3A_1219 : memref<80xi32, #tpu.memory_space<vmem>>) semaphore(%arg20 : memref<!tpu.dma_semaphore, #tpu.memory_space<semaphore_mem>>) {add = true}
      %dma_start3A_1223 = arith.constant 12 : i32
      %dma_start3A_1224 = arith.constant 0 : i32
      %dma_start3A_1225 = tpu.memref_slice %arg12[%dma_start3A_1223, %dma_start3A_1224] : memref<16x80xi32, #tpu.memory_space<vmem>> -> memref<1x80xi32, #tpu.memory_space<vmem>>
      %dma_start3A_1226 = tpu.memref_squeeze %dma_start3A_1225 : memref<1x80xi32, #tpu.memory_space<vmem>> -> memref<80xi32, #tpu.memory_space<vmem>>
      %dma_start3A_1227 = arith.constant 0 : i32
      %dma_start3A_1228 = arith.constant 0 : i32
      %dma_start3A_1229 = tpu.memref_slice %arg18[%dma_start3A_1227, %dma_start3A_1228] : memref<10240x8xf32, #tpu.memory_space<vmem_shared>> -> memref<10240x8xf32, #tpu.memory_space<vmem_shared>>
      tpu.enqueue_indirect_dma source(%arg16 : memref<80x8xf32, #tpu.memory_space<vmem>>) target(%dma_start3A_1229 : memref<10240x8xf32, #tpu.memory_space<vmem_shared>>) offsets(%dma_start3A_1226 : memref<80xi32, #tpu.memory_space<vmem>>) semaphore(%arg21 : memref<!tpu.dma_semaphore, #tpu.memory_space<semaphore_mem>>) {add = true}
      %dma_wait3A_1230 = arith.constant 13 : i32
      %dma_wait3A_1231 = arith.constant 0 : i32
      %dma_wait3A_1232 = tpu.memref_slice %arg11[%dma_wait3A_1230, %dma_wait3A_1231] : memref<16x80xi32, #tpu.memory_space<vmem>> -> memref<1x80xi32, #tpu.memory_space<vmem>>
      %dma_wait3A_1233 = tpu.memref_squeeze %dma_wait3A_1232 : memref<1x80xi32, #tpu.memory_space<vmem>> -> memref<80xi32, #tpu.memory_space<vmem>>
      %dma_wait3A_1234 = arith.constant 0 : i32
      %dma_wait3A_1235 = arith.constant 0 : i32
      %dma_wait3A_1236 = tpu.memref_slice %arg2[%dma_wait3A_1234, %dma_wait3A_1235] : memref<10000x128xf32, #tpu.memory_space<hbm>> -> memref<10000x128xf32, #tpu.memory_space<hbm>>
      tpu.wait_indirect_dma semaphore(%arg19 : memref<!tpu.dma_semaphore, #tpu.memory_space<semaphore_mem>>) src(%dma_wait3A_1236 : memref<10000x128xf32, #tpu.memory_space<hbm>>) dst(%arg15 : memref<80x128xf32, #tpu.memory_space<vmem>>)
      %dma_wait3A_1237 = arith.constant 12 : i32
      %dma_wait3A_1238 = arith.constant 0 : i32
      %dma_wait3A_1239 = tpu.memref_slice %arg12[%dma_wait3A_1237, %dma_wait3A_1238] : memref<16x80xi32, #tpu.memory_space<vmem>> -> memref<1x80xi32, #tpu.memory_space<vmem>>
      %dma_wait3A_1240 = tpu.memref_squeeze %dma_wait3A_1239 : memref<1x80xi32, #tpu.memory_space<vmem>> -> memref<80xi32, #tpu.memory_space<vmem>>
      %dma_wait3A_1241 = arith.constant 0 : i32
      %dma_wait3A_1242 = arith.constant 0 : i32
      %dma_wait3A_1243 = tpu.memref_slice %arg17[%dma_wait3A_1241, %dma_wait3A_1242] : memref<10240x128xf32, #tpu.memory_space<vmem_shared>> -> memref<10240x128xf32, #tpu.memory_space<vmem_shared>>
      tpu.wait_indirect_dma semaphore(%arg20 : memref<!tpu.dma_semaphore, #tpu.memory_space<semaphore_mem>>) src(%arg14 : memref<80x128xf32, #tpu.memory_space<vmem>>) dst(%dma_wait3A_1243 : memref<10240x128xf32, #tpu.memory_space<vmem_shared>>)
      %dma_start3A_1244 = arith.constant 14 : i32
      %dma_start3A_1245 = arith.constant 0 : i32
      %dma_start3A_1246 = tpu.memref_slice %arg11[%dma_start3A_1244, %dma_start3A_1245] : memref<16x80xi32, #tpu.memory_space<vmem>> -> memref<1x80xi32, #tpu.memory_space<vmem>>
      %dma_start3A_1247 = tpu.memref_squeeze %dma_start3A_1246 : memref<1x80xi32, #tpu.memory_space<vmem>> -> memref<80xi32, #tpu.memory_space<vmem>>
      %dma_start3A_1248 = arith.constant 0 : i32
      %dma_start3A_1249 = arith.constant 0 : i32
      %dma_start3A_1250 = tpu.memref_slice %arg2[%dma_start3A_1248, %dma_start3A_1249] : memref<10000x128xf32, #tpu.memory_space<hbm>> -> memref<10000x128xf32, #tpu.memory_space<hbm>>
      tpu.enqueue_indirect_dma source(%dma_start3A_1250 : memref<10000x128xf32, #tpu.memory_space<hbm>>) target(%arg14 : memref<80x128xf32, #tpu.memory_space<vmem>>) offsets(%dma_start3A_1247 : memref<80xi32, #tpu.memory_space<vmem>>) semaphore(%arg19 : memref<!tpu.dma_semaphore, #tpu.memory_space<semaphore_mem>>)
      %dma_wait3A_1251 = arith.constant 12 : i32
      %dma_wait3A_1252 = arith.constant 0 : i32
      %dma_wait3A_1253 = tpu.memref_slice %arg12[%dma_wait3A_1251, %dma_wait3A_1252] : memref<16x80xi32, #tpu.memory_space<vmem>> -> memref<1x80xi32, #tpu.memory_space<vmem>>
      %dma_wait3A_1254 = tpu.memref_squeeze %dma_wait3A_1253 : memref<1x80xi32, #tpu.memory_space<vmem>> -> memref<80xi32, #tpu.memory_space<vmem>>
      %dma_wait3A_1255 = arith.constant 0 : i32
      %dma_wait3A_1256 = arith.constant 0 : i32
      %dma_wait3A_1257 = tpu.memref_slice %arg18[%dma_wait3A_1255, %dma_wait3A_1256] : memref<10240x8xf32, #tpu.memory_space<vmem_shared>> -> memref<10240x8xf32, #tpu.memory_space<vmem_shared>>
      tpu.wait_indirect_dma semaphore(%arg21 : memref<!tpu.dma_semaphore, #tpu.memory_space<semaphore_mem>>) src(%arg16 : memref<80x8xf32, #tpu.memory_space<vmem>>) dst(%dma_wait3A_1257 : memref<10240x8xf32, #tpu.memory_space<vmem_shared>>)
      %dma_start3A_1258 = arith.constant 13 : i32
      %dma_start3A_1259 = arith.constant 0 : i32
      %dma_start3A_1260 = tpu.memref_slice %arg12[%dma_start3A_1258, %dma_start3A_1259] : memref<16x80xi32, #tpu.memory_space<vmem>> -> memref<1x80xi32, #tpu.memory_space<vmem>>
      %dma_start3A_1261 = tpu.memref_squeeze %dma_start3A_1260 : memref<1x80xi32, #tpu.memory_space<vmem>> -> memref<80xi32, #tpu.memory_space<vmem>>
      %dma_start3A_1262 = arith.constant 0 : i32
      %dma_start3A_1263 = arith.constant 0 : i32
      %dma_start3A_1264 = tpu.memref_slice %arg17[%dma_start3A_1262, %dma_start3A_1263] : memref<10240x128xf32, #tpu.memory_space<vmem_shared>> -> memref<10240x128xf32, #tpu.memory_space<vmem_shared>>
      tpu.enqueue_indirect_dma source(%arg15 : memref<80x128xf32, #tpu.memory_space<vmem>>) target(%dma_start3A_1264 : memref<10240x128xf32, #tpu.memory_space<vmem_shared>>) offsets(%dma_start3A_1261 : memref<80xi32, #tpu.memory_space<vmem>>) semaphore(%arg20 : memref<!tpu.dma_semaphore, #tpu.memory_space<semaphore_mem>>) {add = true}
      %dma_start3A_1265 = arith.constant 13 : i32
      %dma_start3A_1266 = arith.constant 0 : i32
      %dma_start3A_1267 = tpu.memref_slice %arg12[%dma_start3A_1265, %dma_start3A_1266] : memref<16x80xi32, #tpu.memory_space<vmem>> -> memref<1x80xi32, #tpu.memory_space<vmem>>
      %dma_start3A_1268 = tpu.memref_squeeze %dma_start3A_1267 : memref<1x80xi32, #tpu.memory_space<vmem>> -> memref<80xi32, #tpu.memory_space<vmem>>
      %dma_start3A_1269 = arith.constant 0 : i32
      %dma_start3A_1270 = arith.constant 0 : i32
      %dma_start3A_1271 = tpu.memref_slice %arg18[%dma_start3A_1269, %dma_start3A_1270] : memref<10240x8xf32, #tpu.memory_space<vmem_shared>> -> memref<10240x8xf32, #tpu.memory_space<vmem_shared>>
      tpu.enqueue_indirect_dma source(%arg16 : memref<80x8xf32, #tpu.memory_space<vmem>>) target(%dma_start3A_1271 : memref<10240x8xf32, #tpu.memory_space<vmem_shared>>) offsets(%dma_start3A_1268 : memref<80xi32, #tpu.memory_space<vmem>>) semaphore(%arg21 : memref<!tpu.dma_semaphore, #tpu.memory_space<semaphore_mem>>) {add = true}
      %dma_wait3A_1272 = arith.constant 14 : i32
      %dma_wait3A_1273 = arith.constant 0 : i32
      %dma_wait3A_1274 = tpu.memref_slice %arg11[%dma_wait3A_1272, %dma_wait3A_1273] : memref<16x80xi32, #tpu.memory_space<vmem>> -> memref<1x80xi32, #tpu.memory_space<vmem>>
      %dma_wait3A_1275 = tpu.memref_squeeze %dma_wait3A_1274 : memref<1x80xi32, #tpu.memory_space<vmem>> -> memref<80xi32, #tpu.memory_space<vmem>>
      %dma_wait3A_1276 = arith.constant 0 : i32
      %dma_wait3A_1277 = arith.constant 0 : i32
      %dma_wait3A_1278 = tpu.memref_slice %arg2[%dma_wait3A_1276, %dma_wait3A_1277] : memref<10000x128xf32, #tpu.memory_space<hbm>> -> memref<10000x128xf32, #tpu.memory_space<hbm>>
      tpu.wait_indirect_dma semaphore(%arg19 : memref<!tpu.dma_semaphore, #tpu.memory_space<semaphore_mem>>) src(%dma_wait3A_1278 : memref<10000x128xf32, #tpu.memory_space<hbm>>) dst(%arg14 : memref<80x128xf32, #tpu.memory_space<vmem>>)
      %dma_wait3A_1279 = arith.constant 13 : i32
      %dma_wait3A_1280 = arith.constant 0 : i32
      %dma_wait3A_1281 = tpu.memref_slice %arg12[%dma_wait3A_1279, %dma_wait3A_1280] : memref<16x80xi32, #tpu.memory_space<vmem>> -> memref<1x80xi32, #tpu.memory_space<vmem>>
      %dma_wait3A_1282 = tpu.memref_squeeze %dma_wait3A_1281 : memref<1x80xi32, #tpu.memory_space<vmem>> -> memref<80xi32, #tpu.memory_space<vmem>>
      %dma_wait3A_1283 = arith.constant 0 : i32
      %dma_wait3A_1284 = arith.constant 0 : i32
      %dma_wait3A_1285 = tpu.memref_slice %arg17[%dma_wait3A_1283, %dma_wait3A_1284] : memref<10240x128xf32, #tpu.memory_space<vmem_shared>> -> memref<10240x128xf32, #tpu.memory_space<vmem_shared>>
      tpu.wait_indirect_dma semaphore(%arg20 : memref<!tpu.dma_semaphore, #tpu.memory_space<semaphore_mem>>) src(%arg15 : memref<80x128xf32, #tpu.memory_space<vmem>>) dst(%dma_wait3A_1285 : memref<10240x128xf32, #tpu.memory_space<vmem_shared>>)
      %dma_start3A_1286 = arith.constant 15 : i32
      %dma_start3A_1287 = arith.constant 0 : i32
      %dma_start3A_1288 = tpu.memref_slice %arg11[%dma_start3A_1286, %dma_start3A_1287] : memref<16x80xi32, #tpu.memory_space<vmem>> -> memref<1x80xi32, #tpu.memory_space<vmem>>
      %dma_start3A_1289 = tpu.memref_squeeze %dma_start3A_1288 : memref<1x80xi32, #tpu.memory_space<vmem>> -> memref<80xi32, #tpu.memory_space<vmem>>
      %dma_start3A_1290 = arith.constant 0 : i32
      %dma_start3A_1291 = arith.constant 0 : i32
      %dma_start3A_1292 = tpu.memref_slice %arg2[%dma_start3A_1290, %dma_start3A_1291] : memref<10000x128xf32, #tpu.memory_space<hbm>> -> memref<10000x128xf32, #tpu.memory_space<hbm>>
      tpu.enqueue_indirect_dma source(%dma_start3A_1292 : memref<10000x128xf32, #tpu.memory_space<hbm>>) target(%arg15 : memref<80x128xf32, #tpu.memory_space<vmem>>) offsets(%dma_start3A_1289 : memref<80xi32, #tpu.memory_space<vmem>>) semaphore(%arg19 : memref<!tpu.dma_semaphore, #tpu.memory_space<semaphore_mem>>)
      %dma_wait3A_1293 = arith.constant 13 : i32
      %dma_wait3A_1294 = arith.constant 0 : i32
      %dma_wait3A_1295 = tpu.memref_slice %arg12[%dma_wait3A_1293, %dma_wait3A_1294] : memref<16x80xi32, #tpu.memory_space<vmem>> -> memref<1x80xi32, #tpu.memory_space<vmem>>
      %dma_wait3A_1296 = tpu.memref_squeeze %dma_wait3A_1295 : memref<1x80xi32, #tpu.memory_space<vmem>> -> memref<80xi32, #tpu.memory_space<vmem>>
      %dma_wait3A_1297 = arith.constant 0 : i32
      %dma_wait3A_1298 = arith.constant 0 : i32
      %dma_wait3A_1299 = tpu.memref_slice %arg18[%dma_wait3A_1297, %dma_wait3A_1298] : memref<10240x8xf32, #tpu.memory_space<vmem_shared>> -> memref<10240x8xf32, #tpu.memory_space<vmem_shared>>
      tpu.wait_indirect_dma semaphore(%arg21 : memref<!tpu.dma_semaphore, #tpu.memory_space<semaphore_mem>>) src(%arg16 : memref<80x8xf32, #tpu.memory_space<vmem>>) dst(%dma_wait3A_1299 : memref<10240x8xf32, #tpu.memory_space<vmem_shared>>)
      %dma_start3A_1300 = arith.constant 14 : i32
      %dma_start3A_1301 = arith.constant 0 : i32
      %dma_start3A_1302 = tpu.memref_slice %arg12[%dma_start3A_1300, %dma_start3A_1301] : memref<16x80xi32, #tpu.memory_space<vmem>> -> memref<1x80xi32, #tpu.memory_space<vmem>>
      %dma_start3A_1303 = tpu.memref_squeeze %dma_start3A_1302 : memref<1x80xi32, #tpu.memory_space<vmem>> -> memref<80xi32, #tpu.memory_space<vmem>>
      %dma_start3A_1304 = arith.constant 0 : i32
      %dma_start3A_1305 = arith.constant 0 : i32
      %dma_start3A_1306 = tpu.memref_slice %arg17[%dma_start3A_1304, %dma_start3A_1305] : memref<10240x128xf32, #tpu.memory_space<vmem_shared>> -> memref<10240x128xf32, #tpu.memory_space<vmem_shared>>
      tpu.enqueue_indirect_dma source(%arg14 : memref<80x128xf32, #tpu.memory_space<vmem>>) target(%dma_start3A_1306 : memref<10240x128xf32, #tpu.memory_space<vmem_shared>>) offsets(%dma_start3A_1303 : memref<80xi32, #tpu.memory_space<vmem>>) semaphore(%arg20 : memref<!tpu.dma_semaphore, #tpu.memory_space<semaphore_mem>>) {add = true}
      %dma_start3A_1307 = arith.constant 14 : i32
      %dma_start3A_1308 = arith.constant 0 : i32
      %dma_start3A_1309 = tpu.memref_slice %arg12[%dma_start3A_1307, %dma_start3A_1308] : memref<16x80xi32, #tpu.memory_space<vmem>> -> memref<1x80xi32, #tpu.memory_space<vmem>>
      %dma_start3A_1310 = tpu.memref_squeeze %dma_start3A_1309 : memref<1x80xi32, #tpu.memory_space<vmem>> -> memref<80xi32, #tpu.memory_space<vmem>>
      %dma_start3A_1311 = arith.constant 0 : i32
      %dma_start3A_1312 = arith.constant 0 : i32
      %dma_start3A_1313 = tpu.memref_slice %arg18[%dma_start3A_1311, %dma_start3A_1312] : memref<10240x8xf32, #tpu.memory_space<vmem_shared>> -> memref<10240x8xf32, #tpu.memory_space<vmem_shared>>
      tpu.enqueue_indirect_dma source(%arg16 : memref<80x8xf32, #tpu.memory_space<vmem>>) target(%dma_start3A_1313 : memref<10240x8xf32, #tpu.memory_space<vmem_shared>>) offsets(%dma_start3A_1310 : memref<80xi32, #tpu.memory_space<vmem>>) semaphore(%arg21 : memref<!tpu.dma_semaphore, #tpu.memory_space<semaphore_mem>>) {add = true}
      %dma_wait3A_1314 = arith.constant 15 : i32
      %dma_wait3A_1315 = arith.constant 0 : i32
      %dma_wait3A_1316 = tpu.memref_slice %arg11[%dma_wait3A_1314, %dma_wait3A_1315] : memref<16x80xi32, #tpu.memory_space<vmem>> -> memref<1x80xi32, #tpu.memory_space<vmem>>
      %dma_wait3A_1317 = tpu.memref_squeeze %dma_wait3A_1316 : memref<1x80xi32, #tpu.memory_space<vmem>> -> memref<80xi32, #tpu.memory_space<vmem>>
      %dma_wait3A_1318 = arith.constant 0 : i32
      %dma_wait3A_1319 = arith.constant 0 : i32
      %dma_wait3A_1320 = tpu.memref_slice %arg2[%dma_wait3A_1318, %dma_wait3A_1319] : memref<10000x128xf32, #tpu.memory_space<hbm>> -> memref<10000x128xf32, #tpu.memory_space<hbm>>
      tpu.wait_indirect_dma semaphore(%arg19 : memref<!tpu.dma_semaphore, #tpu.memory_space<semaphore_mem>>) src(%dma_wait3A_1320 : memref<10000x128xf32, #tpu.memory_space<hbm>>) dst(%arg15 : memref<80x128xf32, #tpu.memory_space<vmem>>)
      %dma_wait3A_1321 = arith.constant 14 : i32
      %dma_wait3A_1322 = arith.constant 0 : i32
      %dma_wait3A_1323 = tpu.memref_slice %arg12[%dma_wait3A_1321, %dma_wait3A_1322] : memref<16x80xi32, #tpu.memory_space<vmem>> -> memref<1x80xi32, #tpu.memory_space<vmem>>
      %dma_wait3A_1324 = tpu.memref_squeeze %dma_wait3A_1323 : memref<1x80xi32, #tpu.memory_space<vmem>> -> memref<80xi32, #tpu.memory_space<vmem>>
      %dma_wait3A_1325 = arith.constant 0 : i32
      %dma_wait3A_1326 = arith.constant 0 : i32
      %dma_wait3A_1327 = tpu.memref_slice %arg17[%dma_wait3A_1325, %dma_wait3A_1326] : memref<10240x128xf32, #tpu.memory_space<vmem_shared>> -> memref<10240x128xf32, #tpu.memory_space<vmem_shared>>
      tpu.wait_indirect_dma semaphore(%arg20 : memref<!tpu.dma_semaphore, #tpu.memory_space<semaphore_mem>>) src(%arg14 : memref<80x128xf32, #tpu.memory_space<vmem>>) dst(%dma_wait3A_1327 : memref<10240x128xf32, #tpu.memory_space<vmem_shared>>)
      %dma_wait3A_1328 = arith.constant 14 : i32
      %dma_wait3A_1329 = arith.constant 0 : i32
      %dma_wait3A_1330 = tpu.memref_slice %arg12[%dma_wait3A_1328, %dma_wait3A_1329] : memref<16x80xi32, #tpu.memory_space<vmem>> -> memref<1x80xi32, #tpu.memory_space<vmem>>
      %dma_wait3A_1331 = tpu.memref_squeeze %dma_wait3A_1330 : memref<1x80xi32, #tpu.memory_space<vmem>> -> memref<80xi32, #tpu.memory_space<vmem>>
      %dma_wait3A_1332 = arith.constant 0 : i32
      %dma_wait3A_1333 = arith.constant 0 : i32
      %dma_wait3A_1334 = tpu.memref_slice %arg18[%dma_wait3A_1332, %dma_wait3A_1333] : memref<10240x8xf32, #tpu.memory_space<vmem_shared>> -> memref<10240x8xf32, #tpu.memory_space<vmem_shared>>
      tpu.wait_indirect_dma semaphore(%arg21 : memref<!tpu.dma_semaphore, #tpu.memory_space<semaphore_mem>>) src(%arg16 : memref<80x8xf32, #tpu.memory_space<vmem>>) dst(%dma_wait3A_1334 : memref<10240x8xf32, #tpu.memory_space<vmem_shared>>)
      %dma_start3A_1335 = arith.constant 15 : i32
      %dma_start3A_1336 = arith.constant 0 : i32
      %dma_start3A_1337 = tpu.memref_slice %arg12[%dma_start3A_1335, %dma_start3A_1336] : memref<16x80xi32, #tpu.memory_space<vmem>> -> memref<1x80xi32, #tpu.memory_space<vmem>>
      %dma_start3A_1338 = tpu.memref_squeeze %dma_start3A_1337 : memref<1x80xi32, #tpu.memory_space<vmem>> -> memref<80xi32, #tpu.memory_space<vmem>>
      %dma_start3A_1339 = arith.constant 0 : i32
      %dma_start3A_1340 = arith.constant 0 : i32
      %dma_start3A_1341 = tpu.memref_slice %arg17[%dma_start3A_1339, %dma_start3A_1340] : memref<10240x128xf32, #tpu.memory_space<vmem_shared>> -> memref<10240x128xf32, #tpu.memory_space<vmem_shared>>
      tpu.enqueue_indirect_dma source(%arg15 : memref<80x128xf32, #tpu.memory_space<vmem>>) target(%dma_start3A_1341 : memref<10240x128xf32, #tpu.memory_space<vmem_shared>>) offsets(%dma_start3A_1338 : memref<80xi32, #tpu.memory_space<vmem>>) semaphore(%arg20 : memref<!tpu.dma_semaphore, #tpu.memory_space<semaphore_mem>>) {add = true}
      %dma_start3A_1342 = arith.constant 15 : i32
      %dma_start3A_1343 = arith.constant 0 : i32
      %dma_start3A_1344 = tpu.memref_slice %arg12[%dma_start3A_1342, %dma_start3A_1343] : memref<16x80xi32, #tpu.memory_space<vmem>> -> memref<1x80xi32, #tpu.memory_space<vmem>>
      %dma_start3A_1345 = tpu.memref_squeeze %dma_start3A_1344 : memref<1x80xi32, #tpu.memory_space<vmem>> -> memref<80xi32, #tpu.memory_space<vmem>>
      %dma_start3A_1346 = arith.constant 0 : i32
      %dma_start3A_1347 = arith.constant 0 : i32
      %dma_start3A_1348 = tpu.memref_slice %arg18[%dma_start3A_1346, %dma_start3A_1347] : memref<10240x8xf32, #tpu.memory_space<vmem_shared>> -> memref<10240x8xf32, #tpu.memory_space<vmem_shared>>
      tpu.enqueue_indirect_dma source(%arg16 : memref<80x8xf32, #tpu.memory_space<vmem>>) target(%dma_start3A_1348 : memref<10240x8xf32, #tpu.memory_space<vmem_shared>>) offsets(%dma_start3A_1345 : memref<80xi32, #tpu.memory_space<vmem>>) semaphore(%arg21 : memref<!tpu.dma_semaphore, #tpu.memory_space<semaphore_mem>>) {add = true}
      %dma_wait3A_1349 = arith.constant 15 : i32
      %dma_wait3A_1350 = arith.constant 0 : i32
      %dma_wait3A_1351 = tpu.memref_slice %arg12[%dma_wait3A_1349, %dma_wait3A_1350] : memref<16x80xi32, #tpu.memory_space<vmem>> -> memref<1x80xi32, #tpu.memory_space<vmem>>
      %dma_wait3A_1352 = tpu.memref_squeeze %dma_wait3A_1351 : memref<1x80xi32, #tpu.memory_space<vmem>> -> memref<80xi32, #tpu.memory_space<vmem>>
      %dma_wait3A_1353 = arith.constant 0 : i32
      %dma_wait3A_1354 = arith.constant 0 : i32
      %dma_wait3A_1355 = tpu.memref_slice %arg17[%dma_wait3A_1353, %dma_wait3A_1354] : memref<10240x128xf32, #tpu.memory_space<vmem_shared>> -> memref<10240x128xf32, #tpu.memory_space<vmem_shared>>
      tpu.wait_indirect_dma semaphore(%arg20 : memref<!tpu.dma_semaphore, #tpu.memory_space<semaphore_mem>>) src(%arg15 : memref<80x128xf32, #tpu.memory_space<vmem>>) dst(%dma_wait3A_1355 : memref<10240x128xf32, #tpu.memory_space<vmem_shared>>)
      %dma_wait3A_1356 = arith.constant 15 : i32
      %dma_wait3A_1357 = arith.constant 0 : i32
      %dma_wait3A_1358 = tpu.memref_slice %arg12[%dma_wait3A_1356, %dma_wait3A_1357] : memref<16x80xi32, #tpu.memory_space<vmem>> -> memref<1x80xi32, #tpu.memory_space<vmem>>
      %dma_wait3A_1359 = tpu.memref_squeeze %dma_wait3A_1358 : memref<1x80xi32, #tpu.memory_space<vmem>> -> memref<80xi32, #tpu.memory_space<vmem>>
      %dma_wait3A_1360 = arith.constant 0 : i32
      %dma_wait3A_1361 = arith.constant 0 : i32
      %dma_wait3A_1362 = tpu.memref_slice %arg18[%dma_wait3A_1360, %dma_wait3A_1361] : memref<10240x8xf32, #tpu.memory_space<vmem_shared>> -> memref<10240x8xf32, #tpu.memory_space<vmem_shared>>
      tpu.wait_indirect_dma semaphore(%arg21 : memref<!tpu.dma_semaphore, #tpu.memory_space<semaphore_mem>>) src(%arg16 : memref<80x8xf32, #tpu.memory_space<vmem>>) dst(%dma_wait3A_1362 : memref<10240x8xf32, #tpu.memory_space<vmem_shared>>)
    }
    %scan3A_227 = arith.constant 8 : i32
    %barrier3A_228 = arith.constant 0 : index
    tpu.barrier barrier_id(%barrier3A_228)
    %dma_start3A_229 = arith.constant 0 : i32
    %dma_start3A_230 = arith.constant 0 : i32
    %dma_start3A_231 = tpu.memref_slice %arg13[%dma_start3A_229, %dma_start3A_230] : memref<8x80xi32, #tpu.memory_space<vmem>> -> memref<1x80xi32, #tpu.memory_space<vmem>>
    %dma_start3A_232 = tpu.memref_squeeze %dma_start3A_231 : memref<1x80xi32, #tpu.memory_space<vmem>> -> memref<80xi32, #tpu.memory_space<vmem>>
    %dma_start3A_233 = arith.constant 0 : i32
    %dma_start3A_234 = arith.constant 0 : i32
    %dma_start3A_235 = tpu.memref_slice %arg17[%dma_start3A_233, %dma_start3A_234] : memref<10240x128xf32, #tpu.memory_space<vmem_shared>> -> memref<10240x128xf32, #tpu.memory_space<vmem_shared>>
    tpu.enqueue_indirect_dma source(%dma_start3A_235 : memref<10240x128xf32, #tpu.memory_space<vmem_shared>>) target(%arg14 : memref<80x128xf32, #tpu.memory_space<vmem>>) offsets(%dma_start3A_232 : memref<80xi32, #tpu.memory_space<vmem>>) semaphore(%arg19 : memref<!tpu.dma_semaphore, #tpu.memory_space<semaphore_mem>>)
    %dma_wait3A_236 = arith.constant 0 : i32
    %dma_wait3A_237 = arith.constant 0 : i32
    %dma_wait3A_238 = tpu.memref_slice %arg13[%dma_wait3A_236, %dma_wait3A_237] : memref<8x80xi32, #tpu.memory_space<vmem>> -> memref<1x80xi32, #tpu.memory_space<vmem>>
    %dma_wait3A_239 = tpu.memref_squeeze %dma_wait3A_238 : memref<1x80xi32, #tpu.memory_space<vmem>> -> memref<80xi32, #tpu.memory_space<vmem>>
    %dma_wait3A_240 = arith.constant 0 : i32
    %dma_wait3A_241 = arith.constant 0 : i32
    %dma_wait3A_242 = tpu.memref_slice %arg17[%dma_wait3A_240, %dma_wait3A_241] : memref<10240x128xf32, #tpu.memory_space<vmem_shared>> -> memref<10240x128xf32, #tpu.memory_space<vmem_shared>>
    tpu.wait_indirect_dma semaphore(%arg19 : memref<!tpu.dma_semaphore, #tpu.memory_space<semaphore_mem>>) src(%dma_wait3A_242 : memref<10240x128xf32, #tpu.memory_space<vmem_shared>>) dst(%arg14 : memref<80x128xf32, #tpu.memory_space<vmem>>)
    %dma_start3A_243 = arith.constant 1 : i32
    %dma_start3A_244 = arith.constant 0 : i32
    %dma_start3A_245 = tpu.memref_slice %arg13[%dma_start3A_243, %dma_start3A_244] : memref<8x80xi32, #tpu.memory_space<vmem>> -> memref<1x80xi32, #tpu.memory_space<vmem>>
    %dma_start3A_246 = tpu.memref_squeeze %dma_start3A_245 : memref<1x80xi32, #tpu.memory_space<vmem>> -> memref<80xi32, #tpu.memory_space<vmem>>
    %dma_start3A_247 = arith.constant 0 : i32
    %dma_start3A_248 = arith.constant 0 : i32
    %dma_start3A_249 = tpu.memref_slice %arg17[%dma_start3A_247, %dma_start3A_248] : memref<10240x128xf32, #tpu.memory_space<vmem_shared>> -> memref<10240x128xf32, #tpu.memory_space<vmem_shared>>
    tpu.enqueue_indirect_dma source(%dma_start3A_249 : memref<10240x128xf32, #tpu.memory_space<vmem_shared>>) target(%arg15 : memref<80x128xf32, #tpu.memory_space<vmem>>) offsets(%dma_start3A_246 : memref<80xi32, #tpu.memory_space<vmem>>) semaphore(%arg19 : memref<!tpu.dma_semaphore, #tpu.memory_space<semaphore_mem>>)
    %add3A_250 = arith.constant 0 : i32
    %add3A_251 = arith.addi %arg1, %add3A_250 : i32
    %mul3A_252 = arith.constant 10240 : i32
    %mul3A_253 = arith.muli %arg0, %mul3A_252 : i32
    %mul3A_254 = arith.constant 80 : i32
    %mul3A_255 = arith.muli %add3A_251, %mul3A_254 : i32
    %add3A_256 = arith.addi %mul3A_253, %mul3A_255 : i32
    %dma_start3A_257 = arith.constant 0 : i32
    %dma_start3A_258 = tpu.memref_slice %arg9[%add3A_256, %dma_start3A_257] : memref<20480x128xf32, #tpu.memory_space<hbm>> -> memref<80x128xf32, #tpu.memory_space<hbm>>
    %dma_start3A_259 = arith.constant 0 : i32
    %dma_start3A_260 = tpu.memref_slice %arg9[%add3A_256, %dma_start3A_259] : memref<20480x128xf32, #tpu.memory_space<hbm>> -> memref<80x128xf32, #tpu.memory_space<hbm>>
    tpu.enqueue_dma source(%arg14 : memref<80x128xf32, #tpu.memory_space<vmem>>) target(%dma_start3A_260 : memref<80x128xf32, #tpu.memory_space<hbm>>) target_semaphore(%arg20 : memref<!tpu.dma_semaphore, #tpu.memory_space<semaphore_mem>>)
    %dma_start3A_261 = arith.constant 0 : i32
    %dma_start3A_262 = arith.constant 0 : i32
    %dma_start3A_263 = tpu.memref_slice %arg13[%dma_start3A_261, %dma_start3A_262] : memref<8x80xi32, #tpu.memory_space<vmem>> -> memref<1x80xi32, #tpu.memory_space<vmem>>
    %dma_start3A_264 = tpu.memref_squeeze %dma_start3A_263 : memref<1x80xi32, #tpu.memory_space<vmem>> -> memref<80xi32, #tpu.memory_space<vmem>>
    %dma_start3A_265 = arith.constant 0 : i32
    %dma_start3A_266 = arith.constant 0 : i32
    %dma_start3A_267 = tpu.memref_slice %arg18[%dma_start3A_265, %dma_start3A_266] : memref<10240x8xf32, #tpu.memory_space<vmem_shared>> -> memref<10240x8xf32, #tpu.memory_space<vmem_shared>>
    tpu.enqueue_indirect_dma source(%dma_start3A_267 : memref<10240x8xf32, #tpu.memory_space<vmem_shared>>) target(%arg16 : memref<80x8xf32, #tpu.memory_space<vmem>>) offsets(%dma_start3A_264 : memref<80xi32, #tpu.memory_space<vmem>>) semaphore(%arg21 : memref<!tpu.dma_semaphore, #tpu.memory_space<semaphore_mem>>)
    %dma_wait3A_268 = arith.constant 0 : i32
    %dma_wait3A_269 = arith.constant 0 : i32
    %dma_wait3A_270 = tpu.memref_slice %arg13[%dma_wait3A_268, %dma_wait3A_269] : memref<8x80xi32, #tpu.memory_space<vmem>> -> memref<1x80xi32, #tpu.memory_space<vmem>>
    %dma_wait3A_271 = tpu.memref_squeeze %dma_wait3A_270 : memref<1x80xi32, #tpu.memory_space<vmem>> -> memref<80xi32, #tpu.memory_space<vmem>>
    %dma_wait3A_272 = arith.constant 0 : i32
    %dma_wait3A_273 = arith.constant 0 : i32
    %dma_wait3A_274 = tpu.memref_slice %arg18[%dma_wait3A_272, %dma_wait3A_273] : memref<10240x8xf32, #tpu.memory_space<vmem_shared>> -> memref<10240x8xf32, #tpu.memory_space<vmem_shared>>
    tpu.wait_indirect_dma semaphore(%arg21 : memref<!tpu.dma_semaphore, #tpu.memory_space<semaphore_mem>>) src(%dma_wait3A_274 : memref<10240x8xf32, #tpu.memory_space<vmem_shared>>) dst(%arg16 : memref<80x8xf32, #tpu.memory_space<vmem>>)
    %add3A_275 = arith.constant 0 : i32
    %add3A_276 = arith.addi %arg1, %add3A_275 : i32
    %mul3A_277 = arith.constant 10240 : i32
    %mul3A_278 = arith.muli %arg0, %mul3A_277 : i32
    %mul3A_279 = arith.constant 80 : i32
    %mul3A_280 = arith.muli %add3A_276, %mul3A_279 : i32
    %add3A_281 = arith.addi %mul3A_278, %mul3A_280 : i32
    "tpu.region"() ({
      %run_scoped3A = tpu.sem_alloc : memref<!tpu.dma_semaphore, #tpu.memory_space<semaphore_mem>>
      %dma_start3A_685 = arith.constant 0 : i32
      %dma_start3A_686 = tpu.memref_slice %arg10[%add3A_281, %dma_start3A_685] : memref<20480x8xf32, #tpu.memory_space<hbm>> -> memref<80x8xf32, #tpu.memory_space<hbm>>
      %dma_start3A_687 = arith.constant 0 : i32
      %dma_start3A_688 = tpu.memref_slice %arg10[%add3A_281, %dma_start3A_687] : memref<20480x8xf32, #tpu.memory_space<hbm>> -> memref<80x8xf32, #tpu.memory_space<hbm>>
      tpu.enqueue_dma source(%arg16 : memref<80x8xf32, #tpu.memory_space<vmem>>) target(%dma_start3A_688 : memref<80x8xf32, #tpu.memory_space<hbm>>) target_semaphore(%run_scoped3A : memref<!tpu.dma_semaphore, #tpu.memory_space<semaphore_mem>>)
      %dma_wait3A_689 = arith.constant 0 : i32
      %dma_wait3A_690 = tpu.memref_slice %arg10[%add3A_281, %dma_wait3A_689] : memref<20480x8xf32, #tpu.memory_space<hbm>> -> memref<80x8xf32, #tpu.memory_space<hbm>>
      %dma_wait3A_691 = arith.constant 0 : i32
      %dma_wait3A_692 = tpu.memref_slice %arg10[%add3A_281, %dma_wait3A_691] : memref<20480x8xf32, #tpu.memory_space<hbm>> -> memref<80x8xf32, #tpu.memory_space<hbm>>
      tpu.wait_dma2 semaphore(%run_scoped3A : memref<!tpu.dma_semaphore, #tpu.memory_space<semaphore_mem>>) src(%arg16 : memref<80x8xf32, #tpu.memory_space<vmem>>) dst(%dma_wait3A_692 : memref<80x8xf32, #tpu.memory_space<hbm>>)
      tpu.yield
    }) : () -> ()
    %dma_wait3A_282 = arith.constant 1 : i32
    %dma_wait3A_283 = arith.constant 0 : i32
    %dma_wait3A_284 = tpu.memref_slice %arg13[%dma_wait3A_282, %dma_wait3A_283] : memref<8x80xi32, #tpu.memory_space<vmem>> -> memref<1x80xi32, #tpu.memory_space<vmem>>
    %dma_wait3A_285 = tpu.memref_squeeze %dma_wait3A_284 : memref<1x80xi32, #tpu.memory_space<vmem>> -> memref<80xi32, #tpu.memory_space<vmem>>
    %dma_wait3A_286 = arith.constant 0 : i32
    %dma_wait3A_287 = arith.constant 0 : i32
    %dma_wait3A_288 = tpu.memref_slice %arg17[%dma_wait3A_286, %dma_wait3A_287] : memref<10240x128xf32, #tpu.memory_space<vmem_shared>> -> memref<10240x128xf32, #tpu.memory_space<vmem_shared>>
    tpu.wait_indirect_dma semaphore(%arg19 : memref<!tpu.dma_semaphore, #tpu.memory_space<semaphore_mem>>) src(%dma_wait3A_288 : memref<10240x128xf32, #tpu.memory_space<vmem_shared>>) dst(%arg15 : memref<80x128xf32, #tpu.memory_space<vmem>>)
    %add3A_289 = arith.constant 0 : i32
    %add3A_290 = arith.addi %arg1, %add3A_289 : i32
    %mul3A_291 = arith.constant 10240 : i32
    %mul3A_292 = arith.muli %arg0, %mul3A_291 : i32
    %mul3A_293 = arith.constant 80 : i32
    %mul3A_294 = arith.muli %add3A_290, %mul3A_293 : i32
    %add3A_295 = arith.addi %mul3A_292, %mul3A_294 : i32
    %dma_wait3A_296 = arith.constant 0 : i32
    %dma_wait3A_297 = tpu.memref_slice %arg9[%add3A_295, %dma_wait3A_296] : memref<20480x128xf32, #tpu.memory_space<hbm>> -> memref<80x128xf32, #tpu.memory_space<hbm>>
    %dma_wait3A_298 = arith.constant 0 : i32
    %dma_wait3A_299 = tpu.memref_slice %arg9[%add3A_295, %dma_wait3A_298] : memref<20480x128xf32, #tpu.memory_space<hbm>> -> memref<80x128xf32, #tpu.memory_space<hbm>>
    tpu.wait_dma2 semaphore(%arg20 : memref<!tpu.dma_semaphore, #tpu.memory_space<semaphore_mem>>) src(%arg14 : memref<80x128xf32, #tpu.memory_space<vmem>>) dst(%dma_wait3A_299 : memref<80x128xf32, #tpu.memory_space<hbm>>)
    %dma_start3A_300 = arith.constant 2 : i32
    %dma_start3A_301 = arith.constant 0 : i32
    %dma_start3A_302 = tpu.memref_slice %arg13[%dma_start3A_300, %dma_start3A_301] : memref<8x80xi32, #tpu.memory_space<vmem>> -> memref<1x80xi32, #tpu.memory_space<vmem>>
    %dma_start3A_303 = tpu.memref_squeeze %dma_start3A_302 : memref<1x80xi32, #tpu.memory_space<vmem>> -> memref<80xi32, #tpu.memory_space<vmem>>
    %dma_start3A_304 = arith.constant 0 : i32
    %dma_start3A_305 = arith.constant 0 : i32
    %dma_start3A_306 = tpu.memref_slice %arg17[%dma_start3A_304, %dma_start3A_305] : memref<10240x128xf32, #tpu.memory_space<vmem_shared>> -> memref<10240x128xf32, #tpu.memory_space<vmem_shared>>
    tpu.enqueue_indirect_dma source(%dma_start3A_306 : memref<10240x128xf32, #tpu.memory_space<vmem_shared>>) target(%arg14 : memref<80x128xf32, #tpu.memory_space<vmem>>) offsets(%dma_start3A_303 : memref<80xi32, #tpu.memory_space<vmem>>) semaphore(%arg19 : memref<!tpu.dma_semaphore, #tpu.memory_space<semaphore_mem>>)
    %add3A_307 = arith.constant 16 : i32
    %add3A_308 = arith.addi %arg1, %add3A_307 : i32
    %mul3A_309 = arith.constant 10240 : i32
    %mul3A_310 = arith.muli %arg0, %mul3A_309 : i32
    %mul3A_311 = arith.constant 80 : i32
    %mul3A_312 = arith.muli %add3A_308, %mul3A_311 : i32
    %add3A_313 = arith.addi %mul3A_310, %mul3A_312 : i32
    %dma_start3A_314 = arith.constant 0 : i32
    %dma_start3A_315 = tpu.memref_slice %arg9[%add3A_313, %dma_start3A_314] : memref<20480x128xf32, #tpu.memory_space<hbm>> -> memref<80x128xf32, #tpu.memory_space<hbm>>
    %dma_start3A_316 = arith.constant 0 : i32
    %dma_start3A_317 = tpu.memref_slice %arg9[%add3A_313, %dma_start3A_316] : memref<20480x128xf32, #tpu.memory_space<hbm>> -> memref<80x128xf32, #tpu.memory_space<hbm>>
    tpu.enqueue_dma source(%arg15 : memref<80x128xf32, #tpu.memory_space<vmem>>) target(%dma_start3A_317 : memref<80x128xf32, #tpu.memory_space<hbm>>) target_semaphore(%arg20 : memref<!tpu.dma_semaphore, #tpu.memory_space<semaphore_mem>>)
    %dma_start3A_318 = arith.constant 1 : i32
    %dma_start3A_319 = arith.constant 0 : i32
    %dma_start3A_320 = tpu.memref_slice %arg13[%dma_start3A_318, %dma_start3A_319] : memref<8x80xi32, #tpu.memory_space<vmem>> -> memref<1x80xi32, #tpu.memory_space<vmem>>
    %dma_start3A_321 = tpu.memref_squeeze %dma_start3A_320 : memref<1x80xi32, #tpu.memory_space<vmem>> -> memref<80xi32, #tpu.memory_space<vmem>>
    %dma_start3A_322 = arith.constant 0 : i32
    %dma_start3A_323 = arith.constant 0 : i32
    %dma_start3A_324 = tpu.memref_slice %arg18[%dma_start3A_322, %dma_start3A_323] : memref<10240x8xf32, #tpu.memory_space<vmem_shared>> -> memref<10240x8xf32, #tpu.memory_space<vmem_shared>>
    tpu.enqueue_indirect_dma source(%dma_start3A_324 : memref<10240x8xf32, #tpu.memory_space<vmem_shared>>) target(%arg16 : memref<80x8xf32, #tpu.memory_space<vmem>>) offsets(%dma_start3A_321 : memref<80xi32, #tpu.memory_space<vmem>>) semaphore(%arg21 : memref<!tpu.dma_semaphore, #tpu.memory_space<semaphore_mem>>)
    %dma_wait3A_325 = arith.constant 1 : i32
    %dma_wait3A_326 = arith.constant 0 : i32
    %dma_wait3A_327 = tpu.memref_slice %arg13[%dma_wait3A_325, %dma_wait3A_326] : memref<8x80xi32, #tpu.memory_space<vmem>> -> memref<1x80xi32, #tpu.memory_space<vmem>>
    %dma_wait3A_328 = tpu.memref_squeeze %dma_wait3A_327 : memref<1x80xi32, #tpu.memory_space<vmem>> -> memref<80xi32, #tpu.memory_space<vmem>>
    %dma_wait3A_329 = arith.constant 0 : i32
    %dma_wait3A_330 = arith.constant 0 : i32
    %dma_wait3A_331 = tpu.memref_slice %arg18[%dma_wait3A_329, %dma_wait3A_330] : memref<10240x8xf32, #tpu.memory_space<vmem_shared>> -> memref<10240x8xf32, #tpu.memory_space<vmem_shared>>
    tpu.wait_indirect_dma semaphore(%arg21 : memref<!tpu.dma_semaphore, #tpu.memory_space<semaphore_mem>>) src(%dma_wait3A_331 : memref<10240x8xf32, #tpu.memory_space<vmem_shared>>) dst(%arg16 : memref<80x8xf32, #tpu.memory_space<vmem>>)
    %add3A_332 = arith.constant 16 : i32
    %add3A_333 = arith.addi %arg1, %add3A_332 : i32
    %mul3A_334 = arith.constant 10240 : i32
    %mul3A_335 = arith.muli %arg0, %mul3A_334 : i32
    %mul3A_336 = arith.constant 80 : i32
    %mul3A_337 = arith.muli %add3A_333, %mul3A_336 : i32
    %add3A_338 = arith.addi %mul3A_335, %mul3A_337 : i32
    "tpu.region"() ({
      %run_scoped3A = tpu.sem_alloc : memref<!tpu.dma_semaphore, #tpu.memory_space<semaphore_mem>>
      %dma_start3A_685 = arith.constant 0 : i32
      %dma_start3A_686 = tpu.memref_slice %arg10[%add3A_338, %dma_start3A_685] : memref<20480x8xf32, #tpu.memory_space<hbm>> -> memref<80x8xf32, #tpu.memory_space<hbm>>
      %dma_start3A_687 = arith.constant 0 : i32
      %dma_start3A_688 = tpu.memref_slice %arg10[%add3A_338, %dma_start3A_687] : memref<20480x8xf32, #tpu.memory_space<hbm>> -> memref<80x8xf32, #tpu.memory_space<hbm>>
      tpu.enqueue_dma source(%arg16 : memref<80x8xf32, #tpu.memory_space<vmem>>) target(%dma_start3A_688 : memref<80x8xf32, #tpu.memory_space<hbm>>) target_semaphore(%run_scoped3A : memref<!tpu.dma_semaphore, #tpu.memory_space<semaphore_mem>>)
      %dma_wait3A_689 = arith.constant 0 : i32
      %dma_wait3A_690 = tpu.memref_slice %arg10[%add3A_338, %dma_wait3A_689] : memref<20480x8xf32, #tpu.memory_space<hbm>> -> memref<80x8xf32, #tpu.memory_space<hbm>>
      %dma_wait3A_691 = arith.constant 0 : i32
      %dma_wait3A_692 = tpu.memref_slice %arg10[%add3A_338, %dma_wait3A_691] : memref<20480x8xf32, #tpu.memory_space<hbm>> -> memref<80x8xf32, #tpu.memory_space<hbm>>
      tpu.wait_dma2 semaphore(%run_scoped3A : memref<!tpu.dma_semaphore, #tpu.memory_space<semaphore_mem>>) src(%arg16 : memref<80x8xf32, #tpu.memory_space<vmem>>) dst(%dma_wait3A_692 : memref<80x8xf32, #tpu.memory_space<hbm>>)
      tpu.yield
    }) : () -> ()
    %dma_wait3A_339 = arith.constant 2 : i32
    %dma_wait3A_340 = arith.constant 0 : i32
    %dma_wait3A_341 = tpu.memref_slice %arg13[%dma_wait3A_339, %dma_wait3A_340] : memref<8x80xi32, #tpu.memory_space<vmem>> -> memref<1x80xi32, #tpu.memory_space<vmem>>
    %dma_wait3A_342 = tpu.memref_squeeze %dma_wait3A_341 : memref<1x80xi32, #tpu.memory_space<vmem>> -> memref<80xi32, #tpu.memory_space<vmem>>
    %dma_wait3A_343 = arith.constant 0 : i32
    %dma_wait3A_344 = arith.constant 0 : i32
    %dma_wait3A_345 = tpu.memref_slice %arg17[%dma_wait3A_343, %dma_wait3A_344] : memref<10240x128xf32, #tpu.memory_space<vmem_shared>> -> memref<10240x128xf32, #tpu.memory_space<vmem_shared>>
    tpu.wait_indirect_dma semaphore(%arg19 : memref<!tpu.dma_semaphore, #tpu.memory_space<semaphore_mem>>) src(%dma_wait3A_345 : memref<10240x128xf32, #tpu.memory_space<vmem_shared>>) dst(%arg14 : memref<80x128xf32, #tpu.memory_space<vmem>>)
    %add3A_346 = arith.constant 16 : i32
    %add3A_347 = arith.addi %arg1, %add3A_346 : i32
    %mul3A_348 = arith.constant 10240 : i32
    %mul3A_349 = arith.muli %arg0, %mul3A_348 : i32
    %mul3A_350 = arith.constant 80 : i32
    %mul3A_351 = arith.muli %add3A_347, %mul3A_350 : i32
    %add3A_352 = arith.addi %mul3A_349, %mul3A_351 : i32
    %dma_wait3A_353 = arith.constant 0 : i32
    %dma_wait3A_354 = tpu.memref_slice %arg9[%add3A_352, %dma_wait3A_353] : memref<20480x128xf32, #tpu.memory_space<hbm>> -> memref<80x128xf32, #tpu.memory_space<hbm>>
    %dma_wait3A_355 = arith.constant 0 : i32
    %dma_wait3A_356 = tpu.memref_slice %arg9[%add3A_352, %dma_wait3A_355] : memref<20480x128xf32, #tpu.memory_space<hbm>> -> memref<80x128xf32, #tpu.memory_space<hbm>>
    tpu.wait_dma2 semaphore(%arg20 : memref<!tpu.dma_semaphore, #tpu.memory_space<semaphore_mem>>) src(%arg15 : memref<80x128xf32, #tpu.memory_space<vmem>>) dst(%dma_wait3A_356 : memref<80x128xf32, #tpu.memory_space<hbm>>)
    %dma_start3A_357 = arith.constant 3 : i32
    %dma_start3A_358 = arith.constant 0 : i32
    %dma_start3A_359 = tpu.memref_slice %arg13[%dma_start3A_357, %dma_start3A_358] : memref<8x80xi32, #tpu.memory_space<vmem>> -> memref<1x80xi32, #tpu.memory_space<vmem>>
    %dma_start3A_360 = tpu.memref_squeeze %dma_start3A_359 : memref<1x80xi32, #tpu.memory_space<vmem>> -> memref<80xi32, #tpu.memory_space<vmem>>
    %dma_start3A_361 = arith.constant 0 : i32
    %dma_start3A_362 = arith.constant 0 : i32
    %dma_start3A_363 = tpu.memref_slice %arg17[%dma_start3A_361, %dma_start3A_362] : memref<10240x128xf32, #tpu.memory_space<vmem_shared>> -> memref<10240x128xf32, #tpu.memory_space<vmem_shared>>
    tpu.enqueue_indirect_dma source(%dma_start3A_363 : memref<10240x128xf32, #tpu.memory_space<vmem_shared>>) target(%arg15 : memref<80x128xf32, #tpu.memory_space<vmem>>) offsets(%dma_start3A_360 : memref<80xi32, #tpu.memory_space<vmem>>) semaphore(%arg19 : memref<!tpu.dma_semaphore, #tpu.memory_space<semaphore_mem>>)
    %add3A_364 = arith.constant 32 : i32
    %add3A_365 = arith.addi %arg1, %add3A_364 : i32
    %mul3A_366 = arith.constant 10240 : i32
    %mul3A_367 = arith.muli %arg0, %mul3A_366 : i32
    %mul3A_368 = arith.constant 80 : i32
    %mul3A_369 = arith.muli %add3A_365, %mul3A_368 : i32
    %add3A_370 = arith.addi %mul3A_367, %mul3A_369 : i32
    %dma_start3A_371 = arith.constant 0 : i32
    %dma_start3A_372 = tpu.memref_slice %arg9[%add3A_370, %dma_start3A_371] : memref<20480x128xf32, #tpu.memory_space<hbm>> -> memref<80x128xf32, #tpu.memory_space<hbm>>
    %dma_start3A_373 = arith.constant 0 : i32
    %dma_start3A_374 = tpu.memref_slice %arg9[%add3A_370, %dma_start3A_373] : memref<20480x128xf32, #tpu.memory_space<hbm>> -> memref<80x128xf32, #tpu.memory_space<hbm>>
    tpu.enqueue_dma source(%arg14 : memref<80x128xf32, #tpu.memory_space<vmem>>) target(%dma_start3A_374 : memref<80x128xf32, #tpu.memory_space<hbm>>) target_semaphore(%arg20 : memref<!tpu.dma_semaphore, #tpu.memory_space<semaphore_mem>>)
    %dma_start3A_375 = arith.constant 2 : i32
    %dma_start3A_376 = arith.constant 0 : i32
    %dma_start3A_377 = tpu.memref_slice %arg13[%dma_start3A_375, %dma_start3A_376] : memref<8x80xi32, #tpu.memory_space<vmem>> -> memref<1x80xi32, #tpu.memory_space<vmem>>
    %dma_start3A_378 = tpu.memref_squeeze %dma_start3A_377 : memref<1x80xi32, #tpu.memory_space<vmem>> -> memref<80xi32, #tpu.memory_space<vmem>>
    %dma_start3A_379 = arith.constant 0 : i32
    %dma_start3A_380 = arith.constant 0 : i32
    %dma_start3A_381 = tpu.memref_slice %arg18[%dma_start3A_379, %dma_start3A_380] : memref<10240x8xf32, #tpu.memory_space<vmem_shared>> -> memref<10240x8xf32, #tpu.memory_space<vmem_shared>>
    tpu.enqueue_indirect_dma source(%dma_start3A_381 : memref<10240x8xf32, #tpu.memory_space<vmem_shared>>) target(%arg16 : memref<80x8xf32, #tpu.memory_space<vmem>>) offsets(%dma_start3A_378 : memref<80xi32, #tpu.memory_space<vmem>>) semaphore(%arg21 : memref<!tpu.dma_semaphore, #tpu.memory_space<semaphore_mem>>)
    %dma_wait3A_382 = arith.constant 2 : i32
    %dma_wait3A_383 = arith.constant 0 : i32
    %dma_wait3A_384 = tpu.memref_slice %arg13[%dma_wait3A_382, %dma_wait3A_383] : memref<8x80xi32, #tpu.memory_space<vmem>> -> memref<1x80xi32, #tpu.memory_space<vmem>>
    %dma_wait3A_385 = tpu.memref_squeeze %dma_wait3A_384 : memref<1x80xi32, #tpu.memory_space<vmem>> -> memref<80xi32, #tpu.memory_space<vmem>>
    %dma_wait3A_386 = arith.constant 0 : i32
    %dma_wait3A_387 = arith.constant 0 : i32
    %dma_wait3A_388 = tpu.memref_slice %arg18[%dma_wait3A_386, %dma_wait3A_387] : memref<10240x8xf32, #tpu.memory_space<vmem_shared>> -> memref<10240x8xf32, #tpu.memory_space<vmem_shared>>
    tpu.wait_indirect_dma semaphore(%arg21 : memref<!tpu.dma_semaphore, #tpu.memory_space<semaphore_mem>>) src(%dma_wait3A_388 : memref<10240x8xf32, #tpu.memory_space<vmem_shared>>) dst(%arg16 : memref<80x8xf32, #tpu.memory_space<vmem>>)
    %add3A_389 = arith.constant 32 : i32
    %add3A_390 = arith.addi %arg1, %add3A_389 : i32
    %mul3A_391 = arith.constant 10240 : i32
    %mul3A_392 = arith.muli %arg0, %mul3A_391 : i32
    %mul3A_393 = arith.constant 80 : i32
    %mul3A_394 = arith.muli %add3A_390, %mul3A_393 : i32
    %add3A_395 = arith.addi %mul3A_392, %mul3A_394 : i32
    "tpu.region"() ({
      %run_scoped3A = tpu.sem_alloc : memref<!tpu.dma_semaphore, #tpu.memory_space<semaphore_mem>>
      %dma_start3A_685 = arith.constant 0 : i32
      %dma_start3A_686 = tpu.memref_slice %arg10[%add3A_395, %dma_start3A_685] : memref<20480x8xf32, #tpu.memory_space<hbm>> -> memref<80x8xf32, #tpu.memory_space<hbm>>
      %dma_start3A_687 = arith.constant 0 : i32
      %dma_start3A_688 = tpu.memref_slice %arg10[%add3A_395, %dma_start3A_687] : memref<20480x8xf32, #tpu.memory_space<hbm>> -> memref<80x8xf32, #tpu.memory_space<hbm>>
      tpu.enqueue_dma source(%arg16 : memref<80x8xf32, #tpu.memory_space<vmem>>) target(%dma_start3A_688 : memref<80x8xf32, #tpu.memory_space<hbm>>) target_semaphore(%run_scoped3A : memref<!tpu.dma_semaphore, #tpu.memory_space<semaphore_mem>>)
      %dma_wait3A_689 = arith.constant 0 : i32
      %dma_wait3A_690 = tpu.memref_slice %arg10[%add3A_395, %dma_wait3A_689] : memref<20480x8xf32, #tpu.memory_space<hbm>> -> memref<80x8xf32, #tpu.memory_space<hbm>>
      %dma_wait3A_691 = arith.constant 0 : i32
      %dma_wait3A_692 = tpu.memref_slice %arg10[%add3A_395, %dma_wait3A_691] : memref<20480x8xf32, #tpu.memory_space<hbm>> -> memref<80x8xf32, #tpu.memory_space<hbm>>
      tpu.wait_dma2 semaphore(%run_scoped3A : memref<!tpu.dma_semaphore, #tpu.memory_space<semaphore_mem>>) src(%arg16 : memref<80x8xf32, #tpu.memory_space<vmem>>) dst(%dma_wait3A_692 : memref<80x8xf32, #tpu.memory_space<hbm>>)
      tpu.yield
    }) : () -> ()
    %dma_wait3A_396 = arith.constant 3 : i32
    %dma_wait3A_397 = arith.constant 0 : i32
    %dma_wait3A_398 = tpu.memref_slice %arg13[%dma_wait3A_396, %dma_wait3A_397] : memref<8x80xi32, #tpu.memory_space<vmem>> -> memref<1x80xi32, #tpu.memory_space<vmem>>
    %dma_wait3A_399 = tpu.memref_squeeze %dma_wait3A_398 : memref<1x80xi32, #tpu.memory_space<vmem>> -> memref<80xi32, #tpu.memory_space<vmem>>
    %dma_wait3A_400 = arith.constant 0 : i32
    %dma_wait3A_401 = arith.constant 0 : i32
    %dma_wait3A_402 = tpu.memref_slice %arg17[%dma_wait3A_400, %dma_wait3A_401] : memref<10240x128xf32, #tpu.memory_space<vmem_shared>> -> memref<10240x128xf32, #tpu.memory_space<vmem_shared>>
    tpu.wait_indirect_dma semaphore(%arg19 : memref<!tpu.dma_semaphore, #tpu.memory_space<semaphore_mem>>) src(%dma_wait3A_402 : memref<10240x128xf32, #tpu.memory_space<vmem_shared>>) dst(%arg15 : memref<80x128xf32, #tpu.memory_space<vmem>>)
    %add3A_403 = arith.constant 32 : i32
    %add3A_404 = arith.addi %arg1, %add3A_403 : i32
    %mul3A_405 = arith.constant 10240 : i32
    %mul3A_406 = arith.muli %arg0, %mul3A_405 : i32
    %mul3A_407 = arith.constant 80 : i32
    %mul3A_408 = arith.muli %add3A_404, %mul3A_407 : i32
    %add3A_409 = arith.addi %mul3A_406, %mul3A_408 : i32
    %dma_wait3A_410 = arith.constant 0 : i32
    %dma_wait3A_411 = tpu.memref_slice %arg9[%add3A_409, %dma_wait3A_410] : memref<20480x128xf32, #tpu.memory_space<hbm>> -> memref<80x128xf32, #tpu.memory_space<hbm>>
    %dma_wait3A_412 = arith.constant 0 : i32
    %dma_wait3A_413 = tpu.memref_slice %arg9[%add3A_409, %dma_wait3A_412] : memref<20480x128xf32, #tpu.memory_space<hbm>> -> memref<80x128xf32, #tpu.memory_space<hbm>>
    tpu.wait_dma2 semaphore(%arg20 : memref<!tpu.dma_semaphore, #tpu.memory_space<semaphore_mem>>) src(%arg14 : memref<80x128xf32, #tpu.memory_space<vmem>>) dst(%dma_wait3A_413 : memref<80x128xf32, #tpu.memory_space<hbm>>)
    %dma_start3A_414 = arith.constant 4 : i32
    %dma_start3A_415 = arith.constant 0 : i32
    %dma_start3A_416 = tpu.memref_slice %arg13[%dma_start3A_414, %dma_start3A_415] : memref<8x80xi32, #tpu.memory_space<vmem>> -> memref<1x80xi32, #tpu.memory_space<vmem>>
    %dma_start3A_417 = tpu.memref_squeeze %dma_start3A_416 : memref<1x80xi32, #tpu.memory_space<vmem>> -> memref<80xi32, #tpu.memory_space<vmem>>
    %dma_start3A_418 = arith.constant 0 : i32
    %dma_start3A_419 = arith.constant 0 : i32
    %dma_start3A_420 = tpu.memref_slice %arg17[%dma_start3A_418, %dma_start3A_419] : memref<10240x128xf32, #tpu.memory_space<vmem_shared>> -> memref<10240x128xf32, #tpu.memory_space<vmem_shared>>
    tpu.enqueue_indirect_dma source(%dma_start3A_420 : memref<10240x128xf32, #tpu.memory_space<vmem_shared>>) target(%arg14 : memref<80x128xf32, #tpu.memory_space<vmem>>) offsets(%dma_start3A_417 : memref<80xi32, #tpu.memory_space<vmem>>) semaphore(%arg19 : memref<!tpu.dma_semaphore, #tpu.memory_space<semaphore_mem>>)
    %add3A_421 = arith.constant 48 : i32
    %add3A_422 = arith.addi %arg1, %add3A_421 : i32
    %mul3A_423 = arith.constant 10240 : i32
    %mul3A_424 = arith.muli %arg0, %mul3A_423 : i32
    %mul3A_425 = arith.constant 80 : i32
    %mul3A_426 = arith.muli %add3A_422, %mul3A_425 : i32
    %add3A_427 = arith.addi %mul3A_424, %mul3A_426 : i32
    %dma_start3A_428 = arith.constant 0 : i32
    %dma_start3A_429 = tpu.memref_slice %arg9[%add3A_427, %dma_start3A_428] : memref<20480x128xf32, #tpu.memory_space<hbm>> -> memref<80x128xf32, #tpu.memory_space<hbm>>
    %dma_start3A_430 = arith.constant 0 : i32
    %dma_start3A_431 = tpu.memref_slice %arg9[%add3A_427, %dma_start3A_430] : memref<20480x128xf32, #tpu.memory_space<hbm>> -> memref<80x128xf32, #tpu.memory_space<hbm>>
    tpu.enqueue_dma source(%arg15 : memref<80x128xf32, #tpu.memory_space<vmem>>) target(%dma_start3A_431 : memref<80x128xf32, #tpu.memory_space<hbm>>) target_semaphore(%arg20 : memref<!tpu.dma_semaphore, #tpu.memory_space<semaphore_mem>>)
    %dma_start3A_432 = arith.constant 3 : i32
    %dma_start3A_433 = arith.constant 0 : i32
    %dma_start3A_434 = tpu.memref_slice %arg13[%dma_start3A_432, %dma_start3A_433] : memref<8x80xi32, #tpu.memory_space<vmem>> -> memref<1x80xi32, #tpu.memory_space<vmem>>
    %dma_start3A_435 = tpu.memref_squeeze %dma_start3A_434 : memref<1x80xi32, #tpu.memory_space<vmem>> -> memref<80xi32, #tpu.memory_space<vmem>>
    %dma_start3A_436 = arith.constant 0 : i32
    %dma_start3A_437 = arith.constant 0 : i32
    %dma_start3A_438 = tpu.memref_slice %arg18[%dma_start3A_436, %dma_start3A_437] : memref<10240x8xf32, #tpu.memory_space<vmem_shared>> -> memref<10240x8xf32, #tpu.memory_space<vmem_shared>>
    tpu.enqueue_indirect_dma source(%dma_start3A_438 : memref<10240x8xf32, #tpu.memory_space<vmem_shared>>) target(%arg16 : memref<80x8xf32, #tpu.memory_space<vmem>>) offsets(%dma_start3A_435 : memref<80xi32, #tpu.memory_space<vmem>>) semaphore(%arg21 : memref<!tpu.dma_semaphore, #tpu.memory_space<semaphore_mem>>)
    %dma_wait3A_439 = arith.constant 3 : i32
    %dma_wait3A_440 = arith.constant 0 : i32
    %dma_wait3A_441 = tpu.memref_slice %arg13[%dma_wait3A_439, %dma_wait3A_440] : memref<8x80xi32, #tpu.memory_space<vmem>> -> memref<1x80xi32, #tpu.memory_space<vmem>>
    %dma_wait3A_442 = tpu.memref_squeeze %dma_wait3A_441 : memref<1x80xi32, #tpu.memory_space<vmem>> -> memref<80xi32, #tpu.memory_space<vmem>>
    %dma_wait3A_443 = arith.constant 0 : i32
    %dma_wait3A_444 = arith.constant 0 : i32
    %dma_wait3A_445 = tpu.memref_slice %arg18[%dma_wait3A_443, %dma_wait3A_444] : memref<10240x8xf32, #tpu.memory_space<vmem_shared>> -> memref<10240x8xf32, #tpu.memory_space<vmem_shared>>
    tpu.wait_indirect_dma semaphore(%arg21 : memref<!tpu.dma_semaphore, #tpu.memory_space<semaphore_mem>>) src(%dma_wait3A_445 : memref<10240x8xf32, #tpu.memory_space<vmem_shared>>) dst(%arg16 : memref<80x8xf32, #tpu.memory_space<vmem>>)
    %add3A_446 = arith.constant 48 : i32
    %add3A_447 = arith.addi %arg1, %add3A_446 : i32
    %mul3A_448 = arith.constant 10240 : i32
    %mul3A_449 = arith.muli %arg0, %mul3A_448 : i32
    %mul3A_450 = arith.constant 80 : i32
    %mul3A_451 = arith.muli %add3A_447, %mul3A_450 : i32
    %add3A_452 = arith.addi %mul3A_449, %mul3A_451 : i32
    "tpu.region"() ({
      %run_scoped3A = tpu.sem_alloc : memref<!tpu.dma_semaphore, #tpu.memory_space<semaphore_mem>>
      %dma_start3A_685 = arith.constant 0 : i32
      %dma_start3A_686 = tpu.memref_slice %arg10[%add3A_452, %dma_start3A_685] : memref<20480x8xf32, #tpu.memory_space<hbm>> -> memref<80x8xf32, #tpu.memory_space<hbm>>
      %dma_start3A_687 = arith.constant 0 : i32
      %dma_start3A_688 = tpu.memref_slice %arg10[%add3A_452, %dma_start3A_687] : memref<20480x8xf32, #tpu.memory_space<hbm>> -> memref<80x8xf32, #tpu.memory_space<hbm>>
      tpu.enqueue_dma source(%arg16 : memref<80x8xf32, #tpu.memory_space<vmem>>) target(%dma_start3A_688 : memref<80x8xf32, #tpu.memory_space<hbm>>) target_semaphore(%run_scoped3A : memref<!tpu.dma_semaphore, #tpu.memory_space<semaphore_mem>>)
      %dma_wait3A_689 = arith.constant 0 : i32
      %dma_wait3A_690 = tpu.memref_slice %arg10[%add3A_452, %dma_wait3A_689] : memref<20480x8xf32, #tpu.memory_space<hbm>> -> memref<80x8xf32, #tpu.memory_space<hbm>>
      %dma_wait3A_691 = arith.constant 0 : i32
      %dma_wait3A_692 = tpu.memref_slice %arg10[%add3A_452, %dma_wait3A_691] : memref<20480x8xf32, #tpu.memory_space<hbm>> -> memref<80x8xf32, #tpu.memory_space<hbm>>
      tpu.wait_dma2 semaphore(%run_scoped3A : memref<!tpu.dma_semaphore, #tpu.memory_space<semaphore_mem>>) src(%arg16 : memref<80x8xf32, #tpu.memory_space<vmem>>) dst(%dma_wait3A_692 : memref<80x8xf32, #tpu.memory_space<hbm>>)
      tpu.yield
    }) : () -> ()
    %dma_wait3A_453 = arith.constant 4 : i32
    %dma_wait3A_454 = arith.constant 0 : i32
    %dma_wait3A_455 = tpu.memref_slice %arg13[%dma_wait3A_453, %dma_wait3A_454] : memref<8x80xi32, #tpu.memory_space<vmem>> -> memref<1x80xi32, #tpu.memory_space<vmem>>
    %dma_wait3A_456 = tpu.memref_squeeze %dma_wait3A_455 : memref<1x80xi32, #tpu.memory_space<vmem>> -> memref<80xi32, #tpu.memory_space<vmem>>
    %dma_wait3A_457 = arith.constant 0 : i32
    %dma_wait3A_458 = arith.constant 0 : i32
    %dma_wait3A_459 = tpu.memref_slice %arg17[%dma_wait3A_457, %dma_wait3A_458] : memref<10240x128xf32, #tpu.memory_space<vmem_shared>> -> memref<10240x128xf32, #tpu.memory_space<vmem_shared>>
    tpu.wait_indirect_dma semaphore(%arg19 : memref<!tpu.dma_semaphore, #tpu.memory_space<semaphore_mem>>) src(%dma_wait3A_459 : memref<10240x128xf32, #tpu.memory_space<vmem_shared>>) dst(%arg14 : memref<80x128xf32, #tpu.memory_space<vmem>>)
    %add3A_460 = arith.constant 48 : i32
    %add3A_461 = arith.addi %arg1, %add3A_460 : i32
    %mul3A_462 = arith.constant 10240 : i32
    %mul3A_463 = arith.muli %arg0, %mul3A_462 : i32
    %mul3A_464 = arith.constant 80 : i32
    %mul3A_465 = arith.muli %add3A_461, %mul3A_464 : i32
    %add3A_466 = arith.addi %mul3A_463, %mul3A_465 : i32
    %dma_wait3A_467 = arith.constant 0 : i32
    %dma_wait3A_468 = tpu.memref_slice %arg9[%add3A_466, %dma_wait3A_467] : memref<20480x128xf32, #tpu.memory_space<hbm>> -> memref<80x128xf32, #tpu.memory_space<hbm>>
    %dma_wait3A_469 = arith.constant 0 : i32
    %dma_wait3A_470 = tpu.memref_slice %arg9[%add3A_466, %dma_wait3A_469] : memref<20480x128xf32, #tpu.memory_space<hbm>> -> memref<80x128xf32, #tpu.memory_space<hbm>>
    tpu.wait_dma2 semaphore(%arg20 : memref<!tpu.dma_semaphore, #tpu.memory_space<semaphore_mem>>) src(%arg15 : memref<80x128xf32, #tpu.memory_space<vmem>>) dst(%dma_wait3A_470 : memref<80x128xf32, #tpu.memory_space<hbm>>)
    %dma_start3A_471 = arith.constant 5 : i32
    %dma_start3A_472 = arith.constant 0 : i32
    %dma_start3A_473 = tpu.memref_slice %arg13[%dma_start3A_471, %dma_start3A_472] : memref<8x80xi32, #tpu.memory_space<vmem>> -> memref<1x80xi32, #tpu.memory_space<vmem>>
    %dma_start3A_474 = tpu.memref_squeeze %dma_start3A_473 : memref<1x80xi32, #tpu.memory_space<vmem>> -> memref<80xi32, #tpu.memory_space<vmem>>
    %dma_start3A_475 = arith.constant 0 : i32
    %dma_start3A_476 = arith.constant 0 : i32
    %dma_start3A_477 = tpu.memref_slice %arg17[%dma_start3A_475, %dma_start3A_476] : memref<10240x128xf32, #tpu.memory_space<vmem_shared>> -> memref<10240x128xf32, #tpu.memory_space<vmem_shared>>
    tpu.enqueue_indirect_dma source(%dma_start3A_477 : memref<10240x128xf32, #tpu.memory_space<vmem_shared>>) target(%arg15 : memref<80x128xf32, #tpu.memory_space<vmem>>) offsets(%dma_start3A_474 : memref<80xi32, #tpu.memory_space<vmem>>) semaphore(%arg19 : memref<!tpu.dma_semaphore, #tpu.memory_space<semaphore_mem>>)
    %add3A_478 = arith.constant 64 : i32
    %add3A_479 = arith.addi %arg1, %add3A_478 : i32
    %mul3A_480 = arith.constant 10240 : i32
    %mul3A_481 = arith.muli %arg0, %mul3A_480 : i32
    %mul3A_482 = arith.constant 80 : i32
    %mul3A_483 = arith.muli %add3A_479, %mul3A_482 : i32
    %add3A_484 = arith.addi %mul3A_481, %mul3A_483 : i32
    %dma_start3A_485 = arith.constant 0 : i32
    %dma_start3A_486 = tpu.memref_slice %arg9[%add3A_484, %dma_start3A_485] : memref<20480x128xf32, #tpu.memory_space<hbm>> -> memref<80x128xf32, #tpu.memory_space<hbm>>
    %dma_start3A_487 = arith.constant 0 : i32
    %dma_start3A_488 = tpu.memref_slice %arg9[%add3A_484, %dma_start3A_487] : memref<20480x128xf32, #tpu.memory_space<hbm>> -> memref<80x128xf32, #tpu.memory_space<hbm>>
    tpu.enqueue_dma source(%arg14 : memref<80x128xf32, #tpu.memory_space<vmem>>) target(%dma_start3A_488 : memref<80x128xf32, #tpu.memory_space<hbm>>) target_semaphore(%arg20 : memref<!tpu.dma_semaphore, #tpu.memory_space<semaphore_mem>>)
    %dma_start3A_489 = arith.constant 4 : i32
    %dma_start3A_490 = arith.constant 0 : i32
    %dma_start3A_491 = tpu.memref_slice %arg13[%dma_start3A_489, %dma_start3A_490] : memref<8x80xi32, #tpu.memory_space<vmem>> -> memref<1x80xi32, #tpu.memory_space<vmem>>
    %dma_start3A_492 = tpu.memref_squeeze %dma_start3A_491 : memref<1x80xi32, #tpu.memory_space<vmem>> -> memref<80xi32, #tpu.memory_space<vmem>>
    %dma_start3A_493 = arith.constant 0 : i32
    %dma_start3A_494 = arith.constant 0 : i32
    %dma_start3A_495 = tpu.memref_slice %arg18[%dma_start3A_493, %dma_start3A_494] : memref<10240x8xf32, #tpu.memory_space<vmem_shared>> -> memref<10240x8xf32, #tpu.memory_space<vmem_shared>>
    tpu.enqueue_indirect_dma source(%dma_start3A_495 : memref<10240x8xf32, #tpu.memory_space<vmem_shared>>) target(%arg16 : memref<80x8xf32, #tpu.memory_space<vmem>>) offsets(%dma_start3A_492 : memref<80xi32, #tpu.memory_space<vmem>>) semaphore(%arg21 : memref<!tpu.dma_semaphore, #tpu.memory_space<semaphore_mem>>)
    %dma_wait3A_496 = arith.constant 4 : i32
    %dma_wait3A_497 = arith.constant 0 : i32
    %dma_wait3A_498 = tpu.memref_slice %arg13[%dma_wait3A_496, %dma_wait3A_497] : memref<8x80xi32, #tpu.memory_space<vmem>> -> memref<1x80xi32, #tpu.memory_space<vmem>>
    %dma_wait3A_499 = tpu.memref_squeeze %dma_wait3A_498 : memref<1x80xi32, #tpu.memory_space<vmem>> -> memref<80xi32, #tpu.memory_space<vmem>>
    %dma_wait3A_500 = arith.constant 0 : i32
    %dma_wait3A_501 = arith.constant 0 : i32
    %dma_wait3A_502 = tpu.memref_slice %arg18[%dma_wait3A_500, %dma_wait3A_501] : memref<10240x8xf32, #tpu.memory_space<vmem_shared>> -> memref<10240x8xf32, #tpu.memory_space<vmem_shared>>
    tpu.wait_indirect_dma semaphore(%arg21 : memref<!tpu.dma_semaphore, #tpu.memory_space<semaphore_mem>>) src(%dma_wait3A_502 : memref<10240x8xf32, #tpu.memory_space<vmem_shared>>) dst(%arg16 : memref<80x8xf32, #tpu.memory_space<vmem>>)
    %add3A_503 = arith.constant 64 : i32
    %add3A_504 = arith.addi %arg1, %add3A_503 : i32
    %mul3A_505 = arith.constant 10240 : i32
    %mul3A_506 = arith.muli %arg0, %mul3A_505 : i32
    %mul3A_507 = arith.constant 80 : i32
    %mul3A_508 = arith.muli %add3A_504, %mul3A_507 : i32
    %add3A_509 = arith.addi %mul3A_506, %mul3A_508 : i32
    "tpu.region"() ({
      %run_scoped3A = tpu.sem_alloc : memref<!tpu.dma_semaphore, #tpu.memory_space<semaphore_mem>>
      %dma_start3A_685 = arith.constant 0 : i32
      %dma_start3A_686 = tpu.memref_slice %arg10[%add3A_509, %dma_start3A_685] : memref<20480x8xf32, #tpu.memory_space<hbm>> -> memref<80x8xf32, #tpu.memory_space<hbm>>
      %dma_start3A_687 = arith.constant 0 : i32
      %dma_start3A_688 = tpu.memref_slice %arg10[%add3A_509, %dma_start3A_687] : memref<20480x8xf32, #tpu.memory_space<hbm>> -> memref<80x8xf32, #tpu.memory_space<hbm>>
      tpu.enqueue_dma source(%arg16 : memref<80x8xf32, #tpu.memory_space<vmem>>) target(%dma_start3A_688 : memref<80x8xf32, #tpu.memory_space<hbm>>) target_semaphore(%run_scoped3A : memref<!tpu.dma_semaphore, #tpu.memory_space<semaphore_mem>>)
      %dma_wait3A_689 = arith.constant 0 : i32
      %dma_wait3A_690 = tpu.memref_slice %arg10[%add3A_509, %dma_wait3A_689] : memref<20480x8xf32, #tpu.memory_space<hbm>> -> memref<80x8xf32, #tpu.memory_space<hbm>>
      %dma_wait3A_691 = arith.constant 0 : i32
      %dma_wait3A_692 = tpu.memref_slice %arg10[%add3A_509, %dma_wait3A_691] : memref<20480x8xf32, #tpu.memory_space<hbm>> -> memref<80x8xf32, #tpu.memory_space<hbm>>
      tpu.wait_dma2 semaphore(%run_scoped3A : memref<!tpu.dma_semaphore, #tpu.memory_space<semaphore_mem>>) src(%arg16 : memref<80x8xf32, #tpu.memory_space<vmem>>) dst(%dma_wait3A_692 : memref<80x8xf32, #tpu.memory_space<hbm>>)
      tpu.yield
    }) : () -> ()
    %dma_wait3A_510 = arith.constant 5 : i32
    %dma_wait3A_511 = arith.constant 0 : i32
    %dma_wait3A_512 = tpu.memref_slice %arg13[%dma_wait3A_510, %dma_wait3A_511] : memref<8x80xi32, #tpu.memory_space<vmem>> -> memref<1x80xi32, #tpu.memory_space<vmem>>
    %dma_wait3A_513 = tpu.memref_squeeze %dma_wait3A_512 : memref<1x80xi32, #tpu.memory_space<vmem>> -> memref<80xi32, #tpu.memory_space<vmem>>
    %dma_wait3A_514 = arith.constant 0 : i32
    %dma_wait3A_515 = arith.constant 0 : i32
    %dma_wait3A_516 = tpu.memref_slice %arg17[%dma_wait3A_514, %dma_wait3A_515] : memref<10240x128xf32, #tpu.memory_space<vmem_shared>> -> memref<10240x128xf32, #tpu.memory_space<vmem_shared>>
    tpu.wait_indirect_dma semaphore(%arg19 : memref<!tpu.dma_semaphore, #tpu.memory_space<semaphore_mem>>) src(%dma_wait3A_516 : memref<10240x128xf32, #tpu.memory_space<vmem_shared>>) dst(%arg15 : memref<80x128xf32, #tpu.memory_space<vmem>>)
    %add3A_517 = arith.constant 64 : i32
    %add3A_518 = arith.addi %arg1, %add3A_517 : i32
    %mul3A_519 = arith.constant 10240 : i32
    %mul3A_520 = arith.muli %arg0, %mul3A_519 : i32
    %mul3A_521 = arith.constant 80 : i32
    %mul3A_522 = arith.muli %add3A_518, %mul3A_521 : i32
    %add3A_523 = arith.addi %mul3A_520, %mul3A_522 : i32
    %dma_wait3A_524 = arith.constant 0 : i32
    %dma_wait3A_525 = tpu.memref_slice %arg9[%add3A_523, %dma_wait3A_524] : memref<20480x128xf32, #tpu.memory_space<hbm>> -> memref<80x128xf32, #tpu.memory_space<hbm>>
    %dma_wait3A_526 = arith.constant 0 : i32
    %dma_wait3A_527 = tpu.memref_slice %arg9[%add3A_523, %dma_wait3A_526] : memref<20480x128xf32, #tpu.memory_space<hbm>> -> memref<80x128xf32, #tpu.memory_space<hbm>>
    tpu.wait_dma2 semaphore(%arg20 : memref<!tpu.dma_semaphore, #tpu.memory_space<semaphore_mem>>) src(%arg14 : memref<80x128xf32, #tpu.memory_space<vmem>>) dst(%dma_wait3A_527 : memref<80x128xf32, #tpu.memory_space<hbm>>)
    %dma_start3A_528 = arith.constant 6 : i32
    %dma_start3A_529 = arith.constant 0 : i32
    %dma_start3A_530 = tpu.memref_slice %arg13[%dma_start3A_528, %dma_start3A_529] : memref<8x80xi32, #tpu.memory_space<vmem>> -> memref<1x80xi32, #tpu.memory_space<vmem>>
    %dma_start3A_531 = tpu.memref_squeeze %dma_start3A_530 : memref<1x80xi32, #tpu.memory_space<vmem>> -> memref<80xi32, #tpu.memory_space<vmem>>
    %dma_start3A_532 = arith.constant 0 : i32
    %dma_start3A_533 = arith.constant 0 : i32
    %dma_start3A_534 = tpu.memref_slice %arg17[%dma_start3A_532, %dma_start3A_533] : memref<10240x128xf32, #tpu.memory_space<vmem_shared>> -> memref<10240x128xf32, #tpu.memory_space<vmem_shared>>
    tpu.enqueue_indirect_dma source(%dma_start3A_534 : memref<10240x128xf32, #tpu.memory_space<vmem_shared>>) target(%arg14 : memref<80x128xf32, #tpu.memory_space<vmem>>) offsets(%dma_start3A_531 : memref<80xi32, #tpu.memory_space<vmem>>) semaphore(%arg19 : memref<!tpu.dma_semaphore, #tpu.memory_space<semaphore_mem>>)
    %add3A_535 = arith.constant 80 : i32
    %add3A_536 = arith.addi %arg1, %add3A_535 : i32
    %mul3A_537 = arith.constant 10240 : i32
    %mul3A_538 = arith.muli %arg0, %mul3A_537 : i32
    %mul3A_539 = arith.constant 80 : i32
    %mul3A_540 = arith.muli %add3A_536, %mul3A_539 : i32
    %add3A_541 = arith.addi %mul3A_538, %mul3A_540 : i32
    %dma_start3A_542 = arith.constant 0 : i32
    %dma_start3A_543 = tpu.memref_slice %arg9[%add3A_541, %dma_start3A_542] : memref<20480x128xf32, #tpu.memory_space<hbm>> -> memref<80x128xf32, #tpu.memory_space<hbm>>
    %dma_start3A_544 = arith.constant 0 : i32
    %dma_start3A_545 = tpu.memref_slice %arg9[%add3A_541, %dma_start3A_544] : memref<20480x128xf32, #tpu.memory_space<hbm>> -> memref<80x128xf32, #tpu.memory_space<hbm>>
    tpu.enqueue_dma source(%arg15 : memref<80x128xf32, #tpu.memory_space<vmem>>) target(%dma_start3A_545 : memref<80x128xf32, #tpu.memory_space<hbm>>) target_semaphore(%arg20 : memref<!tpu.dma_semaphore, #tpu.memory_space<semaphore_mem>>)
    %dma_start3A_546 = arith.constant 5 : i32
    %dma_start3A_547 = arith.constant 0 : i32
    %dma_start3A_548 = tpu.memref_slice %arg13[%dma_start3A_546, %dma_start3A_547] : memref<8x80xi32, #tpu.memory_space<vmem>> -> memref<1x80xi32, #tpu.memory_space<vmem>>
    %dma_start3A_549 = tpu.memref_squeeze %dma_start3A_548 : memref<1x80xi32, #tpu.memory_space<vmem>> -> memref<80xi32, #tpu.memory_space<vmem>>
    %dma_start3A_550 = arith.constant 0 : i32
    %dma_start3A_551 = arith.constant 0 : i32
    %dma_start3A_552 = tpu.memref_slice %arg18[%dma_start3A_550, %dma_start3A_551] : memref<10240x8xf32, #tpu.memory_space<vmem_shared>> -> memref<10240x8xf32, #tpu.memory_space<vmem_shared>>
    tpu.enqueue_indirect_dma source(%dma_start3A_552 : memref<10240x8xf32, #tpu.memory_space<vmem_shared>>) target(%arg16 : memref<80x8xf32, #tpu.memory_space<vmem>>) offsets(%dma_start3A_549 : memref<80xi32, #tpu.memory_space<vmem>>) semaphore(%arg21 : memref<!tpu.dma_semaphore, #tpu.memory_space<semaphore_mem>>)
    %dma_wait3A_553 = arith.constant 5 : i32
    %dma_wait3A_554 = arith.constant 0 : i32
    %dma_wait3A_555 = tpu.memref_slice %arg13[%dma_wait3A_553, %dma_wait3A_554] : memref<8x80xi32, #tpu.memory_space<vmem>> -> memref<1x80xi32, #tpu.memory_space<vmem>>
    %dma_wait3A_556 = tpu.memref_squeeze %dma_wait3A_555 : memref<1x80xi32, #tpu.memory_space<vmem>> -> memref<80xi32, #tpu.memory_space<vmem>>
    %dma_wait3A_557 = arith.constant 0 : i32
    %dma_wait3A_558 = arith.constant 0 : i32
    %dma_wait3A_559 = tpu.memref_slice %arg18[%dma_wait3A_557, %dma_wait3A_558] : memref<10240x8xf32, #tpu.memory_space<vmem_shared>> -> memref<10240x8xf32, #tpu.memory_space<vmem_shared>>
    tpu.wait_indirect_dma semaphore(%arg21 : memref<!tpu.dma_semaphore, #tpu.memory_space<semaphore_mem>>) src(%dma_wait3A_559 : memref<10240x8xf32, #tpu.memory_space<vmem_shared>>) dst(%arg16 : memref<80x8xf32, #tpu.memory_space<vmem>>)
    %add3A_560 = arith.constant 80 : i32
    %add3A_561 = arith.addi %arg1, %add3A_560 : i32
    %mul3A_562 = arith.constant 10240 : i32
    %mul3A_563 = arith.muli %arg0, %mul3A_562 : i32
    %mul3A_564 = arith.constant 80 : i32
    %mul3A_565 = arith.muli %add3A_561, %mul3A_564 : i32
    %add3A_566 = arith.addi %mul3A_563, %mul3A_565 : i32
    "tpu.region"() ({
      %run_scoped3A = tpu.sem_alloc : memref<!tpu.dma_semaphore, #tpu.memory_space<semaphore_mem>>
      %dma_start3A_685 = arith.constant 0 : i32
      %dma_start3A_686 = tpu.memref_slice %arg10[%add3A_566, %dma_start3A_685] : memref<20480x8xf32, #tpu.memory_space<hbm>> -> memref<80x8xf32, #tpu.memory_space<hbm>>
      %dma_start3A_687 = arith.constant 0 : i32
      %dma_start3A_688 = tpu.memref_slice %arg10[%add3A_566, %dma_start3A_687] : memref<20480x8xf32, #tpu.memory_space<hbm>> -> memref<80x8xf32, #tpu.memory_space<hbm>>
      tpu.enqueue_dma source(%arg16 : memref<80x8xf32, #tpu.memory_space<vmem>>) target(%dma_start3A_688 : memref<80x8xf32, #tpu.memory_space<hbm>>) target_semaphore(%run_scoped3A : memref<!tpu.dma_semaphore, #tpu.memory_space<semaphore_mem>>)
      %dma_wait3A_689 = arith.constant 0 : i32
      %dma_wait3A_690 = tpu.memref_slice %arg10[%add3A_566, %dma_wait3A_689] : memref<20480x8xf32, #tpu.memory_space<hbm>> -> memref<80x8xf32, #tpu.memory_space<hbm>>
      %dma_wait3A_691 = arith.constant 0 : i32
      %dma_wait3A_692 = tpu.memref_slice %arg10[%add3A_566, %dma_wait3A_691] : memref<20480x8xf32, #tpu.memory_space<hbm>> -> memref<80x8xf32, #tpu.memory_space<hbm>>
      tpu.wait_dma2 semaphore(%run_scoped3A : memref<!tpu.dma_semaphore, #tpu.memory_space<semaphore_mem>>) src(%arg16 : memref<80x8xf32, #tpu.memory_space<vmem>>) dst(%dma_wait3A_692 : memref<80x8xf32, #tpu.memory_space<hbm>>)
      tpu.yield
    }) : () -> ()
    %dma_wait3A_567 = arith.constant 6 : i32
    %dma_wait3A_568 = arith.constant 0 : i32
    %dma_wait3A_569 = tpu.memref_slice %arg13[%dma_wait3A_567, %dma_wait3A_568] : memref<8x80xi32, #tpu.memory_space<vmem>> -> memref<1x80xi32, #tpu.memory_space<vmem>>
    %dma_wait3A_570 = tpu.memref_squeeze %dma_wait3A_569 : memref<1x80xi32, #tpu.memory_space<vmem>> -> memref<80xi32, #tpu.memory_space<vmem>>
    %dma_wait3A_571 = arith.constant 0 : i32
    %dma_wait3A_572 = arith.constant 0 : i32
    %dma_wait3A_573 = tpu.memref_slice %arg17[%dma_wait3A_571, %dma_wait3A_572] : memref<10240x128xf32, #tpu.memory_space<vmem_shared>> -> memref<10240x128xf32, #tpu.memory_space<vmem_shared>>
    tpu.wait_indirect_dma semaphore(%arg19 : memref<!tpu.dma_semaphore, #tpu.memory_space<semaphore_mem>>) src(%dma_wait3A_573 : memref<10240x128xf32, #tpu.memory_space<vmem_shared>>) dst(%arg14 : memref<80x128xf32, #tpu.memory_space<vmem>>)
    %add3A_574 = arith.constant 80 : i32
    %add3A_575 = arith.addi %arg1, %add3A_574 : i32
    %mul3A_576 = arith.constant 10240 : i32
    %mul3A_577 = arith.muli %arg0, %mul3A_576 : i32
    %mul3A_578 = arith.constant 80 : i32
    %mul3A_579 = arith.muli %add3A_575, %mul3A_578 : i32
    %add3A_580 = arith.addi %mul3A_577, %mul3A_579 : i32
    %dma_wait3A_581 = arith.constant 0 : i32
    %dma_wait3A_582 = tpu.memref_slice %arg9[%add3A_580, %dma_wait3A_581] : memref<20480x128xf32, #tpu.memory_space<hbm>> -> memref<80x128xf32, #tpu.memory_space<hbm>>
    %dma_wait3A_583 = arith.constant 0 : i32
    %dma_wait3A_584 = tpu.memref_slice %arg9[%add3A_580, %dma_wait3A_583] : memref<20480x128xf32, #tpu.memory_space<hbm>> -> memref<80x128xf32, #tpu.memory_space<hbm>>
    tpu.wait_dma2 semaphore(%arg20 : memref<!tpu.dma_semaphore, #tpu.memory_space<semaphore_mem>>) src(%arg15 : memref<80x128xf32, #tpu.memory_space<vmem>>) dst(%dma_wait3A_584 : memref<80x128xf32, #tpu.memory_space<hbm>>)
    %dma_start3A_585 = arith.constant 7 : i32
    %dma_start3A_586 = arith.constant 0 : i32
    %dma_start3A_587 = tpu.memref_slice %arg13[%dma_start3A_585, %dma_start3A_586] : memref<8x80xi32, #tpu.memory_space<vmem>> -> memref<1x80xi32, #tpu.memory_space<vmem>>
    %dma_start3A_588 = tpu.memref_squeeze %dma_start3A_587 : memref<1x80xi32, #tpu.memory_space<vmem>> -> memref<80xi32, #tpu.memory_space<vmem>>
    %dma_start3A_589 = arith.constant 0 : i32
    %dma_start3A_590 = arith.constant 0 : i32
    %dma_start3A_591 = tpu.memref_slice %arg17[%dma_start3A_589, %dma_start3A_590] : memref<10240x128xf32, #tpu.memory_space<vmem_shared>> -> memref<10240x128xf32, #tpu.memory_space<vmem_shared>>
    tpu.enqueue_indirect_dma source(%dma_start3A_591 : memref<10240x128xf32, #tpu.memory_space<vmem_shared>>) target(%arg15 : memref<80x128xf32, #tpu.memory_space<vmem>>) offsets(%dma_start3A_588 : memref<80xi32, #tpu.memory_space<vmem>>) semaphore(%arg19 : memref<!tpu.dma_semaphore, #tpu.memory_space<semaphore_mem>>)
    %add3A_592 = arith.constant 96 : i32
    %add3A_593 = arith.addi %arg1, %add3A_592 : i32
    %mul3A_594 = arith.constant 10240 : i32
    %mul3A_595 = arith.muli %arg0, %mul3A_594 : i32
    %mul3A_596 = arith.constant 80 : i32
    %mul3A_597 = arith.muli %add3A_593, %mul3A_596 : i32
    %add3A_598 = arith.addi %mul3A_595, %mul3A_597 : i32
    %dma_start3A_599 = arith.constant 0 : i32
    %dma_start3A_600 = tpu.memref_slice %arg9[%add3A_598, %dma_start3A_599] : memref<20480x128xf32, #tpu.memory_space<hbm>> -> memref<80x128xf32, #tpu.memory_space<hbm>>
    %dma_start3A_601 = arith.constant 0 : i32
    %dma_start3A_602 = tpu.memref_slice %arg9[%add3A_598, %dma_start3A_601] : memref<20480x128xf32, #tpu.memory_space<hbm>> -> memref<80x128xf32, #tpu.memory_space<hbm>>
    tpu.enqueue_dma source(%arg14 : memref<80x128xf32, #tpu.memory_space<vmem>>) target(%dma_start3A_602 : memref<80x128xf32, #tpu.memory_space<hbm>>) target_semaphore(%arg20 : memref<!tpu.dma_semaphore, #tpu.memory_space<semaphore_mem>>)
    %dma_start3A_603 = arith.constant 6 : i32
    %dma_start3A_604 = arith.constant 0 : i32
    %dma_start3A_605 = tpu.memref_slice %arg13[%dma_start3A_603, %dma_start3A_604] : memref<8x80xi32, #tpu.memory_space<vmem>> -> memref<1x80xi32, #tpu.memory_space<vmem>>
    %dma_start3A_606 = tpu.memref_squeeze %dma_start3A_605 : memref<1x80xi32, #tpu.memory_space<vmem>> -> memref<80xi32, #tpu.memory_space<vmem>>
    %dma_start3A_607 = arith.constant 0 : i32
    %dma_start3A_608 = arith.constant 0 : i32
    %dma_start3A_609 = tpu.memref_slice %arg18[%dma_start3A_607, %dma_start3A_608] : memref<10240x8xf32, #tpu.memory_space<vmem_shared>> -> memref<10240x8xf32, #tpu.memory_space<vmem_shared>>
    tpu.enqueue_indirect_dma source(%dma_start3A_609 : memref<10240x8xf32, #tpu.memory_space<vmem_shared>>) target(%arg16 : memref<80x8xf32, #tpu.memory_space<vmem>>) offsets(%dma_start3A_606 : memref<80xi32, #tpu.memory_space<vmem>>) semaphore(%arg21 : memref<!tpu.dma_semaphore, #tpu.memory_space<semaphore_mem>>)
    %dma_wait3A_610 = arith.constant 6 : i32
    %dma_wait3A_611 = arith.constant 0 : i32
    %dma_wait3A_612 = tpu.memref_slice %arg13[%dma_wait3A_610, %dma_wait3A_611] : memref<8x80xi32, #tpu.memory_space<vmem>> -> memref<1x80xi32, #tpu.memory_space<vmem>>
    %dma_wait3A_613 = tpu.memref_squeeze %dma_wait3A_612 : memref<1x80xi32, #tpu.memory_space<vmem>> -> memref<80xi32, #tpu.memory_space<vmem>>
    %dma_wait3A_614 = arith.constant 0 : i32
    %dma_wait3A_615 = arith.constant 0 : i32
    %dma_wait3A_616 = tpu.memref_slice %arg18[%dma_wait3A_614, %dma_wait3A_615] : memref<10240x8xf32, #tpu.memory_space<vmem_shared>> -> memref<10240x8xf32, #tpu.memory_space<vmem_shared>>
    tpu.wait_indirect_dma semaphore(%arg21 : memref<!tpu.dma_semaphore, #tpu.memory_space<semaphore_mem>>) src(%dma_wait3A_616 : memref<10240x8xf32, #tpu.memory_space<vmem_shared>>) dst(%arg16 : memref<80x8xf32, #tpu.memory_space<vmem>>)
    %add3A_617 = arith.constant 96 : i32
    %add3A_618 = arith.addi %arg1, %add3A_617 : i32
    %mul3A_619 = arith.constant 10240 : i32
    %mul3A_620 = arith.muli %arg0, %mul3A_619 : i32
    %mul3A_621 = arith.constant 80 : i32
    %mul3A_622 = arith.muli %add3A_618, %mul3A_621 : i32
    %add3A_623 = arith.addi %mul3A_620, %mul3A_622 : i32
    "tpu.region"() ({
      %run_scoped3A = tpu.sem_alloc : memref<!tpu.dma_semaphore, #tpu.memory_space<semaphore_mem>>
      %dma_start3A_685 = arith.constant 0 : i32
      %dma_start3A_686 = tpu.memref_slice %arg10[%add3A_623, %dma_start3A_685] : memref<20480x8xf32, #tpu.memory_space<hbm>> -> memref<80x8xf32, #tpu.memory_space<hbm>>
      %dma_start3A_687 = arith.constant 0 : i32
      %dma_start3A_688 = tpu.memref_slice %arg10[%add3A_623, %dma_start3A_687] : memref<20480x8xf32, #tpu.memory_space<hbm>> -> memref<80x8xf32, #tpu.memory_space<hbm>>
      tpu.enqueue_dma source(%arg16 : memref<80x8xf32, #tpu.memory_space<vmem>>) target(%dma_start3A_688 : memref<80x8xf32, #tpu.memory_space<hbm>>) target_semaphore(%run_scoped3A : memref<!tpu.dma_semaphore, #tpu.memory_space<semaphore_mem>>)
      %dma_wait3A_689 = arith.constant 0 : i32
      %dma_wait3A_690 = tpu.memref_slice %arg10[%add3A_623, %dma_wait3A_689] : memref<20480x8xf32, #tpu.memory_space<hbm>> -> memref<80x8xf32, #tpu.memory_space<hbm>>
      %dma_wait3A_691 = arith.constant 0 : i32
      %dma_wait3A_692 = tpu.memref_slice %arg10[%add3A_623, %dma_wait3A_691] : memref<20480x8xf32, #tpu.memory_space<hbm>> -> memref<80x8xf32, #tpu.memory_space<hbm>>
      tpu.wait_dma2 semaphore(%run_scoped3A : memref<!tpu.dma_semaphore, #tpu.memory_space<semaphore_mem>>) src(%arg16 : memref<80x8xf32, #tpu.memory_space<vmem>>) dst(%dma_wait3A_692 : memref<80x8xf32, #tpu.memory_space<hbm>>)
      tpu.yield
    }) : () -> ()
    %dma_wait3A_624 = arith.constant 7 : i32
    %dma_wait3A_625 = arith.constant 0 : i32
    %dma_wait3A_626 = tpu.memref_slice %arg13[%dma_wait3A_624, %dma_wait3A_625] : memref<8x80xi32, #tpu.memory_space<vmem>> -> memref<1x80xi32, #tpu.memory_space<vmem>>
    %dma_wait3A_627 = tpu.memref_squeeze %dma_wait3A_626 : memref<1x80xi32, #tpu.memory_space<vmem>> -> memref<80xi32, #tpu.memory_space<vmem>>
    %dma_wait3A_628 = arith.constant 0 : i32
    %dma_wait3A_629 = arith.constant 0 : i32
    %dma_wait3A_630 = tpu.memref_slice %arg17[%dma_wait3A_628, %dma_wait3A_629] : memref<10240x128xf32, #tpu.memory_space<vmem_shared>> -> memref<10240x128xf32, #tpu.memory_space<vmem_shared>>
    tpu.wait_indirect_dma semaphore(%arg19 : memref<!tpu.dma_semaphore, #tpu.memory_space<semaphore_mem>>) src(%dma_wait3A_630 : memref<10240x128xf32, #tpu.memory_space<vmem_shared>>) dst(%arg15 : memref<80x128xf32, #tpu.memory_space<vmem>>)
    %add3A_631 = arith.constant 96 : i32
    %add3A_632 = arith.addi %arg1, %add3A_631 : i32
    %mul3A_633 = arith.constant 10240 : i32
    %mul3A_634 = arith.muli %arg0, %mul3A_633 : i32
    %mul3A_635 = arith.constant 80 : i32
    %mul3A_636 = arith.muli %add3A_632, %mul3A_635 : i32
    %add3A_637 = arith.addi %mul3A_634, %mul3A_636 : i32
    %dma_wait3A_638 = arith.constant 0 : i32
    %dma_wait3A_639 = tpu.memref_slice %arg9[%add3A_637, %dma_wait3A_638] : memref<20480x128xf32, #tpu.memory_space<hbm>> -> memref<80x128xf32, #tpu.memory_space<hbm>>
    %dma_wait3A_640 = arith.constant 0 : i32
    %dma_wait3A_641 = tpu.memref_slice %arg9[%add3A_637, %dma_wait3A_640] : memref<20480x128xf32, #tpu.memory_space<hbm>> -> memref<80x128xf32, #tpu.memory_space<hbm>>
    tpu.wait_dma2 semaphore(%arg20 : memref<!tpu.dma_semaphore, #tpu.memory_space<semaphore_mem>>) src(%arg14 : memref<80x128xf32, #tpu.memory_space<vmem>>) dst(%dma_wait3A_641 : memref<80x128xf32, #tpu.memory_space<hbm>>)
    %add3A_642 = arith.constant 112 : i32
    %add3A_643 = arith.addi %arg1, %add3A_642 : i32
    %mul3A_644 = arith.constant 10240 : i32
    %mul3A_645 = arith.muli %arg0, %mul3A_644 : i32
    %mul3A_646 = arith.constant 80 : i32
    %mul3A_647 = arith.muli %add3A_643, %mul3A_646 : i32
    %add3A_648 = arith.addi %mul3A_645, %mul3A_647 : i32
    %dma_start3A_649 = arith.constant 0 : i32
    %dma_start3A_650 = tpu.memref_slice %arg9[%add3A_648, %dma_start3A_649] : memref<20480x128xf32, #tpu.memory_space<hbm>> -> memref<80x128xf32, #tpu.memory_space<hbm>>
    %dma_start3A_651 = arith.constant 0 : i32
    %dma_start3A_652 = tpu.memref_slice %arg9[%add3A_648, %dma_start3A_651] : memref<20480x128xf32, #tpu.memory_space<hbm>> -> memref<80x128xf32, #tpu.memory_space<hbm>>
    tpu.enqueue_dma source(%arg15 : memref<80x128xf32, #tpu.memory_space<vmem>>) target(%dma_start3A_652 : memref<80x128xf32, #tpu.memory_space<hbm>>) target_semaphore(%arg20 : memref<!tpu.dma_semaphore, #tpu.memory_space<semaphore_mem>>)
    %dma_start3A_653 = arith.constant 7 : i32
    %dma_start3A_654 = arith.constant 0 : i32
    %dma_start3A_655 = tpu.memref_slice %arg13[%dma_start3A_653, %dma_start3A_654] : memref<8x80xi32, #tpu.memory_space<vmem>> -> memref<1x80xi32, #tpu.memory_space<vmem>>
    %dma_start3A_656 = tpu.memref_squeeze %dma_start3A_655 : memref<1x80xi32, #tpu.memory_space<vmem>> -> memref<80xi32, #tpu.memory_space<vmem>>
    %dma_start3A_657 = arith.constant 0 : i32
    %dma_start3A_658 = arith.constant 0 : i32
    %dma_start3A_659 = tpu.memref_slice %arg18[%dma_start3A_657, %dma_start3A_658] : memref<10240x8xf32, #tpu.memory_space<vmem_shared>> -> memref<10240x8xf32, #tpu.memory_space<vmem_shared>>
    tpu.enqueue_indirect_dma source(%dma_start3A_659 : memref<10240x8xf32, #tpu.memory_space<vmem_shared>>) target(%arg16 : memref<80x8xf32, #tpu.memory_space<vmem>>) offsets(%dma_start3A_656 : memref<80xi32, #tpu.memory_space<vmem>>) semaphore(%arg21 : memref<!tpu.dma_semaphore, #tpu.memory_space<semaphore_mem>>)
    %dma_wait3A_660 = arith.constant 7 : i32
    %dma_wait3A_661 = arith.constant 0 : i32
    %dma_wait3A_662 = tpu.memref_slice %arg13[%dma_wait3A_660, %dma_wait3A_661] : memref<8x80xi32, #tpu.memory_space<vmem>> -> memref<1x80xi32, #tpu.memory_space<vmem>>
    %dma_wait3A_663 = tpu.memref_squeeze %dma_wait3A_662 : memref<1x80xi32, #tpu.memory_space<vmem>> -> memref<80xi32, #tpu.memory_space<vmem>>
    %dma_wait3A_664 = arith.constant 0 : i32
    %dma_wait3A_665 = arith.constant 0 : i32
    %dma_wait3A_666 = tpu.memref_slice %arg18[%dma_wait3A_664, %dma_wait3A_665] : memref<10240x8xf32, #tpu.memory_space<vmem_shared>> -> memref<10240x8xf32, #tpu.memory_space<vmem_shared>>
    tpu.wait_indirect_dma semaphore(%arg21 : memref<!tpu.dma_semaphore, #tpu.memory_space<semaphore_mem>>) src(%dma_wait3A_666 : memref<10240x8xf32, #tpu.memory_space<vmem_shared>>) dst(%arg16 : memref<80x8xf32, #tpu.memory_space<vmem>>)
    %add3A_667 = arith.constant 112 : i32
    %add3A_668 = arith.addi %arg1, %add3A_667 : i32
    %mul3A_669 = arith.constant 10240 : i32
    %mul3A_670 = arith.muli %arg0, %mul3A_669 : i32
    %mul3A_671 = arith.constant 80 : i32
    %mul3A_672 = arith.muli %add3A_668, %mul3A_671 : i32
    %add3A_673 = arith.addi %mul3A_670, %mul3A_672 : i32
    "tpu.region"() ({
      %run_scoped3A = tpu.sem_alloc : memref<!tpu.dma_semaphore, #tpu.memory_space<semaphore_mem>>
      %dma_start3A_685 = arith.constant 0 : i32
      %dma_start3A_686 = tpu.memref_slice %arg10[%add3A_673, %dma_start3A_685] : memref<20480x8xf32, #tpu.memory_space<hbm>> -> memref<80x8xf32, #tpu.memory_space<hbm>>
      %dma_start3A_687 = arith.constant 0 : i32
      %dma_start3A_688 = tpu.memref_slice %arg10[%add3A_673, %dma_start3A_687] : memref<20480x8xf32, #tpu.memory_space<hbm>> -> memref<80x8xf32, #tpu.memory_space<hbm>>
      tpu.enqueue_dma source(%arg16 : memref<80x8xf32, #tpu.memory_space<vmem>>) target(%dma_start3A_688 : memref<80x8xf32, #tpu.memory_space<hbm>>) target_semaphore(%run_scoped3A : memref<!tpu.dma_semaphore, #tpu.memory_space<semaphore_mem>>)
      %dma_wait3A_689 = arith.constant 0 : i32
      %dma_wait3A_690 = tpu.memref_slice %arg10[%add3A_673, %dma_wait3A_689] : memref<20480x8xf32, #tpu.memory_space<hbm>> -> memref<80x8xf32, #tpu.memory_space<hbm>>
      %dma_wait3A_691 = arith.constant 0 : i32
      %dma_wait3A_692 = tpu.memref_slice %arg10[%add3A_673, %dma_wait3A_691] : memref<20480x8xf32, #tpu.memory_space<hbm>> -> memref<80x8xf32, #tpu.memory_space<hbm>>
      tpu.wait_dma2 semaphore(%run_scoped3A : memref<!tpu.dma_semaphore, #tpu.memory_space<semaphore_mem>>) src(%arg16 : memref<80x8xf32, #tpu.memory_space<vmem>>) dst(%dma_wait3A_692 : memref<80x8xf32, #tpu.memory_space<hbm>>)
      tpu.yield
    }) : () -> ()
    %add3A_674 = arith.constant 112 : i32
    %add3A_675 = arith.addi %arg1, %add3A_674 : i32
    %mul3A_676 = arith.constant 10240 : i32
    %mul3A_677 = arith.muli %arg0, %mul3A_676 : i32
    %mul3A_678 = arith.constant 80 : i32
    %mul3A_679 = arith.muli %add3A_675, %mul3A_678 : i32
    %add3A_680 = arith.addi %mul3A_677, %mul3A_679 : i32
    %dma_wait3A_681 = arith.constant 0 : i32
    %dma_wait3A_682 = tpu.memref_slice %arg9[%add3A_680, %dma_wait3A_681] : memref<20480x128xf32, #tpu.memory_space<hbm>> -> memref<80x128xf32, #tpu.memory_space<hbm>>
    %dma_wait3A_683 = arith.constant 0 : i32
    %dma_wait3A_684 = tpu.memref_slice %arg9[%add3A_680, %dma_wait3A_683] : memref<20480x128xf32, #tpu.memory_space<hbm>> -> memref<80x128xf32, #tpu.memory_space<hbm>>
    tpu.wait_dma2 semaphore(%arg20 : memref<!tpu.dma_semaphore, #tpu.memory_space<semaphore_mem>>) src(%arg15 : memref<80x128xf32, #tpu.memory_space<vmem>>) dst(%dma_wait3A_684 : memref<80x128xf32, #tpu.memory_space<hbm>>)
    return
  }
}

module attributes {stable_mosaic.version = 14 : i64} {
  func.func @_tc_combine_body(%arg0: i32, %arg1: memref<1000x128xf32, #tpu.memory_space<vmem>>, %arg2: memref<2x1000x128xf32, #tpu.memory_space<vmem>>, %arg3: memref<2x1000x8xf32, #tpu.memory_space<vmem>>, %arg4: memref<128x128xf32, #tpu.memory_space<vmem>>, %arg5: memref<128x128xf32, #tpu.memory_space<vmem>>, %arg6: memref<1x128xf32, #tpu.memory_space<vmem>>, %arg7: memref<1000x128xf32, #tpu.memory_space<vmem>>) attributes {dimension_semantics = [#tpu.dimension_semantics<arbitrary>], iteration_bounds = array<i64: 10>, scalar_prefetch = 0 : i64, scratch_operands = 0 : i64, tpu.core_type = #tpu.core_type<tc>, window_params = [{transform_indices = @transform_0, window_bounds = array<i64: 1000, 128>}, {transform_indices = @transform_1, window_bounds = array<i64: 2, 1000, 128>}, {transform_indices = @transform_2, window_bounds = array<i64: 2, 1000, 8>}, {pipeline_mode = #tpu.pipeline_mode<synchronous>, transform_indices = @transform_3, window_bounds = array<i64: 128, 128>}, {pipeline_mode = #tpu.pipeline_mode<synchronous>, transform_indices = @transform_4, window_bounds = array<i64: 128, 128>}, {pipeline_mode = #tpu.pipeline_mode<synchronous>, transform_indices = @transform_5, window_bounds = array<i64: 1, 128>}, {transform_indices = @transform_6, window_bounds = array<i64: 1000, 128>}]} {
    %get3A = arith.constant 0 : index
    %get3A_0 = arith.constant 0 : index
    %get3A_1 = arith.constant 0 : index
    %get3A_2 = vector.load %arg2[%get3A, %get3A_0, %get3A_1] : memref<2x1000x128xf32, #tpu.memory_space<vmem>>, vector<1x1000x128xf32>
    %get3A_3 = vector.shape_cast %get3A_2 : vector<1x1000x128xf32> to vector<1000x128xf32>
    %get3A_4 = arith.constant 1 : index
    %get3A_5 = arith.constant 0 : index
    %get3A_6 = arith.constant 0 : index
    %get3A_7 = vector.load %arg2[%get3A_4, %get3A_5, %get3A_6] : memref<2x1000x128xf32, #tpu.memory_space<vmem>>, vector<1x1000x128xf32>
    %get3A_8 = vector.shape_cast %get3A_7 : vector<1x1000x128xf32> to vector<1000x128xf32>
    %add3A = arith.addf %get3A_3, %get3A_8 : vector<1000x128xf32>
    %get3A_9 = arith.constant 0 : index
    %get3A_10 = arith.constant 0 : index
    %get3A_11 = arith.constant 0 : index
    %get3A_12 = vector.load %arg3[%get3A_9, %get3A_10, %get3A_11] : memref<2x1000x8xf32, #tpu.memory_space<vmem>>, vector<1x1000x8xf32>
    %get3A_13 = vector.shape_cast %get3A_12 : vector<1x1000x8xf32> to vector<1000x8xf32>
    %get3A_14 = arith.constant 1 : index
    %get3A_15 = arith.constant 0 : index
    %get3A_16 = arith.constant 0 : index
    %get3A_17 = vector.load %arg3[%get3A_14, %get3A_15, %get3A_16] : memref<2x1000x8xf32, #tpu.memory_space<vmem>>, vector<1x1000x8xf32>
    %get3A_18 = vector.shape_cast %get3A_17 : vector<1x1000x8xf32> to vector<1000x8xf32>
    %add3A_19 = arith.addf %get3A_13, %get3A_18 : vector<1000x8xf32>
    %slice3A = vector.extract_strided_slice %add3A_19 {offsets = [0, 0], sizes = [1000, 1], strides = [1, 1]} : vector<1000x8xf32> to vector<1000x1xf32>
    %max3A = arith.constant 1.000000e+00 : f32
    %max3A_20 = vector.broadcast %max3A : f32 to vector<1000x1xf32>
    %max3A_21 = arith.maximumf %slice3A, %max3A_20 : vector<1000x1xf32>
    %div3A = vector.broadcast %max3A_21 : vector<1000x1xf32> to vector<1000x128xf32>
    %div3A_22 = arith.divf %add3A, %div3A : vector<1000x128xf32>
    %get3A_23 = arith.constant 0 : index
    %get3A_24 = arith.constant 0 : index
    %get3A_25 = vector.load %arg1[%get3A_23, %get3A_24] : memref<1000x128xf32, #tpu.memory_space<vmem>>, vector<1000x128xf32>
    %get3A_26 = arith.constant 0 : index
    %get3A_27 = arith.constant 0 : index
    %get3A_28 = vector.load %arg4[%get3A_26, %get3A_27] : memref<128x128xf32, #tpu.memory_space<vmem>>, vector<128x128xf32>
    %dot_general3A = arith.constant dense<0.000000e+00> : vector<1000x128xf32>
    %dot_general3A_29 = tpu.matmul %get3A_25, %get3A_28, %dot_general3A {dimension_numbers = #tpu.dot_dimension_numbers<[1], [0], [0], [1], [0, 0, 1, 1], [], []>, transpose_lhs_hint = false} : vector<1000x128xf32>, vector<128x128xf32>, vector<1000x128xf32> -> vector<1000x128xf32>
    %get3A_30 = arith.constant 0 : index
    %get3A_31 = arith.constant 0 : index
    %get3A_32 = vector.load %arg5[%get3A_30, %get3A_31] : memref<128x128xf32, #tpu.memory_space<vmem>>, vector<128x128xf32>
    %dot_general3A_33 = arith.constant dense<0.000000e+00> : vector<1000x128xf32>
    %dot_general3A_34 = tpu.matmul %div3A_22, %get3A_32, %dot_general3A_33 {dimension_numbers = #tpu.dot_dimension_numbers<[1], [0], [0], [1], [0, 0, 1, 1], [], []>, transpose_lhs_hint = false} : vector<1000x128xf32>, vector<128x128xf32>, vector<1000x128xf32> -> vector<1000x128xf32>
    %add3A_35 = arith.addf %dot_general3A_29, %dot_general3A_34 : vector<1000x128xf32>
    %get3A_36 = arith.constant 0 : index
    %get3A_37 = arith.constant 0 : index
    %get3A_38 = vector.load %arg6[%get3A_36, %get3A_37] : memref<1x128xf32, #tpu.memory_space<vmem>>, vector<1x128xf32>
    %add3A_39 = vector.broadcast %get3A_38 : vector<1x128xf32> to vector<1000x128xf32>
    %add3A_40 = arith.addf %add3A_35, %add3A_39 : vector<1000x128xf32>
    %swap3A = arith.constant 0 : index
    %swap3A_41 = arith.constant 0 : index
    %swap3A_42 = vector.load %arg7[%swap3A, %swap3A_41] : memref<1000x128xf32, #tpu.memory_space<vmem>>, vector<1000x128xf32>
    tpu.vector_store %arg7[%swap3A, %swap3A_41], %add3A_40 {strides = array<i32>} : memref<1000x128xf32, #tpu.memory_space<vmem>>, vector<1000x128xf32>,
    return
  }
  func.func @transform_0(%arg0: i32) -> (i32, i32) {
    %c0_i32 = arith.constant 0 : i32
    %c0_i32_0 = arith.constant 0 : i32
    return %arg0, %c0_i32 : i32, i32
  }
  func.func @transform_1(%arg0: i32) -> (i32, i32, i32) {
    %c0_i32 = arith.constant 0 : i32
    %c0_i32_0 = arith.constant 0 : i32
    %c0_i32_1 = arith.constant 0 : i32
    return %c0_i32, %arg0, %c0_i32_0 : i32, i32, i32
  }
  func.func @transform_2(%arg0: i32) -> (i32, i32, i32) {
    %c0_i32 = arith.constant 0 : i32
    %c0_i32_0 = arith.constant 0 : i32
    %c0_i32_1 = arith.constant 0 : i32
    return %c0_i32, %arg0, %c0_i32_0 : i32, i32, i32
  }
  func.func @transform_3(%arg0: i32) -> (i32, i32) {
    %c0_i32 = arith.constant 0 : i32
    %c0_i32_0 = arith.constant 0 : i32
    %c0_i32_1 = arith.constant 0 : i32
    return %c0_i32, %c0_i32_0 : i32, i32
  }
  func.func @transform_4(%arg0: i32) -> (i32, i32) {
    %c0_i32 = arith.constant 0 : i32
    %c0_i32_0 = arith.constant 0 : i32
    %c0_i32_1 = arith.constant 0 : i32
    return %c0_i32, %c0_i32_0 : i32, i32
  }
  func.func @transform_5(%arg0: i32) -> (i32, i32) {
    %c0_i32 = arith.constant 0 : i32
    %c0_i32_0 = arith.constant 0 : i32
    %c0_i32_1 = arith.constant 0 : i32
    return %c0_i32, %c0_i32_0 : i32, i32
  }
  func.func @transform_6(%arg0: i32) -> (i32, i32) {
    %c0_i32 = arith.constant 0 : i32
    %c0_i32_0 = arith.constant 0 : i32
    return %arg0, %c0_i32 : i32, i32
  }
}

</mosaic_0001>

<sc_bundles>
// kernel: kernel.4.cloned.1.call-start
scs
__scs_entry_jumppad:
0x0: {  	(pc) =	sbr.rel $0x88, $3  }
0x1: {  	(tag) =	ssettag $0x0;
	lr =	simm.s32 $0x1  }
0x2: {  	[smem:$0x3F9D] =	sst lr;
	_ =	strace $0xD0000000  }
0x3: {  	_ = 	snop  }
0x4: {  	_ = 	snop  }
0x5: {  	_ = 	snop  }
0x6: {  	_ = 	snop  }
0x7: {  	_ = 	snop  }
__scs_overlays_trampoline_lowered:
0x8: {  	[smem:$0x3FAC] =	sst s0  }
0x9: {  	[smem:$0x3FAD] =	sst s1  }
0xa: {  	[smem:$0x3FAE] =	sst s2  }
0xb: {  	[smem:$0x3FAF] =	sst s3  }
0xc: {  	[smem:$0x3FB0] =	sst s4  }
0xd: {  	[smem:$0x3FB1] =	sst s5  }
0xe: {  	[smem:$0x3FB2] =	sst s6  }
0xf: {  	[smem:$0x3FB3] =	sst s7  }
0x10: {  	[smem:$0x3FB4] =	sst s8  }
0x11: {  	[smem:$0x3FB5] =	sst s9;
	s0 =	simm.s32 @!p0 $0x0  }
0x12: {  	s1 =	sld [smem:$0x3F9B];
	s0 =	simm.s32 @p0 $0x1  }
0x13: {  	[smem:$0x3FB6] =	sst s0;
	s0 =	simm.s32 @!p1 $0x0  }
0x14: {  	s2 =	sld [smem:$0x3F9A];
	s0 =	simm.s32 @p1 $0x1  }
0x15: {  	[smem:$0x3FB7] =	sst s0;
	s0 =	simm.s32 @!p2 $0x0  }
0x16: {  	s3 =	sld [smem:$0x3FDB];
	s0 =	simm.s32 @p2 $0x1  }
0x17: {  	s4 =	simm.s32 $0x1BF5;
	[smem:$0x3FB9] =	sst s0  }
0x18: {  	s0 =	sld [smem:$0x3F9C];
	_ =	swait.ge [sflag:s4], $0x0  }
0x19: {  	s7 =	sld [smem:$0x3F9D]  }
0x1a: {  	s8 =	sadd.s32 $0xFFFFE003, lr  }
0x1b: {  	s9 =	sadd.s32 $0xFFFFFEF7, lr;
	s5 =	simm.s32 $0xFFFFFFFF;
	p2 =	slt.u32 s8, $0xFFFFF086  }
0x1c: {  	p1 =	slt.u32 s9, $0xF7A;
	s5 =	simm.s32 @!p2 $0x0  }
0x1d: {  	s5 =	simm.s32 @p1 $0x1;
	p0 =	seq.s32 s7, s2  }
0x1e: {  	s7 =	smul.u32 @!p0 $0xF7A, s2;
	p2 =	seq.s32 @!p0 s5, $0x0  }
0x1f: {  	s9 =	smul.u32 $0xF7A, s1;
	s8 =	simm.s32 @!p0 $0x1BF5;
	p2 =	por !p2, p0  }
0x20: {  	[sflag:s8] =	ssyncset.s32 @!p0 $0xFFFFF086;
	s6 =	sadd.s32 @!p0 s3, s7;
	s7 =	simm.s32 @!p0 $0x108  }
0x21: {  	s3 =	sadd.s32 s3, s9;
	s6 =	sadd.s32 @!p0 $0x88, s6;
	s7 =	simm.s32 @p2 $0x1082  }
0x22: {  	[simem:s7], [sflag:s8] =	dma.local @!p0 [hbm:s6], $0xF7A  }
0x23: {  	s9 =	sor.u32 $0xD0000000, s2;
	s6 =	simm.s32 $0x108;
	_ =	swait.ge @!p0 [sflag:s8], $0x0  }
0x24: {  	s3 =	sadd.s32 $0x88, s3;
	s6 =	simm.s32 @!p1 $0x1082;
	[sflag:s4] =	ssyncset.s32 $0xFFFFF086  }
0x25: {  	[simem:s6], [sflag:s4] =	dma.local [hbm:s3], $0xF7A  }
0x26: {  	[smem:$0x3F9D] =	sst s1;
	(tag) =	ssettag s2;
	_ =	strace s9  }
0x27: {  	s1 =	sld [smem:$0x3FAD]  }
0x28: {  	s2 =	sld [smem:$0x3FAE]  }
0x29: {  	s4 =	sld [smem:$0x3FB0]  }
0x2a: {  	p0 =	seq.s32 s5, $0x0;
	s5 =	sld [smem:$0x3FB1]  }
0x2b: {  	s6 =	sld [smem:$0x3FB2]  }
0x2c: {  	s7 =	sld [smem:$0x3FB3]  }
0x2d: {  	s3 =	simm.s32 $0x108;
	s8 =	sld [smem:$0x3FB4]  }
0x2e: {  	s3 =	simm.s32 @!p0 $0x1082;
	s9 =	sld [smem:$0x3FB5]  }
0x2f: {  	lr =	sadd.s32 s0, s3;
	s0 =	sld [smem:$0x3FAC]  }
0x30: {  	s3 =	sld [smem:$0x3FAF]  }
0x31: {  	[smem:$0x3FB8] =	sst s10  }
0x32: {  	s10 =	sld [smem:$0x3FB6];
	_ =	sdelay $0x3  }
0x33: {  	p0 =	seq.s32 s10, $0x1;
	s10 =	sld [smem:$0x3FB8];
	_ =	sdelay $0x3  }
0x34: {  	[smem:$0x3FB8] =	sst s10  }
0x35: {  	s10 =	sld [smem:$0x3FB7];
	_ =	sdelay $0x3  }
0x36: {  	p1 =	seq.s32 s10, $0x1;
	s10 =	sld [smem:$0x3FB8];
	_ =	sdelay $0x3  }
0x37: {  	[smem:$0x3FB8] =	sst s10  }
0x38: {  	s10 =	sld [smem:$0x3FB9]  }
0x39: {  	_ = 	snop;
	(pc) =	sbr.ind lr, $3  }
0x3a: {  	_ = 	snop  }
0x3b: {  	_ = 	snop  }
0x3c: {  	p2 =	seq.s32 s10, $0x1;
	s10 =	sld [smem:$0x3FB8]  }
0x3d: {  	_ =	shalt  }
0x3e: {  	_ =	shalt  }
0x3f: {  	_ =	shalt  }
0x40: {  	_ =	shalt  }
0x41: {  	_ =	shalt  }
0x42: {  	_ =	shalt  }
0x43: {  	_ =	shalt  }
0x44: {  	_ =	shalt  }
0x45: {  	_ =	shalt  }
0x46: {  	_ =	shalt  }
0x47: {  	_ =	shalt  }
0x48: {  	_ =	shalt  }
0x49: {  	_ =	shalt  }
0x4a: {  	_ =	shalt  }
0x4b: {  	_ =	shalt  }
0x4c: {  	_ =	shalt  }
0x4d: {  	_ =	shalt  }
0x4e: {  	_ =	shalt  }
0x4f: {  	_ =	shalt  }
0x50: {  	_ =	shalt  }
0x51: {  	_ =	shalt  }
0x52: {  	_ =	shalt  }
0x53: {  	_ =	shalt  }
0x54: {  	_ =	shalt  }
0x55: {  	_ =	shalt  }
0x56: {  	_ =	shalt  }
0x57: {  	_ =	shalt  }
0x58: {  	_ =	shalt  }
0x59: {  	_ =	shalt  }
0x5a: {  	_ =	shalt  }
0x5b: {  	_ =	shalt  }
0x5c: {  	_ =	shalt  }
0x5d: {  	_ =	shalt  }
0x5e: {  	_ =	shalt  }
0x5f: {  	_ =	shalt  }
0x60: {  	_ =	shalt  }
0x61: {  	_ =	shalt  }
0x62: {  	_ =	shalt  }
0x63: {  	_ =	shalt  }
0x64: {  	_ =	shalt  }
0x65: {  	_ =	shalt  }
0x66: {  	_ =	shalt  }
0x67: {  	_ =	shalt  }
0x68: {  	_ =	shalt  }
0x69: {  	_ =	shalt  }
0x6a: {  	_ =	shalt  }
0x6b: {  	_ =	shalt  }
0x6c: {  	_ =	shalt  }
0x6d: {  	_ =	shalt  }
0x6e: {  	_ =	shalt  }
0x6f: {  	_ =	shalt  }
0x70: {  	_ =	shalt  }
0x71: {  	_ =	shalt  }
0x72: {  	_ =	shalt  }
0x73: {  	_ =	shalt  }
0x74: {  	_ =	shalt  }
0x75: {  	_ =	shalt  }
0x76: {  	_ =	shalt  }
0x77: {  	_ =	shalt  }
0x78: {  	_ =	shalt  }
0x79: {  	_ =	shalt  }
0x7a: {  	_ =	shalt  }
0x7b: {  	_ =	shalt  }
0x7c: {  	_ =	shalt  }
0x7d: {  	_ =	shalt  }
0x7e: {  	_ =	shalt  }
0x7f: {  	_ =	shalt  }
0x80: {  	_ =	shalt  }
0x81: {  	_ =	shalt  }
0x82: {  	_ =	shalt  }
0x83: {  	_ =	shalt  }
0x84: {  	_ =	shalt  }
0x85: {  	_ =	shalt  }
0x86: {  	_ =	shalt  }
0x87: {  	_ =	shalt  }
.Lfunc_end0:
.L_simem_size_0:
called_computation_lowered:
.L_overlay_start_0:
0x88: {  	s2 =	sld [smem:$0x3FD9]  }
0x89: {  	s3 =	sld [smem:$0x3FFE];
	_ =	sdelay $0x1  }
0x8a: {  	s1 =	srdreg.scid  }
0x8b: {  	s0 =	sand.u32 $0x1, s1  }
0x8c: {  	s17 =	sshll.u32 s0, $0xA;
	s2 =	sadd.s32 s3, s2  }
0x8d: {  	s2 =	sadd.s32 s2, s17  }
0x8e: {  	[smem:$0x3FC4] =	sst s2  }
0x8f: {  	_ = 	snop  }
0x90: {  	s2 =	sld [smem:$0x3FC9]  }
0x91: {  	s18 =	sld [smem:$0x3FD0];
	(tm) =	ssettm $0x1  }
0x92: {  	s4 =	sld [smem:$0x3FFB];
	_ =	sdelay $0x3  }
0x93: {  	_ =	strace s4  }
0x94: {  	s4 =	sld [smem:$0x3FFC];
	_ =	sdelay $0x3  }
0x95: {  	_ =	strace s4  }
0x96: {  	s4 =	sld [smem:$0x3FFD];
	_ =	sdelay $0x3  }
0x97: {  	_ =	strace s4  }
0x98: {  	_ =	strace $0x8FFFFFFF  }
0x99: {  	s19 =	sld [smem:$0x3FDB];
	_ =	sdelay $0x1  }
0x9a: {  	s5 =	simm.s32 $_scs_section_size  }
0x9b: {  	s6 =	simm.s32 $_size__tile_overlayer_lowered;
	s7 =	simm.s32 $_tile_overlayer_lowered  }
0x9c: {  	s22 =	simm.s32 $0x1BFF;
	s21 =	sshll.u32 s7, $0x1;
	s4 =	sadd.s32 s5, s19  }
0x9d: {  	s8 =	simm.s32 $0x0;
	s20 =	sshll.u32 s6, $0x1;
	s6 =	sadd.s32 s21, s4  }
0x9e: {  	[timem:s8], [sflag:s22] =	dma.local [hbm:s6], s20  }
0x9f: {  	_ =	swait.ge [sflag:s22], s20  }
0xa0: {  	s5 =	ssub.s32 $0x0, s20;
	[sflag:s22] =	ssyncset.done $0x0  }
0xa1: {  	[sflag:s22] =	ssyncadd.s32 s5;
	_ =	sdelay $0x1  }
0xa2: {  	s23 =	simm.s32 $0x1B8B  }
0xa3: {  	_ =	swait.ge [sflag:s23], $0x1  }
0xa4: {  	[sflag:s23] =	ssyncset.done $0x0  }
0xa5: {  	s25 =	simm.s32 $0x1B8E;
	s24 =	sld [smem:$0x3FFE];
	[sflag:s23] =	ssyncadd.s32 $0xFFFFFFFF  }
0xa6: {  	s26 =	simm.s32 $execute0_lowered;
	[smem:$0x3FD2] =	sst s25  }
0xa7: {  	s6 =	sshll.u32 s26, $0x1;
	_ =	strace $0x80000046;
	[dreg:$0x1] =	wrdreg $0xFFFFFFFF  }
0xa8: {  	s28 =	simm.s32 $_size_execute0_lowered;
	s4 =	sadd.s32 s4, s6;
	[dreg:$0x0] =	wrdreg $0x0  }
0xa9: {  	s6 =	sshll.u32 s28, $0x1;
	[dreg:$0x2] =	wrdreg s4  }
0xaa: {  	[dreg:$0x3] =	wrdreg s6  }
0xab: {  	[dreg:$0x4] =	wrdreg $0xC0  }
0xac: {  	_ =	task [dreg:s8], $0x5FFFF  }
0xad: {  	[dreg:$0x1] =	wrdreg $0xFFFFFFFF  }
0xae: {  	[dreg:$0x0] =	wrdreg $0x60  }
0xaf: {  	[dreg:$0x2] =	wrdreg s2  }
0xb0: {  	[dreg:$0x3] =	wrdreg s18  }
0xb1: {  	[dreg:$0x4] =	wrdreg s24  }
0xb2: {  	[dreg:$0x5] =	wrdreg $0x5F000  }
0xb3: {  	[dreg:$0x6] =	wrdreg $0x19F000  }
0xb4: {  	[dreg:$0x7] =	wrdreg $0x9  }
0xb5: {  	_ =	task.clear_ibuf [dreg:s8], $0x8FFFF;
	_ =	strace $0x90000046  }
0xb6: {  	s29 =	simm.s32 $0x9;
	_ =	strace $0x80000048  }
0xb7: {  	_ =	swait.ge [sflag:s29], $0x1  }
0xb8: {  	[sflag:s29] =	ssyncadd.s32 $0xFFFFFFFF  }
0xb9: {  	_ =	strace $0x90000048  }
0xba: {  	_ =	sfence  }
0xbb: {  	s30 =	sld [smem:$0x0];
	_ =	sdelay $0x2  }
0xbc: {  	s31 =	sshll.u32 s1, $0xD;
	s1 =	sshrl.u32 s1, $0x2  }
0xbd: {  	s3 =	sand.u32 $0x4000, s31;
	s1 =	sadd.s32 s1, s30  }
0xbe: {  	s0 =	sor.u32 s3, s0;
	s1 =	sshll.u32 s1, $0x11  }
0xbf: {  	s0 =	sor.u32 s1, s0  }
0xc0: {  	s0 =	sadd.s32 $0x8F2B, s0  }
0xc1: {  	[sflag:s0] =	ssyncadd.remote.s32 $0x1  }
0xc2: {  	_ =	sfence.sel $0xFFFF  }
0xc3: {  	[dreg:$0x0] =	wrdreg $0xFFFFFFFF;
	(pc) =	sbr.abs _section_cstart, $3  }
0xc4: {  	[dreg:$0x1] =	wrdreg $0xFFFFFFFF  }
0xc5: {  	_ =	task.clear_ibuf [dreg:s8], $0x2FFFF;
	_ =	strace $0x9FFFFFFF  }
0xc6: {  	(tm) =	ssettm $0x7FFFFFFF  }
0xc7: {  	_ =	shalt  }
tec
execute0_lowered:
.L_overlay_start_1:
0x0: {  	(tag) =	ssettag $0x1  }
0x1: {  	s1 =	rddreg [dreg:$0x0]  }
0x2: {  	s8 =	rddreg [dreg:$0x1]  }
0x3: {  	s0 =	rddreg [dreg:$0x2]  }
0x4: {  	s2 =	rddreg [dreg:$0x3]  }
0x5: {  	s3 =	rddreg [dreg:$0x4];
	s4 =	srdreg.scid;
	s5 =	simm.s32 $0x0  }
0x6: {  	s15 =	stileid.u32;
	s22 =	simm.s32 $0xA0;
	s23 =	simm.s32 $0xF0  }
0x7: {  	s24 =	simm.s32 $0x140;
	s26 =	simm.s32 $0x190;
	s28 =	simm.s32 $0xC80  }
0x8: {  	s29 =	simm.s32 $0x4;
	s6 =	sand.u32 $0x1, s4;
	[smem:$0x7FF] =	sst s5  }
0x9: {  	s4 =	smul.u32 $0x50, s15;
	_ =	strace $0x80000047;
	[dreg:$0x8] =	wrdreg s22  }
0xa: {  	s30 =	simm.s32 $0x5C80;
	s15 =	smul.u32 $0x500, s15;
	[dreg:$0x9] =	wrdreg s23  }
0xb: {  	s13 =	sadd.s32 $0x11200, s0;
	s9 =	smul.u32 $0x5000, s6;
	[dreg:$0xa] =	wrdreg s24  }
0xc: {  	s10 =	ssub.s32 $0x2, s6;
	[dreg:$0xb] =	wrdreg s26;
	s22 =	simm.s32 $0x3C0  }
0xd: {  	s11 =	smul.u32 $0x2800, s6;
	s24 =	simm.s32 $0x410;
	[dreg:$0x12] =	wrdreg s22  }
0xe: {  	s16 =	sshrl.u32 s10, $0x1;
	[dreg:$0x13] =	wrdreg s24;
	s24 =	sadd.s32 $0xBA00, s0  }
0xf: {  	s12 =	sadd.s32 s9, s0;
	s6 =	ssub.s32 s10, s16;
	s10 =	sor.u32 s4, s11  }
0x10: {  	s8 =	sadd.s32 s9, s8;
	s16 =	simm.s32 $0x230;
	[smem:$0x7F9] =	sst s24  }
0x11: {  	s11 =	sshll.u32 s10, $0x4;
	s8 =	sadd.s32 s15, s8;
	[dreg:$0xd] =	wrdreg s16  }
0x12: {  	s19 =	sadd.s32 s15, s12;
	s15 =	simm.s32 $0x1E0;
	[dreg:$0x6] =	wrdreg s8  }
0x13: {  	s7 =	sadd.s32 $0xC200, s0;
	s11 =	sadd.s32 s13, s11;
	[dreg:$0xc] =	wrdreg s15  }
0x14: {  	s14 =	sadd.s32 $0x500, s10;
	s20 =	sadd.s32 $0x1800, s19;
	[dreg:$0x16] =	wrdreg s11  }
0x15: {  	s23 =	sadd.s32 $0x1E00, s10;
	s19 =	simm.s32 $0x2D0;
	[dreg:$0x7] =	wrdreg s20  }
0x16: {  	s17 =	sshll.u32 s14, $0x4;
	s22 =	sadd.s32 s7, s23;
	[dreg:$0xf] =	wrdreg s19  }
0x17: {  	s31 =	simm.s32 $0xC30;
	s18 =	sadd.s32 s13, s17;
	[smem:$0x7F6] =	sst s22  }
0x18: {  	s11 =	sadd.s32 $0xA00, s10;
	s20 =	simm.s32 $0x320;
	[dreg:$0x17] =	wrdreg s18  }
0x19: {  	s21 =	sshll.u32 s11, $0x4;
	s18 =	simm.s32 $0x280;
	[dreg:$0x10] =	wrdreg s20  }
0x1a: {  	s4 =	sadd.s32 s4, s0;
	s9 =	sadd.s32 s13, s21;
	[dreg:$0xe] =	wrdreg s18  }
0x1b: {  	s24 =	simm.s32 $0x780;
	s21 =	simm.s32 $0x370;
	[dreg:$0x18] =	wrdreg s9  }
0x1c: {  	s8 =	simm.s32 $0x960;
	s18 =	simm.s32 $0x460;
	[dreg:$0x11] =	wrdreg s21  }
0x1d: {  	s22 =	simm.s32 $0x6E0;
	s9 =	sadd.s32 $0xF00, s10;
	[dreg:$0x14] =	wrdreg s18  }
0x1e: {  	s18 =	sadd.s32 s7, s11;
	s21 =	simm.s32 $0x4B0;
	s11 =	simm.s32 $0xA00  }
0x1f: {  	s25 =	sshll.u32 s9, $0x4;
	[smem:$0x7F2] =	sst s18;
	s9 =	sadd.s32 s7, s9  }
0x20: {  	[dreg:$0x15] =	wrdreg s21;
	s18 =	simm.s32 $0x5A0;
	s21 =	simm.s32 $0x690  }
0x21: {  	s12 =	sadd.s32 s13, s25;
	s25 =	sadd.s32 $0x2300, s10;
	[smem:$0x7F3] =	sst s9  }
0x22: {  	s9 =	simm.s32 $0x9B0;
	[dreg:$0x19] =	wrdreg s12;
	s12 =	sadd.s32 $0x1400, s10  }
0x23: {  	s26 =	sshll.u32 s25, $0x4;
	s17 =	sshll.u32 s12, $0x4;
	s19 =	sadd.s32 s7, s12  }
0x24: {  	s12 =	simm.s32 $0x2;
	s15 =	sadd.s32 s13, s17;
	[smem:$0x7F4] =	sst s19  }
0x25: {  	s17 =	sshll.u32 s23, $0x4;
	s23 =	sadd.s32 $0xBC00, s0;
	[dreg:$0x1a] =	wrdreg s15  }
0x26: {  	s0 =	sadd.s32 $0xB800, s0;
	s19 =	simm.s32 $0x5F0;
	[smem:$0x7F8] =	sst s23  }
0x27: {  	s15 =	sadd.s32 $0x1900, s10;
	s17 =	sadd.s32 s13, s17;
	[smem:$0x7FA] =	sst s0  }
0x28: {  	s10 =	sadd.s32 s7, s10;
	s0 =	simm.s32 $0x50;
	[dreg:$0x1c] =	wrdreg s17  }
0x29: {  	s23 =	simm.s32 $0x730;
	[dreg:$0x1e] =	wrdreg s10;
	s17 =	sadd.s32 s7, s14  }
0x2a: {  	s16 =	sshll.u32 s15, $0x4;
	s20 =	sadd.s32 s7, s15;
	[dreg:$0x1f] =	wrdreg s17  }
0x2b: {  	s7 =	sadd.s32 s7, s25;
	s25 =	sadd.s32 $0x1200, s4;
	[smem:$0x7F5] =	sst s20  }
0x2c: {  	s14 =	simm.s32 $0x500;
	s15 =	simm.s32 $0x1;
	[smem:$0x7F7] =	sst s7  }
0x2d: {  	s4 =	simm.s32 $0x870;
	s10 =	simm.s32 $0x0;
	[smem:$0x7FB] =	sst s25  }
0x2e: {  	s16 =	sadd.s32 s13, s16;
	s13 =	sadd.s32 s13, s26;
	[smem:$0x7FD] =	sst s10  }
0x2f: {  	s26 =	smax.u32 s6, $0x1;
	s17 =	simm.s32 $0xBE0;
	[dreg:$0x1b] =	wrdreg s16  }
0x30: {  	s20 =	simm.s32 $0x640;
	s25 =	simm.s32 $0x7D0;
	[dreg:$0x1d] =	wrdreg s13  }
0x31: {  	s6 =	simm.s32 $0x8C0;
	s7 =	simm.s32 $0x910;
	[smem:$0x7FC] =	sst s26  }
0x32: {  	s13 =	simm.s32 $0x3;
	s16 =	simm.s32 $0x3480;
	s26 =	simm.s32 $0x820  }
.LBB2_1:
0x33: {  	s10 =	sld [smem:$0x7F8];
	_ =	sdelay $0x2  }
0x34: {  	[tilespmem:s28], [sflag:$0x4] =	stream.linear.gather [hbm4b:s10+s5], $0x2800, $0x38;
	[tilespmem:$0x1B300] =	vst v63  }
0x35: {  	_ =	swait.ge [sflag:s29], $0x2800  }
0x36: {  	s10 =	sld [smem:$0x7F9]  }
0x37: {  	[sflag:s29] =	ssyncset.done $0x0  }
0x38: {  	[sflag:s29] =	ssyncadd.s32 $0xFFFFD800  }
0x39: {  	[tilespmem:s30], [sflag:$0x4] =	stream.linear.gather [hbm4b:s10+s5], $0x280, $0x38;
	[tilespmem:$0x1B300] =	vst v63  }
0x3a: {  	_ =	swait.ge [sflag:s29], $0x280  }
0x3b: {  	s10 =	sld [smem:$0x7FB]  }
0x3c: {  	[sflag:s29] =	ssyncset.done $0x0  }
0x3d: {  	[sflag:s29] =	ssyncadd.s32 $0xFFFFFD80  }
0x3e: {  	[tilespmem:s11], [sflag:$0x4] =	stream.linear.gather [hbm4b:s10+s5], $0x280, $0x38;
	[tilespmem:$0x1B300] =	vst v63  }
0x3f: {  	_ =	swait.ge [sflag:s29], $0x280  }
0x40: {  	[sflag:s29] =	ssyncset.done $0x0  }
0x41: {  	[sflag:s29] =	ssyncadd.s32 $0xFFFFFD80  }
0x42: {  	[spmem:s2] =	stream.indirect.scatter [tilespmem:s28], [sflag:$0x2], $0x80, s11, s0, $0xb8;
	[tilespmem:$0x1B300] =	vst v63  }
0x43: {  	_ = 	snop  }
0x44: {  	[spmem:s3] =	stream.indirect.scatter [tilespmem:s30], [sflag:$0x3], $0x8, s11, s0, $0xb8;
	[tilespmem:$0x1B300] =	vst v63  }
0x45: {  	s11 =	simm.s32 $0xA50  }
0x46: {  	[spmem:s2] =	stream.indirect.scatter [tilespmem:s28], [sflag:$0x2], $0x80, s11, s0, $0xb8;
	[tilespmem:$0x1B300] =	vst v63  }
0x47: {  	_ = 	snop  }
0x48: {  	[spmem:s3] =	stream.indirect.scatter [tilespmem:s30], [sflag:$0x3], $0x8, s11, s0, $0xb8;
	[tilespmem:$0x1B300] =	vst v63  }
0x49: {  	s11 =	simm.s32 $0xAA0  }
0x4a: {  	[spmem:s2] =	stream.indirect.scatter [tilespmem:s28], [sflag:$0x2], $0x80, s11, s0, $0xb8;
	[tilespmem:$0x1B300] =	vst v63  }
0x4b: {  	_ = 	snop  }
0x4c: {  	[spmem:s3] =	stream.indirect.scatter [tilespmem:s30], [sflag:$0x3], $0x8, s11, s0, $0xb8;
	[tilespmem:$0x1B300] =	vst v63  }
0x4d: {  	s11 =	simm.s32 $0xAF0  }
0x4e: {  	[spmem:s2] =	stream.indirect.scatter [tilespmem:s28], [sflag:$0x2], $0x80, s11, s0, $0xb8;
	[tilespmem:$0x1B300] =	vst v63  }
0x4f: {  	_ = 	snop  }
0x50: {  	[spmem:s3] =	stream.indirect.scatter [tilespmem:s30], [sflag:$0x3], $0x8, s11, s0, $0xb8;
	[tilespmem:$0x1B300] =	vst v63  }
0x51: {  	s11 =	simm.s32 $0xB40  }
0x52: {  	[spmem:s2] =	stream.indirect.scatter [tilespmem:s28], [sflag:$0x2], $0x80, s11, s0, $0xb8;
	[tilespmem:$0x1B300] =	vst v63  }
0x53: {  	_ = 	snop  }
0x54: {  	[spmem:s3] =	stream.indirect.scatter [tilespmem:s30], [sflag:$0x3], $0x8, s11, s0, $0xb8;
	[tilespmem:$0x1B300] =	vst v63  }
0x55: {  	s11 =	simm.s32 $0xB90  }
0x56: {  	[spmem:s2] =	stream.indirect.scatter [tilespmem:s28], [sflag:$0x2], $0x80, s11, s0, $0xb8;
	[tilespmem:$0x1B300] =	vst v63  }
0x57: {  	_ = 	snop  }
0x58: {  	[spmem:s3] =	stream.indirect.scatter [tilespmem:s30], [sflag:$0x3], $0x8, s11, s0, $0xb8;
	[tilespmem:$0x1B300] =	vst v63  }
0x59: {  	_ = 	snop  }
0x5a: {  	[spmem:s2] =	stream.indirect.scatter [tilespmem:s28], [sflag:$0x2], $0x80, s17, s0, $0xb8;
	[tilespmem:$0x1B300] =	vst v63  }
0x5b: {  	_ = 	snop  }
0x5c: {  	[spmem:s3] =	stream.indirect.scatter [tilespmem:s30], [sflag:$0x3], $0x8, s17, s0, $0xb8;
	[tilespmem:$0x1B300] =	vst v63  }
0x5d: {  	_ = 	snop  }
0x5e: {  	[spmem:s2] =	stream.indirect.scatter [tilespmem:s28], [sflag:$0x2], $0x80, s31, s0, $0xb8;
	[tilespmem:$0x1B300] =	vst v63  }
0x5f: {  	_ = 	snop  }
0x60: {  	[spmem:s3] =	stream.indirect.scatter [tilespmem:s30], [sflag:$0x3], $0x8, s31, s0, $0xb8;
	[tilespmem:$0x1B300] =	vst v63  }
0x61: {  	_ =	swait.ge [sflag:s12], $0x2800  }
0x62: {  	[sflag:s12] =	ssyncset.done $0x0  }
0x63: {  	[sflag:s12] =	ssyncadd.s32 $0xFFFFD800  }
0x64: {  	_ =	swait.ge [sflag:s13], $0x280  }
0x65: {  	[sflag:s13] =	ssyncset.done $0x0  }
0x66: {  	[sflag:s13] =	ssyncadd.s32 $0xFFFFFD80  }
0x67: {  	_ =	swait.ge [sflag:s12], $0x2800  }
0x68: {  	[sflag:s12] =	ssyncset.done $0x0  }
0x69: {  	[sflag:s12] =	ssyncadd.s32 $0xFFFFD800  }
0x6a: {  	_ =	swait.ge [sflag:s13], $0x280  }
0x6b: {  	[sflag:s13] =	ssyncset.done $0x0  }
0x6c: {  	[sflag:s13] =	ssyncadd.s32 $0xFFFFFD80  }
0x6d: {  	_ =	swait.ge [sflag:s12], $0x2800  }
0x6e: {  	[sflag:s12] =	ssyncset.done $0x0  }
0x6f: {  	[sflag:s12] =	ssyncadd.s32 $0xFFFFD800  }
0x70: {  	_ =	swait.ge [sflag:s13], $0x280  }
0x71: {  	[sflag:s13] =	ssyncset.done $0x0  }
0x72: {  	[sflag:s13] =	ssyncadd.s32 $0xFFFFFD80  }
0x73: {  	_ =	swait.ge [sflag:s12], $0x2800  }
0x74: {  	[sflag:s12] =	ssyncset.done $0x0  }
0x75: {  	[sflag:s12] =	ssyncadd.s32 $0xFFFFD800  }
0x76: {  	_ =	swait.ge [sflag:s13], $0x280  }
0x77: {  	[sflag:s13] =	ssyncset.done $0x0  }
0x78: {  	[sflag:s13] =	ssyncadd.s32 $0xFFFFFD80  }
0x79: {  	_ =	swait.ge [sflag:s12], $0x2800  }
0x7a: {  	[sflag:s12] =	ssyncset.done $0x0  }
0x7b: {  	[sflag:s12] =	ssyncadd.s32 $0xFFFFD800  }
0x7c: {  	_ =	swait.ge [sflag:s13], $0x280  }
0x7d: {  	[sflag:s13] =	ssyncset.done $0x0  }
0x7e: {  	[sflag:s13] =	ssyncadd.s32 $0xFFFFFD80  }
0x7f: {  	_ =	swait.ge [sflag:s12], $0x2800  }
0x80: {  	[sflag:s12] =	ssyncset.done $0x0  }
0x81: {  	[sflag:s12] =	ssyncadd.s32 $0xFFFFD800  }
0x82: {  	_ =	swait.ge [sflag:s13], $0x280  }
0x83: {  	[sflag:s13] =	ssyncset.done $0x0  }
0x84: {  	[sflag:s13] =	ssyncadd.s32 $0xFFFFFD80  }
0x85: {  	_ =	swait.ge [sflag:s12], $0x2800  }
0x86: {  	[sflag:s12] =	ssyncset.done $0x0  }
0x87: {  	[sflag:s12] =	ssyncadd.s32 $0xFFFFD800  }
0x88: {  	_ =	swait.ge [sflag:s13], $0x280  }
0x89: {  	[sflag:s13] =	ssyncset.done $0x0  }
0x8a: {  	[sflag:s13] =	ssyncadd.s32 $0xFFFFFD80  }
0x8b: {  	_ =	swait.ge [sflag:s12], $0x2800  }
0x8c: {  	[sflag:s12] =	ssyncset.done $0x0  }
0x8d: {  	[sflag:s12] =	ssyncadd.s32 $0xFFFFD800  }
0x8e: {  	_ =	swait.ge [sflag:s13], $0x280  }
0x8f: {  	s11 =	sld [smem:$0x7FA]  }
0x90: {  	[sflag:s13] =	ssyncset.done $0x0  }
0x91: {  	[sflag:s13] =	ssyncadd.s32 $0xFFFFFD80  }
0x92: {  	[tilespmem:s30], [sflag:$0x4] =	stream.linear.gather [hbm4b:s11+s5], $0x280, $0x38;
	[tilespmem:$0x1B300] =	vst v63  }
0x93: {  	_ =	swait.ge [sflag:s29], $0x280  }
0x94: {  	[sflag:s29] =	ssyncset.done $0x0  }
0x95: {  	[sflag:s29] =	ssyncadd.s32 $0xFFFFFD80  }
0x96: {  	[bflag:$0x0] =	sbarrier.arrive $0xFFFF  }
0x97: {  	s17 =	rddreg [dreg:$0x6]  }
0x98: {  	s10 =	sadd.s32 $0x0, s17  }
0x99: {  	[tilespmem:s5], [sflag:$0x4] =	stream.linear.gather [hbm4b:s10+s5], $0x500, $0x38;
	[tilespmem:$0x1B300] =	vst v63  }
0x9a: {  	_ =	swait.ge [sflag:s29], $0x500  }
0x9b: {  	s11 =	rddreg [dreg:$0x7];
	[sflag:s29] =	ssyncset.done $0x0  }
0x9c: {  	[sflag:s29] =	ssyncadd.s32 $0xFFFFFB00;
	s10 =	sadd.s32 $0x0, s11  }
0x9d: {  	[tilespmem:s14], [sflag:$0x4] =	stream.linear.gather [hbm4b:s10+s5], $0x500, $0x38;
	[tilespmem:$0x1B300] =	vst v63  }
0x9e: {  	_ =	swait.ge [sflag:s29], $0x500  }
0x9f: {  	[sflag:s29] =	ssyncset.done $0x0  }
0xa0: {  	[sflag:s29] =	ssyncadd.s32 $0xFFFFFB00  }
0xa1: {  	[tilespmem:s28], [sflag:$0x1] =	stream.indirect.gather [hbm4b:s1+s0], $0x80, s5, s0, $0xb8;
	[tilespmem:$0x1B300] =	vst v63  }
0xa2: {  	_ =	swait.ge [sflag:s15], $0x2800  }
0xa3: {  	[sflag:s15] =	ssyncset.done $0x0  }
0xa4: {  	[sflag:s15] =	ssyncadd.s32 $0xFFFFD800  }
0xa5: {  	[tilespmem:s16], [sflag:$0x1] =	stream.indirect.gather [hbm4b:s1+s0], $0x80, s0, s0, $0xb8;
	[tilespmem:$0x1B300] =	vst v63  }
0xa6: {  	_ = 	snop  }
0xa7: {  	[spmem:s2] =	stream.indirect.scatter.add.f32 [tilespmem:s28], [sflag:$0x2], $0x80, s14, s0, $0xb8;
	[tilespmem:$0x1B300] =	vst v63  }
0xa8: {  	_ = 	snop  }
0xa9: {  	[spmem:s3] =	stream.indirect.scatter.add.f32 [tilespmem:s30], [sflag:$0x3], $0x8, s14, s0, $0xb8;
	[tilespmem:$0x1B300] =	vst v63  }
0xaa: {  	_ =	swait.ge [sflag:s15], $0x2800  }
0xab: {  	[sflag:s15] =	ssyncset.done $0x0  }
0xac: {  	[sflag:s15] =	ssyncadd.s32 $0xFFFFD800  }
0xad: {  	_ =	swait.ge [sflag:s12], $0x2800  }
0xae: {  	[sflag:s12] =	ssyncset.done $0x0  }
0xaf: {  	s17 =	rddreg [dreg:$0x8];
	[sflag:s12] =	ssyncadd.s32 $0xFFFFD800  }
0xb0: {  	[tilespmem:s28], [sflag:$0x1] =	stream.indirect.gather [hbm4b:s1+s0], $0x80, s17, s0, $0xb8;
	[tilespmem:$0x1B300] =	vst v63  }
0xb1: {  	_ =	swait.ge [sflag:s13], $0x280  }
0xb2: {  	[sflag:s13] =	ssyncset.done $0x0  }
0xb3: {  	s11 =	simm.s32 $0x550;
	[sflag:s13] =	ssyncadd.s32 $0xFFFFFD80  }
0xb4: {  	[spmem:s2] =	stream.indirect.scatter.add.f32 [tilespmem:s16], [sflag:$0x2], $0x80, s11, s0, $0xb8;
	[tilespmem:$0x1B300] =	vst v63  }
0xb5: {  	_ = 	snop  }
0xb6: {  	[spmem:s3] =	stream.indirect.scatter.add.f32 [tilespmem:s30], [sflag:$0x3], $0x8, s11, s0, $0xb8;
	[tilespmem:$0x1B300] =	vst v63  }
0xb7: {  	_ =	swait.ge [sflag:s15], $0x2800  }
0xb8: {  	[sflag:s15] =	ssyncset.done $0x0  }
0xb9: {  	[sflag:s15] =	ssyncadd.s32 $0xFFFFD800  }
0xba: {  	_ =	swait.ge [sflag:s12], $0x2800  }
0xbb: {  	[sflag:s12] =	ssyncset.done $0x0  }
0xbc: {  	s17 =	rddreg [dreg:$0x9];
	[sflag:s12] =	ssyncadd.s32 $0xFFFFD800  }
0xbd: {  	[tilespmem:s16], [sflag:$0x1] =	stream.indirect.gather [hbm4b:s1+s0], $0x80, s17, s0, $0xb8;
	[tilespmem:$0x1B300] =	vst v63  }
0xbe: {  	_ =	swait.ge [sflag:s13], $0x280  }
0xbf: {  	[sflag:s13] =	ssyncset.done $0x0  }
0xc0: {  	[sflag:s13] =	ssyncadd.s32 $0xFFFFFD80  }
0xc1: {  	[spmem:s2] =	stream.indirect.scatter.add.f32 [tilespmem:s28], [sflag:$0x2], $0x80, s18, s0, $0xb8;
	[tilespmem:$0x1B300] =	vst v63  }
0xc2: {  	_ = 	snop  }
0xc3: {  	[spmem:s3] =	stream.indirect.scatter.add.f32 [tilespmem:s30], [sflag:$0x3], $0x8, s18, s0, $0xb8;
	[tilespmem:$0x1B300] =	vst v63  }
0xc4: {  	_ =	swait.ge [sflag:s15], $0x2800  }
0xc5: {  	[sflag:s15] =	ssyncset.done $0x0  }
0xc6: {  	[sflag:s15] =	ssyncadd.s32 $0xFFFFD800  }
0xc7: {  	_ =	swait.ge [sflag:s12], $0x2800  }
0xc8: {  	[sflag:s12] =	ssyncset.done $0x0  }
0xc9: {  	s11 =	rddreg [dreg:$0xa];
	[sflag:s12] =	ssyncadd.s32 $0xFFFFD800  }
0xca: {  	[tilespmem:s28], [sflag:$0x1] =	stream.indirect.gather [hbm4b:s1+s0], $0x80, s11, s0, $0xb8;
	[tilespmem:$0x1B300] =	vst v63  }
0xcb: {  	_ =	swait.ge [sflag:s13], $0x280  }
0xcc: {  	[sflag:s13] =	ssyncset.done $0x0  }
0xcd: {  	[sflag:s13] =	ssyncadd.s32 $0xFFFFFD80  }
0xce: {  	[spmem:s2] =	stream.indirect.scatter.add.f32 [tilespmem:s16], [sflag:$0x2], $0x80, s19, s0, $0xb8;
	[tilespmem:$0x1B300] =	vst v63  }
0xcf: {  	_ = 	snop  }
0xd0: {  	[spmem:s3] =	stream.indirect.scatter.add.f32 [tilespmem:s30], [sflag:$0x3], $0x8, s19, s0, $0xb8;
	[tilespmem:$0x1B300] =	vst v63  }
0xd1: {  	_ =	swait.ge [sflag:s15], $0x2800  }
0xd2: {  	[sflag:s15] =	ssyncset.done $0x0  }
0xd3: {  	[sflag:s15] =	ssyncadd.s32 $0xFFFFD800  }
0xd4: {  	_ =	swait.ge [sflag:s12], $0x2800  }
0xd5: {  	[sflag:s12] =	ssyncset.done $0x0  }
0xd6: {  	s17 =	rddreg [dreg:$0xb];
	[sflag:s12] =	ssyncadd.s32 $0xFFFFD800  }
0xd7: {  	[tilespmem:s16], [sflag:$0x1] =	stream.indirect.gather [hbm4b:s1+s0], $0x80, s17, s0, $0xb8;
	[tilespmem:$0x1B300] =	vst v63  }
0xd8: {  	_ =	swait.ge [sflag:s13], $0x280  }
0xd9: {  	[sflag:s13] =	ssyncset.done $0x0  }
0xda: {  	[sflag:s13] =	ssyncadd.s32 $0xFFFFFD80  }
0xdb: {  	[spmem:s2] =	stream.indirect.scatter.add.f32 [tilespmem:s28], [sflag:$0x2], $0x80, s20, s0, $0xb8;
	[tilespmem:$0x1B300] =	vst v63  }
0xdc: {  	_ = 	snop  }
0xdd: {  	[spmem:s3] =	stream.indirect.scatter.add.f32 [tilespmem:s30], [sflag:$0x3], $0x8, s20, s0, $0xb8;
	[tilespmem:$0x1B300] =	vst v63  }
0xde: {  	_ =	swait.ge [sflag:s15], $0x2800  }
0xdf: {  	[sflag:s15] =	ssyncset.done $0x0  }
0xe0: {  	[sflag:s15] =	ssyncadd.s32 $0xFFFFD800  }
0xe1: {  	_ =	swait.ge [sflag:s12], $0x2800  }
0xe2: {  	[sflag:s12] =	ssyncset.done $0x0  }
0xe3: {  	s11 =	rddreg [dreg:$0xc];
	[sflag:s12] =	ssyncadd.s32 $0xFFFFD800  }
0xe4: {  	[tilespmem:s28], [sflag:$0x1] =	stream.indirect.gather [hbm4b:s1+s0], $0x80, s11, s0, $0xb8;
	[tilespmem:$0x1B300] =	vst v63  }
0xe5: {  	_ =	swait.ge [sflag:s13], $0x280  }
0xe6: {  	[sflag:s13] =	ssyncset.done $0x0  }
0xe7: {  	[sflag:s13] =	ssyncadd.s32 $0xFFFFFD80  }
0xe8: {  	[spmem:s2] =	stream.indirect.scatter.add.f32 [tilespmem:s16], [sflag:$0x2], $0x80, s21, s0, $0xb8;
	[tilespmem:$0x1B300] =	vst v63  }
0xe9: {  	_ = 	snop  }
0xea: {  	[spmem:s3] =	stream.indirect.scatter.add.f32 [tilespmem:s30], [sflag:$0x3], $0x8, s21, s0, $0xb8;
	[tilespmem:$0x1B300] =	vst v63  }
0xeb: {  	_ =	swait.ge [sflag:s15], $0x2800  }
0xec: {  	[sflag:s15] =	ssyncset.done $0x0  }
0xed: {  	[sflag:s15] =	ssyncadd.s32 $0xFFFFD800  }
0xee: {  	_ =	swait.ge [sflag:s12], $0x2800  }
0xef: {  	[sflag:s12] =	ssyncset.done $0x0  }
0xf0: {  	s17 =	rddreg [dreg:$0xd];
	[sflag:s12] =	ssyncadd.s32 $0xFFFFD800  }
0xf1: {  	[tilespmem:s16], [sflag:$0x1] =	stream.indirect.gather [hbm4b:s1+s0], $0x80, s17, s0, $0xb8;
	[tilespmem:$0x1B300] =	vst v63  }
0xf2: {  	_ =	swait.ge [sflag:s13], $0x280  }
0xf3: {  	[sflag:s13] =	ssyncset.done $0x0  }
0xf4: {  	[sflag:s13] =	ssyncadd.s32 $0xFFFFFD80  }
0xf5: {  	[spmem:s2] =	stream.indirect.scatter.add.f32 [tilespmem:s28], [sflag:$0x2], $0x80, s22, s0, $0xb8;
	[tilespmem:$0x1B300] =	vst v63  }
0xf6: {  	_ = 	snop  }
0xf7: {  	[spmem:s3] =	stream.indirect.scatter.add.f32 [tilespmem:s30], [sflag:$0x3], $0x8, s22, s0, $0xb8;
	[tilespmem:$0x1B300] =	vst v63  }
0xf8: {  	_ =	swait.ge [sflag:s15], $0x2800  }
0xf9: {  	[sflag:s15] =	ssyncset.done $0x0  }
0xfa: {  	[sflag:s15] =	ssyncadd.s32 $0xFFFFD800  }
0xfb: {  	_ =	swait.ge [sflag:s12], $0x2800  }
0xfc: {  	[sflag:s12] =	ssyncset.done $0x0  }
0xfd: {  	s11 =	rddreg [dreg:$0xe];
	[sflag:s12] =	ssyncadd.s32 $0xFFFFD800  }
0xfe: {  	[tilespmem:s28], [sflag:$0x1] =	stream.indirect.gather [hbm4b:s1+s0], $0x80, s11, s0, $0xb8;
	[tilespmem:$0x1B300] =	vst v63  }
0xff: {  	_ =	swait.ge [sflag:s13], $0x280  }
0x100: {  	[sflag:s13] =	ssyncset.done $0x0  }
0x101: {  	[sflag:s13] =	ssyncadd.s32 $0xFFFFFD80  }
0x102: {  	[spmem:s2] =	stream.indirect.scatter.add.f32 [tilespmem:s16], [sflag:$0x2], $0x80, s23, s0, $0xb8;
	[tilespmem:$0x1B300] =	vst v63  }
0x103: {  	_ = 	snop  }
0x104: {  	[spmem:s3] =	stream.indirect.scatter.add.f32 [tilespmem:s30], [sflag:$0x3], $0x8, s23, s0, $0xb8;
	[tilespmem:$0x1B300] =	vst v63  }
0x105: {  	_ =	swait.ge [sflag:s15], $0x2800  }
0x106: {  	[sflag:s15] =	ssyncset.done $0x0  }
0x107: {  	[sflag:s15] =	ssyncadd.s32 $0xFFFFD800  }
0x108: {  	_ =	swait.ge [sflag:s12], $0x2800  }
0x109: {  	[sflag:s12] =	ssyncset.done $0x0  }
0x10a: {  	s17 =	rddreg [dreg:$0xf];
	[sflag:s12] =	ssyncadd.s32 $0xFFFFD800  }
0x10b: {  	[tilespmem:s16], [sflag:$0x1] =	stream.indirect.gather [hbm4b:s1+s0], $0x80, s17, s0, $0xb8;
	[tilespmem:$0x1B300] =	vst v63  }
0x10c: {  	_ =	swait.ge [sflag:s13], $0x280  }
0x10d: {  	[sflag:s13] =	ssyncset.done $0x0  }
0x10e: {  	[sflag:s13] =	ssyncadd.s32 $0xFFFFFD80  }
0x10f: {  	[spmem:s2] =	stream.indirect.scatter.add.f32 [tilespmem:s28], [sflag:$0x2], $0x80, s24, s0, $0xb8;
	[tilespmem:$0x1B300] =	vst v63  }
0x110: {  	_ = 	snop  }
0x111: {  	[spmem:s3] =	stream.indirect.scatter.add.f32 [tilespmem:s30], [sflag:$0x3], $0x8, s24, s0, $0xb8;
	[tilespmem:$0x1B300] =	vst v63  }
0x112: {  	_ =	swait.ge [sflag:s15], $0x2800  }
0x113: {  	[sflag:s15] =	ssyncset.done $0x0  }
0x114: {  	[sflag:s15] =	ssyncadd.s32 $0xFFFFD800  }
0x115: {  	_ =	swait.ge [sflag:s12], $0x2800  }
0x116: {  	[sflag:s12] =	ssyncset.done $0x0  }
0x117: {  	s11 =	rddreg [dreg:$0x10];
	[sflag:s12] =	ssyncadd.s32 $0xFFFFD800  }
0x118: {  	[tilespmem:s28], [sflag:$0x1] =	stream.indirect.gather [hbm4b:s1+s0], $0x80, s11, s0, $0xb8;
	[tilespmem:$0x1B300] =	vst v63  }
0x119: {  	_ =	swait.ge [sflag:s13], $0x280  }
0x11a: {  	[sflag:s13] =	ssyncset.done $0x0  }
0x11b: {  	[sflag:s13] =	ssyncadd.s32 $0xFFFFFD80  }
0x11c: {  	[spmem:s2] =	stream.indirect.scatter.add.f32 [tilespmem:s16], [sflag:$0x2], $0x80, s25, s0, $0xb8;
	[tilespmem:$0x1B300] =	vst v63  }
0x11d: {  	_ = 	snop  }
0x11e: {  	[spmem:s3] =	stream.indirect.scatter.add.f32 [tilespmem:s30], [sflag:$0x3], $0x8, s25, s0, $0xb8;
	[tilespmem:$0x1B300] =	vst v63  }
0x11f: {  	_ =	swait.ge [sflag:s15], $0x2800  }
0x120: {  	[sflag:s15] =	ssyncset.done $0x0  }
0x121: {  	[sflag:s15] =	ssyncadd.s32 $0xFFFFD800  }
0x122: {  	_ =	swait.ge [sflag:s12], $0x2800  }
0x123: {  	[sflag:s12] =	ssyncset.done $0x0  }
0x124: {  	s17 =	rddreg [dreg:$0x11];
	[sflag:s12] =	ssyncadd.s32 $0xFFFFD800  }
0x125: {  	[tilespmem:s16], [sflag:$0x1] =	stream.indirect.gather [hbm4b:s1+s0], $0x80, s17, s0, $0xb8;
	[tilespmem:$0x1B300] =	vst v63  }
0x126: {  	_ =	swait.ge [sflag:s13], $0x280  }
0x127: {  	[sflag:s13] =	ssyncset.done $0x0  }
0x128: {  	[sflag:s13] =	ssyncadd.s32 $0xFFFFFD80  }
0x129: {  	[spmem:s2] =	stream.indirect.scatter.add.f32 [tilespmem:s28], [sflag:$0x2], $0x80, s26, s0, $0xb8;
	[tilespmem:$0x1B300] =	vst v63  }
0x12a: {  	_ = 	snop  }
0x12b: {  	[spmem:s3] =	stream.indirect.scatter.add.f32 [tilespmem:s30], [sflag:$0x3], $0x8, s26, s0, $0xb8;
	[tilespmem:$0x1B300] =	vst v63  }
0x12c: {  	_ =	swait.ge [sflag:s15], $0x2800  }
0x12d: {  	[sflag:s15] =	ssyncset.done $0x0  }
0x12e: {  	[sflag:s15] =	ssyncadd.s32 $0xFFFFD800  }
0x12f: {  	_ =	swait.ge [sflag:s12], $0x2800  }
0x130: {  	[sflag:s12] =	ssyncset.done $0x0  }
0x131: {  	s11 =	rddreg [dreg:$0x12];
	[sflag:s12] =	ssyncadd.s32 $0xFFFFD800  }
0x132: {  	[tilespmem:s28], [sflag:$0x1] =	stream.indirect.gather [hbm4b:s1+s0], $0x80, s11, s0, $0xb8;
	[tilespmem:$0x1B300] =	vst v63  }
0x133: {  	_ =	swait.ge [sflag:s13], $0x280  }
0x134: {  	[sflag:s13] =	ssyncset.done $0x0  }
0x135: {  	[sflag:s13] =	ssyncadd.s32 $0xFFFFFD80  }
0x136: {  	[spmem:s2] =	stream.indirect.scatter.add.f32 [tilespmem:s16], [sflag:$0x2], $0x80, s4, s0, $0xb8;
	[tilespmem:$0x1B300] =	vst v63  }
0x137: {  	_ = 	snop  }
0x138: {  	[spmem:s3] =	stream.indirect.scatter.add.f32 [tilespmem:s30], [sflag:$0x3], $0x8, s4, s0, $0xb8;
	[tilespmem:$0x1B300] =	vst v63  }
0x139: {  	_ =	swait.ge [sflag:s15], $0x2800  }
0x13a: {  	[sflag:s15] =	ssyncset.done $0x0  }
0x13b: {  	[sflag:s15] =	ssyncadd.s32 $0xFFFFD800  }
0x13c: {  	_ =	swait.ge [sflag:s12], $0x2800  }
0x13d: {  	[sflag:s12] =	ssyncset.done $0x0  }
0x13e: {  	s17 =	rddreg [dreg:$0x13];
	[sflag:s12] =	ssyncadd.s32 $0xFFFFD800  }
0x13f: {  	[tilespmem:s16], [sflag:$0x1] =	stream.indirect.gather [hbm4b:s1+s0], $0x80, s17, s0, $0xb8;
	[tilespmem:$0x1B300] =	vst v63  }
0x140: {  	_ =	swait.ge [sflag:s13], $0x280  }
0x141: {  	[sflag:s13] =	ssyncset.done $0x0  }
0x142: {  	[sflag:s13] =	ssyncadd.s32 $0xFFFFFD80  }
0x143: {  	[spmem:s2] =	stream.indirect.scatter.add.f32 [tilespmem:s28], [sflag:$0x2], $0x80, s6, s0, $0xb8;
	[tilespmem:$0x1B300] =	vst v63  }
0x144: {  	_ = 	snop  }
0x145: {  	[spmem:s3] =	stream.indirect.scatter.add.f32 [tilespmem:s30], [sflag:$0x3], $0x8, s6, s0, $0xb8;
	[tilespmem:$0x1B300] =	vst v63  }
0x146: {  	_ =	swait.ge [sflag:s15], $0x2800  }
0x147: {  	[sflag:s15] =	ssyncset.done $0x0  }
0x148: {  	[sflag:s15] =	ssyncadd.s32 $0xFFFFD800  }
0x149: {  	_ =	swait.ge [sflag:s12], $0x2800  }
0x14a: {  	[sflag:s12] =	ssyncset.done $0x0  }
0x14b: {  	s11 =	rddreg [dreg:$0x14];
	[sflag:s12] =	ssyncadd.s32 $0xFFFFD800  }
0x14c: {  	[tilespmem:s28], [sflag:$0x1] =	stream.indirect.gather [hbm4b:s1+s0], $0x80, s11, s0, $0xb8;
	[tilespmem:$0x1B300] =	vst v63  }
0x14d: {  	_ =	swait.ge [sflag:s13], $0x280  }
0x14e: {  	[sflag:s13] =	ssyncset.done $0x0  }
0x14f: {  	[sflag:s13] =	ssyncadd.s32 $0xFFFFFD80  }
0x150: {  	[spmem:s2] =	stream.indirect.scatter.add.f32 [tilespmem:s16], [sflag:$0x2], $0x80, s7, s0, $0xb8;
	[tilespmem:$0x1B300] =	vst v63  }
0x151: {  	_ = 	snop  }
0x152: {  	[spmem:s3] =	stream.indirect.scatter.add.f32 [tilespmem:s30], [sflag:$0x3], $0x8, s7, s0, $0xb8;
	[tilespmem:$0x1B300] =	vst v63  }
0x153: {  	_ =	swait.ge [sflag:s15], $0x2800  }
0x154: {  	[sflag:s15] =	ssyncset.done $0x0  }
0x155: {  	[sflag:s15] =	ssyncadd.s32 $0xFFFFD800  }
0x156: {  	_ =	swait.ge [sflag:s12], $0x2800  }
0x157: {  	[sflag:s12] =	ssyncset.done $0x0  }
0x158: {  	s17 =	rddreg [dreg:$0x15];
	[sflag:s12] =	ssyncadd.s32 $0xFFFFD800  }
0x159: {  	[tilespmem:s16], [sflag:$0x1] =	stream.indirect.gather [hbm4b:s1+s0], $0x80, s17, s0, $0xb8;
	[tilespmem:$0x1B300] =	vst v63  }
0x15a: {  	_ =	swait.ge [sflag:s13], $0x280  }
0x15b: {  	[sflag:s13] =	ssyncset.done $0x0  }
0x15c: {  	[sflag:s13] =	ssyncadd.s32 $0xFFFFFD80  }
0x15d: {  	[spmem:s2] =	stream.indirect.scatter.add.f32 [tilespmem:s28], [sflag:$0x2], $0x80, s8, s0, $0xb8;
	[tilespmem:$0x1B300] =	vst v63  }
0x15e: {  	_ = 	snop  }
0x15f: {  	[spmem:s3] =	stream.indirect.scatter.add.f32 [tilespmem:s30], [sflag:$0x3], $0x8, s8, s0, $0xb8;
	[tilespmem:$0x1B300] =	vst v63  }
0x160: {  	_ =	swait.ge [sflag:s15], $0x2800  }
0x161: {  	[sflag:s15] =	ssyncset.done $0x0  }
0x162: {  	[sflag:s15] =	ssyncadd.s32 $0xFFFFD800  }
0x163: {  	_ =	swait.ge [sflag:s12], $0x2800  }
0x164: {  	[sflag:s12] =	ssyncset.done $0x0  }
0x165: {  	[sflag:s12] =	ssyncadd.s32 $0xFFFFD800  }
0x166: {  	_ =	swait.ge [sflag:s13], $0x280  }
0x167: {  	[sflag:s13] =	ssyncset.done $0x0  }
0x168: {  	[sflag:s13] =	ssyncadd.s32 $0xFFFFFD80  }
0x169: {  	[spmem:s2] =	stream.indirect.scatter.add.f32 [tilespmem:s16], [sflag:$0x2], $0x80, s9, s0, $0xb8;
	[tilespmem:$0x1B300] =	vst v63  }
0x16a: {  	_ = 	snop  }
0x16b: {  	[spmem:s3] =	stream.indirect.scatter.add.f32 [tilespmem:s30], [sflag:$0x3], $0x8, s9, s0, $0xb8;
	[tilespmem:$0x1B300] =	vst v63  }
0x16c: {  	_ =	swait.ge [sflag:s12], $0x2800  }
0x16d: {  	[sflag:s12] =	ssyncset.done $0x0  }
0x16e: {  	[sflag:s12] =	ssyncadd.s32 $0xFFFFD800  }
0x16f: {  	s31 =	simm.s32 $0x140;
	_ =	swait.ge [sflag:s13], $0x280  }
0x170: {  	s11 =	simm.s32 $0xA0;
	s10 =	rddreg [dreg:$0x6];
	[sflag:s13] =	ssyncset.done $0x0  }
.LBB2_2:
0x171: {  	[sflag:s13] =	ssyncadd.s32 $0xFFFFFD80;
	s10 =	sadd.s32 s11, s10  }
0x172: {  	[tilespmem:s5], [sflag:$0x4] =	stream.linear.gather [hbm4b:s10+s5], $0x500, $0x38;
	[tilespmem:$0x1B300] =	vst v63  }
0x173: {  	_ =	swait.ge [sflag:s29], $0x500  }
0x174: {  	s10 =	rddreg [dreg:$0x7];
	[sflag:s29] =	ssyncset.done $0x0  }
0x175: {  	[sflag:s29] =	ssyncadd.s32 $0xFFFFFB00;
	s10 =	sadd.s32 s11, s10  }
0x176: {  	[tilespmem:s14], [sflag:$0x4] =	stream.linear.gather [hbm4b:s10+s5], $0x500, $0x38;
	[tilespmem:$0x1B300] =	vst v63  }
0x177: {  	_ =	swait.ge [sflag:s29], $0x500  }
0x178: {  	[sflag:s29] =	ssyncset.done $0x0  }
0x179: {  	[sflag:s29] =	ssyncadd.s32 $0xFFFFFB00  }
0x17a: {  	[tilespmem:s28], [sflag:$0x1] =	stream.indirect.gather [hbm4b:s1+s0], $0x80, s5, s0, $0xb8;
	[tilespmem:$0x1B300] =	vst v63  }
0x17b: {  	_ =	swait.ge [sflag:s15], $0x2800  }
0x17c: {  	[sflag:s15] =	ssyncset.done $0x0  }
0x17d: {  	[sflag:s15] =	ssyncadd.s32 $0xFFFFD800  }
0x17e: {  	[tilespmem:s16], [sflag:$0x1] =	stream.indirect.gather [hbm4b:s1+s0], $0x80, s0, s0, $0xb8;
	[tilespmem:$0x1B300] =	vst v63  }
0x17f: {  	_ = 	snop  }
0x180: {  	[spmem:s2] =	stream.indirect.scatter.add.f32 [tilespmem:s28], [sflag:$0x2], $0x80, s14, s0, $0xb8;
	[tilespmem:$0x1B300] =	vst v63  }
0x181: {  	_ = 	snop  }
0x182: {  	[spmem:s3] =	stream.indirect.scatter.add.f32 [tilespmem:s30], [sflag:$0x3], $0x8, s14, s0, $0xb8;
	[tilespmem:$0x1B300] =	vst v63  }
0x183: {  	_ =	swait.ge [sflag:s15], $0x2800  }
0x184: {  	[sflag:s15] =	ssyncset.done $0x0  }
0x185: {  	[sflag:s15] =	ssyncadd.s32 $0xFFFFD800  }
0x186: {  	_ =	swait.ge [sflag:s12], $0x2800  }
0x187: {  	s17 =	smov.u32 s31;
	[sflag:s12] =	ssyncset.done $0x0  }
0x188: {  	s11 =	smov.u32 s17;
	s17 =	rddreg [dreg:$0x8];
	[sflag:s12] =	ssyncadd.s32 $0xFFFFD800  }
0x189: {  	[tilespmem:s28], [sflag:$0x1] =	stream.indirect.gather [hbm4b:s1+s0], $0x80, s17, s0, $0xb8;
	[tilespmem:$0x1B300] =	vst v63  }
0x18a: {  	_ =	swait.ge [sflag:s13], $0x280  }
0x18b: {  	[sflag:s13] =	ssyncset.done $0x0  }
0x18c: {  	s17 =	simm.s32 $0x550;
	[sflag:s13] =	ssyncadd.s32 $0xFFFFFD80  }
0x18d: {  	[spmem:s2] =	stream.indirect.scatter.add.f32 [tilespmem:s16], [sflag:$0x2], $0x80, s17, s0, $0xb8;
	[tilespmem:$0x1B300] =	vst v63  }
0x18e: {  	_ = 	snop  }
0x18f: {  	[spmem:s3] =	stream.indirect.scatter.add.f32 [tilespmem:s30], [sflag:$0x3], $0x8, s17, s0, $0xb8;
	[tilespmem:$0x1B300] =	vst v63  }
0x190: {  	_ =	swait.ge [sflag:s15], $0x2800  }
0x191: {  	[sflag:s15] =	ssyncset.done $0x0  }
0x192: {  	[sflag:s15] =	ssyncadd.s32 $0xFFFFD800  }
0x193: {  	_ =	swait.ge [sflag:s12], $0x2800  }
0x194: {  	[sflag:s12] =	ssyncset.done $0x0  }
0x195: {  	s17 =	rddreg [dreg:$0x9];
	[sflag:s12] =	ssyncadd.s32 $0xFFFFD800  }
0x196: {  	[tilespmem:s16], [sflag:$0x1] =	stream.indirect.gather [hbm4b:s1+s0], $0x80, s17, s0, $0xb8;
	[tilespmem:$0x1B300] =	vst v63  }
0x197: {  	_ =	swait.ge [sflag:s13], $0x280  }
0x198: {  	[sflag:s13] =	ssyncset.done $0x0  }
0x199: {  	[sflag:s13] =	ssyncadd.s32 $0xFFFFFD80  }
0x19a: {  	[spmem:s2] =	stream.indirect.scatter.add.f32 [tilespmem:s28], [sflag:$0x2], $0x80, s18, s0, $0xb8;
	[tilespmem:$0x1B300] =	vst v63  }
0x19b: {  	_ = 	snop  }
0x19c: {  	[spmem:s3] =	stream.indirect.scatter.add.f32 [tilespmem:s30], [sflag:$0x3], $0x8, s18, s0, $0xb8;
	[tilespmem:$0x1B300] =	vst v63  }
0x19d: {  	_ =	swait.ge [sflag:s15], $0x2800  }
0x19e: {  	[sflag:s15] =	ssyncset.done $0x0  }
0x19f: {  	[sflag:s15] =	ssyncadd.s32 $0xFFFFD800  }
0x1a0: {  	_ =	swait.ge [sflag:s12], $0x2800  }
0x1a1: {  	[sflag:s12] =	ssyncset.done $0x0  }
0x1a2: {  	s17 =	rddreg [dreg:$0xa];
	[sflag:s12] =	ssyncadd.s32 $0xFFFFD800  }
0x1a3: {  	[tilespmem:s28], [sflag:$0x1] =	stream.indirect.gather [hbm4b:s1+s0], $0x80, s17, s0, $0xb8;
	[tilespmem:$0x1B300] =	vst v63  }
0x1a4: {  	_ =	swait.ge [sflag:s13], $0x280  }
0x1a5: {  	[sflag:s13] =	ssyncset.done $0x0  }
0x1a6: {  	[sflag:s13] =	ssyncadd.s32 $0xFFFFFD80  }
0x1a7: {  	[spmem:s2] =	stream.indirect.scatter.add.f32 [tilespmem:s16], [sflag:$0x2], $0x80, s19, s0, $0xb8;
	[tilespmem:$0x1B300] =	vst v63  }
0x1a8: {  	_ = 	snop  }
0x1a9: {  	[spmem:s3] =	stream.indirect.scatter.add.f32 [tilespmem:s30], [sflag:$0x3], $0x8, s19, s0, $0xb8;
	[tilespmem:$0x1B300] =	vst v63  }
0x1aa: {  	_ =	swait.ge [sflag:s15], $0x2800  }
0x1ab: {  	[sflag:s15] =	ssyncset.done $0x0  }
0x1ac: {  	[sflag:s15] =	ssyncadd.s32 $0xFFFFD800  }
0x1ad: {  	_ =	swait.ge [sflag:s12], $0x2800  }
0x1ae: {  	[sflag:s12] =	ssyncset.done $0x0  }
0x1af: {  	s17 =	rddreg [dreg:$0xb];
	[sflag:s12] =	ssyncadd.s32 $0xFFFFD800  }
0x1b0: {  	[tilespmem:s16], [sflag:$0x1] =	stream.indirect.gather [hbm4b:s1+s0], $0x80, s17, s0, $0xb8;
	[tilespmem:$0x1B300] =	vst v63  }
0x1b1: {  	_ =	swait.ge [sflag:s13], $0x280  }
0x1b2: {  	[sflag:s13] =	ssyncset.done $0x0  }
0x1b3: {  	[sflag:s13] =	ssyncadd.s32 $0xFFFFFD80  }
0x1b4: {  	[spmem:s2] =	stream.indirect.scatter.add.f32 [tilespmem:s28], [sflag:$0x2], $0x80, s20, s0, $0xb8;
	[tilespmem:$0x1B300] =	vst v63  }
0x1b5: {  	_ = 	snop  }
0x1b6: {  	[spmem:s3] =	stream.indirect.scatter.add.f32 [tilespmem:s30], [sflag:$0x3], $0x8, s20, s0, $0xb8;
	[tilespmem:$0x1B300] =	vst v63  }
0x1b7: {  	_ =	swait.ge [sflag:s15], $0x2800  }
0x1b8: {  	[sflag:s15] =	ssyncset.done $0x0  }
0x1b9: {  	[sflag:s15] =	ssyncadd.s32 $0xFFFFD800  }
0x1ba: {  	_ =	swait.ge [sflag:s12], $0x2800  }
0x1bb: {  	[sflag:s12] =	ssyncset.done $0x0  }
0x1bc: {  	s17 =	rddreg [dreg:$0xc];
	[sflag:s12] =	ssyncadd.s32 $0xFFFFD800  }
0x1bd: {  	[tilespmem:s28], [sflag:$0x1] =	stream.indirect.gather [hbm4b:s1+s0], $0x80, s17, s0, $0xb8;
	[tilespmem:$0x1B300] =	vst v63  }
0x1be: {  	_ =	swait.ge [sflag:s13], $0x280  }
0x1bf: {  	[sflag:s13] =	ssyncset.done $0x0  }
0x1c0: {  	[sflag:s13] =	ssyncadd.s32 $0xFFFFFD80  }
0x1c1: {  	[spmem:s2] =	stream.indirect.scatter.add.f32 [tilespmem:s16], [sflag:$0x2], $0x80, s21, s0, $0xb8;
	[tilespmem:$0x1B300] =	vst v63  }
0x1c2: {  	_ = 	snop  }
0x1c3: {  	[spmem:s3] =	stream.indirect.scatter.add.f32 [tilespmem:s30], [sflag:$0x3], $0x8, s21, s0, $0xb8;
	[tilespmem:$0x1B300] =	vst v63  }
0x1c4: {  	_ =	swait.ge [sflag:s15], $0x2800  }
0x1c5: {  	[sflag:s15] =	ssyncset.done $0x0  }
0x1c6: {  	[sflag:s15] =	ssyncadd.s32 $0xFFFFD800  }
0x1c7: {  	_ =	swait.ge [sflag:s12], $0x2800  }
0x1c8: {  	[sflag:s12] =	ssyncset.done $0x0  }
0x1c9: {  	s17 =	rddreg [dreg:$0xd];
	[sflag:s12] =	ssyncadd.s32 $0xFFFFD800  }
0x1ca: {  	[tilespmem:s16], [sflag:$0x1] =	stream.indirect.gather [hbm4b:s1+s0], $0x80, s17, s0, $0xb8;
	[tilespmem:$0x1B300] =	vst v63  }
0x1cb: {  	_ =	swait.ge [sflag:s13], $0x280  }
0x1cc: {  	[sflag:s13] =	ssyncset.done $0x0  }
0x1cd: {  	[sflag:s13] =	ssyncadd.s32 $0xFFFFFD80  }
0x1ce: {  	[spmem:s2] =	stream.indirect.scatter.add.f32 [tilespmem:s28], [sflag:$0x2], $0x80, s22, s0, $0xb8;
	[tilespmem:$0x1B300] =	vst v63  }
0x1cf: {  	_ = 	snop  }
0x1d0: {  	[spmem:s3] =	stream.indirect.scatter.add.f32 [tilespmem:s30], [sflag:$0x3], $0x8, s22, s0, $0xb8;
	[tilespmem:$0x1B300] =	vst v63  }
0x1d1: {  	_ =	swait.ge [sflag:s15], $0x2800  }
0x1d2: {  	[sflag:s15] =	ssyncset.done $0x0  }
0x1d3: {  	[sflag:s15] =	ssyncadd.s32 $0xFFFFD800  }
0x1d4: {  	_ =	swait.ge [sflag:s12], $0x2800  }
0x1d5: {  	[sflag:s12] =	ssyncset.done $0x0  }
0x1d6: {  	s17 =	rddreg [dreg:$0xe];
	[sflag:s12] =	ssyncadd.s32 $0xFFFFD800  }
0x1d7: {  	[tilespmem:s28], [sflag:$0x1] =	stream.indirect.gather [hbm4b:s1+s0], $0x80, s17, s0, $0xb8;
	[tilespmem:$0x1B300] =	vst v63  }
0x1d8: {  	_ =	swait.ge [sflag:s13], $0x280  }
0x1d9: {  	[sflag:s13] =	ssyncset.done $0x0  }
0x1da: {  	[sflag:s13] =	ssyncadd.s32 $0xFFFFFD80  }
0x1db: {  	[spmem:s2] =	stream.indirect.scatter.add.f32 [tilespmem:s16], [sflag:$0x2], $0x80, s23, s0, $0xb8;
	[tilespmem:$0x1B300] =	vst v63  }
0x1dc: {  	_ = 	snop  }
0x1dd: {  	[spmem:s3] =	stream.indirect.scatter.add.f32 [tilespmem:s30], [sflag:$0x3], $0x8, s23, s0, $0xb8;
	[tilespmem:$0x1B300] =	vst v63  }
0x1de: {  	_ =	swait.ge [sflag:s15], $0x2800  }
0x1df: {  	[sflag:s15] =	ssyncset.done $0x0  }
0x1e0: {  	[sflag:s15] =	ssyncadd.s32 $0xFFFFD800  }
0x1e1: {  	_ =	swait.ge [sflag:s12], $0x2800  }
0x1e2: {  	[sflag:s12] =	ssyncset.done $0x0  }
0x1e3: {  	s17 =	rddreg [dreg:$0xf];
	[sflag:s12] =	ssyncadd.s32 $0xFFFFD800  }
0x1e4: {  	[tilespmem:s16], [sflag:$0x1] =	stream.indirect.gather [hbm4b:s1+s0], $0x80, s17, s0, $0xb8;
	[tilespmem:$0x1B300] =	vst v63  }
0x1e5: {  	_ =	swait.ge [sflag:s13], $0x280  }
0x1e6: {  	[sflag:s13] =	ssyncset.done $0x0  }
0x1e7: {  	[sflag:s13] =	ssyncadd.s32 $0xFFFFFD80  }
0x1e8: {  	[spmem:s2] =	stream.indirect.scatter.add.f32 [tilespmem:s28], [sflag:$0x2], $0x80, s24, s0, $0xb8;
	[tilespmem:$0x1B300] =	vst v63  }
0x1e9: {  	_ = 	snop  }
0x1ea: {  	[spmem:s3] =	stream.indirect.scatter.add.f32 [tilespmem:s30], [sflag:$0x3], $0x8, s24, s0, $0xb8;
	[tilespmem:$0x1B300] =	vst v63  }
0x1eb: {  	_ =	swait.ge [sflag:s15], $0x2800  }
0x1ec: {  	[sflag:s15] =	ssyncset.done $0x0  }
0x1ed: {  	[sflag:s15] =	ssyncadd.s32 $0xFFFFD800  }
0x1ee: {  	_ =	swait.ge [sflag:s12], $0x2800  }
0x1ef: {  	[sflag:s12] =	ssyncset.done $0x0  }
0x1f0: {  	s17 =	rddreg [dreg:$0x10];
	[sflag:s12] =	ssyncadd.s32 $0xFFFFD800  }
0x1f1: {  	[tilespmem:s28], [sflag:$0x1] =	stream.indirect.gather [hbm4b:s1+s0], $0x80, s17, s0, $0xb8;
	[tilespmem:$0x1B300] =	vst v63  }
0x1f2: {  	_ =	swait.ge [sflag:s13], $0x280  }
0x1f3: {  	[sflag:s13] =	ssyncset.done $0x0  }
0x1f4: {  	[sflag:s13] =	ssyncadd.s32 $0xFFFFFD80  }
0x1f5: {  	[spmem:s2] =	stream.indirect.scatter.add.f32 [tilespmem:s16], [sflag:$0x2], $0x80, s25, s0, $0xb8;
	[tilespmem:$0x1B300] =	vst v63  }
0x1f6: {  	_ = 	snop  }
0x1f7: {  	[spmem:s3] =	stream.indirect.scatter.add.f32 [tilespmem:s30], [sflag:$0x3], $0x8, s25, s0, $0xb8;
	[tilespmem:$0x1B300] =	vst v63  }
0x1f8: {  	_ =	swait.ge [sflag:s15], $0x2800  }
0x1f9: {  	[sflag:s15] =	ssyncset.done $0x0  }
0x1fa: {  	[sflag:s15] =	ssyncadd.s32 $0xFFFFD800  }
0x1fb: {  	_ =	swait.ge [sflag:s12], $0x2800  }
0x1fc: {  	[sflag:s12] =	ssyncset.done $0x0  }
0x1fd: {  	s17 =	rddreg [dreg:$0x11];
	[sflag:s12] =	ssyncadd.s32 $0xFFFFD800  }
0x1fe: {  	[tilespmem:s16], [sflag:$0x1] =	stream.indirect.gather [hbm4b:s1+s0], $0x80, s17, s0, $0xb8;
	[tilespmem:$0x1B300] =	vst v63  }
0x1ff: {  	_ =	swait.ge [sflag:s13], $0x280  }
0x200: {  	[sflag:s13] =	ssyncset.done $0x0  }
0x201: {  	[sflag:s13] =	ssyncadd.s32 $0xFFFFFD80  }
0x202: {  	[spmem:s2] =	stream.indirect.scatter.add.f32 [tilespmem:s28], [sflag:$0x2], $0x80, s26, s0, $0xb8;
	[tilespmem:$0x1B300] =	vst v63  }
0x203: {  	_ = 	snop  }
0x204: {  	[spmem:s3] =	stream.indirect.scatter.add.f32 [tilespmem:s30], [sflag:$0x3], $0x8, s26, s0, $0xb8;
	[tilespmem:$0x1B300] =	vst v63  }
0x205: {  	_ =	swait.ge [sflag:s15], $0x2800  }
0x206: {  	[sflag:s15] =	ssyncset.done $0x0  }
0x207: {  	[sflag:s15] =	ssyncadd.s32 $0xFFFFD800  }
0x208: {  	_ =	swait.ge [sflag:s12], $0x2800  }
0x209: {  	[sflag:s12] =	ssyncset.done $0x0  }
0x20a: {  	s17 =	rddreg [dreg:$0x12];
	[sflag:s12] =	ssyncadd.s32 $0xFFFFD800  }
0x20b: {  	[tilespmem:s28], [sflag:$0x1] =	stream.indirect.gather [hbm4b:s1+s0], $0x80, s17, s0, $0xb8;
	[tilespmem:$0x1B300] =	vst v63  }
0x20c: {  	_ =	swait.ge [sflag:s13], $0x280  }
0x20d: {  	[sflag:s13] =	ssyncset.done $0x0  }
0x20e: {  	[sflag:s13] =	ssyncadd.s32 $0xFFFFFD80  }
0x20f: {  	[spmem:s2] =	stream.indirect.scatter.add.f32 [tilespmem:s16], [sflag:$0x2], $0x80, s4, s0, $0xb8;
	[tilespmem:$0x1B300] =	vst v63  }
0x210: {  	_ = 	snop  }
0x211: {  	[spmem:s3] =	stream.indirect.scatter.add.f32 [tilespmem:s30], [sflag:$0x3], $0x8, s4, s0, $0xb8;
	[tilespmem:$0x1B300] =	vst v63  }
0x212: {  	_ =	swait.ge [sflag:s15], $0x2800  }
0x213: {  	[sflag:s15] =	ssyncset.done $0x0  }
0x214: {  	[sflag:s15] =	ssyncadd.s32 $0xFFFFD800  }
0x215: {  	_ =	swait.ge [sflag:s12], $0x2800  }
0x216: {  	[sflag:s12] =	ssyncset.done $0x0  }
0x217: {  	s17 =	rddreg [dreg:$0x13];
	[sflag:s12] =	ssyncadd.s32 $0xFFFFD800  }
0x218: {  	[tilespmem:s16], [sflag:$0x1] =	stream.indirect.gather [hbm4b:s1+s0], $0x80, s17, s0, $0xb8;
	[tilespmem:$0x1B300] =	vst v63  }
0x219: {  	_ =	swait.ge [sflag:s13], $0x280  }
0x21a: {  	[sflag:s13] =	ssyncset.done $0x0  }
0x21b: {  	[sflag:s13] =	ssyncadd.s32 $0xFFFFFD80  }
0x21c: {  	[spmem:s2] =	stream.indirect.scatter.add.f32 [tilespmem:s28], [sflag:$0x2], $0x80, s6, s0, $0xb8;
	[tilespmem:$0x1B300] =	vst v63  }
0x21d: {  	_ = 	snop  }
0x21e: {  	[spmem:s3] =	stream.indirect.scatter.add.f32 [tilespmem:s30], [sflag:$0x3], $0x8, s6, s0, $0xb8;
	[tilespmem:$0x1B300] =	vst v63  }
0x21f: {  	_ =	swait.ge [sflag:s15], $0x2800  }
0x220: {  	[sflag:s15] =	ssyncset.done $0x0  }
0x221: {  	[sflag:s15] =	ssyncadd.s32 $0xFFFFD800  }
0x222: {  	_ =	swait.ge [sflag:s12], $0x2800  }
0x223: {  	[sflag:s12] =	ssyncset.done $0x0  }
0x224: {  	s17 =	rddreg [dreg:$0x14];
	[sflag:s12] =	ssyncadd.s32 $0xFFFFD800  }
0x225: {  	[tilespmem:s28], [sflag:$0x1] =	stream.indirect.gather [hbm4b:s1+s0], $0x80, s17, s0, $0xb8;
	[tilespmem:$0x1B300] =	vst v63  }
0x226: {  	_ =	swait.ge [sflag:s13], $0x280  }
0x227: {  	[sflag:s13] =	ssyncset.done $0x0  }
0x228: {  	[sflag:s13] =	ssyncadd.s32 $0xFFFFFD80  }
0x229: {  	[spmem:s2] =	stream.indirect.scatter.add.f32 [tilespmem:s16], [sflag:$0x2], $0x80, s7, s0, $0xb8;
	[tilespmem:$0x1B300] =	vst v63  }
0x22a: {  	_ = 	snop  }
0x22b: {  	[spmem:s3] =	stream.indirect.scatter.add.f32 [tilespmem:s30], [sflag:$0x3], $0x8, s7, s0, $0xb8;
	[tilespmem:$0x1B300] =	vst v63  }
0x22c: {  	_ =	swait.ge [sflag:s15], $0x2800  }
0x22d: {  	[sflag:s15] =	ssyncset.done $0x0  }
0x22e: {  	[sflag:s15] =	ssyncadd.s32 $0xFFFFD800  }
0x22f: {  	_ =	swait.ge [sflag:s12], $0x2800  }
0x230: {  	[sflag:s12] =	ssyncset.done $0x0  }
0x231: {  	s17 =	rddreg [dreg:$0x15];
	[sflag:s12] =	ssyncadd.s32 $0xFFFFD800  }
0x232: {  	[tilespmem:s16], [sflag:$0x1] =	stream.indirect.gather [hbm4b:s1+s0], $0x80, s17, s0, $0xb8;
	[tilespmem:$0x1B300] =	vst v63  }
0x233: {  	_ =	swait.ge [sflag:s13], $0x280  }
0x234: {  	[sflag:s13] =	ssyncset.done $0x0  }
0x235: {  	[sflag:s13] =	ssyncadd.s32 $0xFFFFFD80  }
0x236: {  	[spmem:s2] =	stream.indirect.scatter.add.f32 [tilespmem:s28], [sflag:$0x2], $0x80, s8, s0, $0xb8;
	[tilespmem:$0x1B300] =	vst v63  }
0x237: {  	_ = 	snop  }
0x238: {  	[spmem:s3] =	stream.indirect.scatter.add.f32 [tilespmem:s30], [sflag:$0x3], $0x8, s8, s0, $0xb8;
	[tilespmem:$0x1B300] =	vst v63  }
0x239: {  	_ =	swait.ge [sflag:s15], $0x2800  }
0x23a: {  	[sflag:s15] =	ssyncset.done $0x0  }
0x23b: {  	[sflag:s15] =	ssyncadd.s32 $0xFFFFD800  }
0x23c: {  	_ =	swait.ge [sflag:s12], $0x2800  }
0x23d: {  	[sflag:s12] =	ssyncset.done $0x0  }
0x23e: {  	[sflag:s12] =	ssyncadd.s32 $0xFFFFD800  }
0x23f: {  	_ =	swait.ge [sflag:s13], $0x280  }
0x240: {  	[sflag:s13] =	ssyncset.done $0x0  }
0x241: {  	[sflag:s13] =	ssyncadd.s32 $0xFFFFFD80  }
0x242: {  	[spmem:s2] =	stream.indirect.scatter.add.f32 [tilespmem:s16], [sflag:$0x2], $0x80, s9, s0, $0xb8;
	[tilespmem:$0x1B300] =	vst v63  }
0x243: {  	p0 =	sne.s32 s31, $0x460  }
0x244: {  	[spmem:s3] =	stream.indirect.scatter.add.f32 [tilespmem:s30], [sflag:$0x3], $0x8, s9, s0, $0xb8;
	[tilespmem:$0x1B300] =	vst v63  }
.Ltmp0:
0x245: {  	_ =	swait.ge [sflag:s12], $0x2800;
	(pc) =	sbr.rel @p0 .LBB2_2-.Ltmp0, $4  }
0x246: {  	[sflag:s12] =	ssyncset.done $0x0  }
0x247: {  	[sflag:s12] =	ssyncadd.s32 $0xFFFFD800  }
0x248: {  	_ =	swait.ge [sflag:s13], $0x280  }
0x249: {  	s31 =	sadd.s32 $0xA0, s31;
	s10 =	rddreg [dreg:$0x6];
	[sflag:s13] =	ssyncset.done $0x0  }
0x24a: {  	[sflag:s13] =	ssyncadd.s32 $0xFFFFFD80;
	s10 =	sadd.s32 s11, s10  }
0x24b: {  	[tilespmem:s5], [sflag:$0x4] =	stream.linear.gather [hbm4b:s10+s5], $0x500, $0x38;
	[tilespmem:$0x1B300] =	vst v63  }
0x24c: {  	_ =	swait.ge [sflag:s29], $0x500  }
0x24d: {  	s17 =	rddreg [dreg:$0x7];
	[sflag:s29] =	ssyncset.done $0x0  }
0x24e: {  	s10 =	sadd.s32 s11, s17;
	[sflag:s29] =	ssyncadd.s32 $0xFFFFFB00  }
0x24f: {  	[tilespmem:s14], [sflag:$0x4] =	stream.linear.gather [hbm4b:s10+s5], $0x500, $0x38;
	[tilespmem:$0x1B300] =	vst v63  }
0x250: {  	_ =	swait.ge [sflag:s29], $0x500  }
0x251: {  	[sflag:s29] =	ssyncset.done $0x0  }
0x252: {  	[sflag:s29] =	ssyncadd.s32 $0xFFFFFB00  }
0x253: {  	[tilespmem:s28], [sflag:$0x1] =	stream.indirect.gather [hbm4b:s1+s0], $0x80, s5, s0, $0xb8;
	[tilespmem:$0x1B300] =	vst v63  }
0x254: {  	_ =	swait.ge [sflag:s15], $0x2800  }
0x255: {  	[sflag:s15] =	ssyncset.done $0x0  }
0x256: {  	[sflag:s15] =	ssyncadd.s32 $0xFFFFD800  }
0x257: {  	[tilespmem:s16], [sflag:$0x1] =	stream.indirect.gather [hbm4b:s1+s0], $0x80, s0, s0, $0xb8;
	[tilespmem:$0x1B300] =	vst v63  }
0x258: {  	_ = 	snop  }
0x259: {  	[spmem:s2] =	stream.indirect.scatter.add.f32 [tilespmem:s28], [sflag:$0x2], $0x80, s14, s0, $0xb8;
	[tilespmem:$0x1B300] =	vst v63  }
0x25a: {  	_ = 	snop  }
0x25b: {  	[spmem:s3] =	stream.indirect.scatter.add.f32 [tilespmem:s30], [sflag:$0x3], $0x8, s14, s0, $0xb8;
	[tilespmem:$0x1B300] =	vst v63  }
0x25c: {  	_ =	swait.ge [sflag:s15], $0x2800  }
0x25d: {  	[sflag:s15] =	ssyncset.done $0x0  }
0x25e: {  	[sflag:s15] =	ssyncadd.s32 $0xFFFFD800  }
0x25f: {  	_ =	swait.ge [sflag:s12], $0x2800  }
0x260: {  	[sflag:s12] =	ssyncset.done $0x0  }
0x261: {  	s17 =	rddreg [dreg:$0x8];
	[sflag:s12] =	ssyncadd.s32 $0xFFFFD800  }
0x262: {  	[tilespmem:s28], [sflag:$0x1] =	stream.indirect.gather [hbm4b:s1+s0], $0x80, s17, s0, $0xb8;
	[tilespmem:$0x1B300] =	vst v63  }
0x263: {  	_ =	swait.ge [sflag:s13], $0x280  }
0x264: {  	[sflag:s13] =	ssyncset.done $0x0  }
0x265: {  	s11 =	simm.s32 $0x550;
	[sflag:s13] =	ssyncadd.s32 $0xFFFFFD80  }
0x266: {  	[spmem:s2] =	stream.indirect.scatter.add.f32 [tilespmem:s16], [sflag:$0x2], $0x80, s11, s0, $0xb8;
	[tilespmem:$0x1B300] =	vst v63  }
0x267: {  	_ = 	snop  }
0x268: {  	[spmem:s3] =	stream.indirect.scatter.add.f32 [tilespmem:s30], [sflag:$0x3], $0x8, s11, s0, $0xb8;
	[tilespmem:$0x1B300] =	vst v63  }
0x269: {  	_ =	swait.ge [sflag:s15], $0x2800  }
0x26a: {  	[sflag:s15] =	ssyncset.done $0x0  }
0x26b: {  	[sflag:s15] =	ssyncadd.s32 $0xFFFFD800  }
0x26c: {  	_ =	swait.ge [sflag:s12], $0x2800  }
0x26d: {  	[sflag:s12] =	ssyncset.done $0x0  }
0x26e: {  	s17 =	rddreg [dreg:$0x9];
	[sflag:s12] =	ssyncadd.s32 $0xFFFFD800  }
0x26f: {  	[tilespmem:s16], [sflag:$0x1] =	stream.indirect.gather [hbm4b:s1+s0], $0x80, s17, s0, $0xb8;
	[tilespmem:$0x1B300] =	vst v63  }
0x270: {  	_ =	swait.ge [sflag:s13], $0x280  }
0x271: {  	[sflag:s13] =	ssyncset.done $0x0  }
0x272: {  	[sflag:s13] =	ssyncadd.s32 $0xFFFFFD80  }
0x273: {  	[spmem:s2] =	stream.indirect.scatter.add.f32 [tilespmem:s28], [sflag:$0x2], $0x80, s18, s0, $0xb8;
	[tilespmem:$0x1B300] =	vst v63  }
0x274: {  	_ = 	snop  }
0x275: {  	[spmem:s3] =	stream.indirect.scatter.add.f32 [tilespmem:s30], [sflag:$0x3], $0x8, s18, s0, $0xb8;
	[tilespmem:$0x1B300] =	vst v63  }
0x276: {  	_ =	swait.ge [sflag:s15], $0x2800  }
0x277: {  	[sflag:s15] =	ssyncset.done $0x0  }
0x278: {  	[sflag:s15] =	ssyncadd.s32 $0xFFFFD800  }
0x279: {  	_ =	swait.ge [sflag:s12], $0x2800  }
0x27a: {  	[sflag:s12] =	ssyncset.done $0x0  }
0x27b: {  	s11 =	rddreg [dreg:$0xa];
	[sflag:s12] =	ssyncadd.s32 $0xFFFFD800  }
0x27c: {  	[tilespmem:s28], [sflag:$0x1] =	stream.indirect.gather [hbm4b:s1+s0], $0x80, s11, s0, $0xb8;
	[tilespmem:$0x1B300] =	vst v63  }
0x27d: {  	_ =	swait.ge [sflag:s13], $0x280  }
0x27e: {  	[sflag:s13] =	ssyncset.done $0x0  }
0x27f: {  	[sflag:s13] =	ssyncadd.s32 $0xFFFFFD80  }
0x280: {  	[spmem:s2] =	stream.indirect.scatter.add.f32 [tilespmem:s16], [sflag:$0x2], $0x80, s19, s0, $0xb8;
	[tilespmem:$0x1B300] =	vst v63  }
0x281: {  	_ = 	snop  }
0x282: {  	[spmem:s3] =	stream.indirect.scatter.add.f32 [tilespmem:s30], [sflag:$0x3], $0x8, s19, s0, $0xb8;
	[tilespmem:$0x1B300] =	vst v63  }
0x283: {  	_ =	swait.ge [sflag:s15], $0x2800  }
0x284: {  	[sflag:s15] =	ssyncset.done $0x0  }
0x285: {  	[sflag:s15] =	ssyncadd.s32 $0xFFFFD800  }
0x286: {  	_ =	swait.ge [sflag:s12], $0x2800  }
0x287: {  	[sflag:s12] =	ssyncset.done $0x0  }
0x288: {  	s17 =	rddreg [dreg:$0xb];
	[sflag:s12] =	ssyncadd.s32 $0xFFFFD800  }
0x289: {  	[tilespmem:s16], [sflag:$0x1] =	stream.indirect.gather [hbm4b:s1+s0], $0x80, s17, s0, $0xb8;
	[tilespmem:$0x1B300] =	vst v63  }
0x28a: {  	_ =	swait.ge [sflag:s13], $0x280  }
0x28b: {  	[sflag:s13] =	ssyncset.done $0x0  }
0x28c: {  	[sflag:s13] =	ssyncadd.s32 $0xFFFFFD80  }
0x28d: {  	[spmem:s2] =	stream.indirect.scatter.add.f32 [tilespmem:s28], [sflag:$0x2], $0x80, s20, s0, $0xb8;
	[tilespmem:$0x1B300] =	vst v63  }
0x28e: {  	_ = 	snop  }
0x28f: {  	[spmem:s3] =	stream.indirect.scatter.add.f32 [tilespmem:s30], [sflag:$0x3], $0x8, s20, s0, $0xb8;
	[tilespmem:$0x1B300] =	vst v63  }
0x290: {  	_ =	swait.ge [sflag:s15], $0x2800  }
0x291: {  	[sflag:s15] =	ssyncset.done $0x0  }
0x292: {  	[sflag:s15] =	ssyncadd.s32 $0xFFFFD800  }
0x293: {  	_ =	swait.ge [sflag:s12], $0x2800  }
0x294: {  	[sflag:s12] =	ssyncset.done $0x0  }
0x295: {  	s11 =	rddreg [dreg:$0xc];
	[sflag:s12] =	ssyncadd.s32 $0xFFFFD800  }
0x296: {  	[tilespmem:s28], [sflag:$0x1] =	stream.indirect.gather [hbm4b:s1+s0], $0x80, s11, s0, $0xb8;
	[tilespmem:$0x1B300] =	vst v63  }
0x297: {  	_ =	swait.ge [sflag:s13], $0x280  }
0x298: {  	[sflag:s13] =	ssyncset.done $0x0  }
0x299: {  	[sflag:s13] =	ssyncadd.s32 $0xFFFFFD80  }
0x29a: {  	[spmem:s2] =	stream.indirect.scatter.add.f32 [tilespmem:s16], [sflag:$0x2], $0x80, s21, s0, $0xb8;
	[tilespmem:$0x1B300] =	vst v63  }
0x29b: {  	_ = 	snop  }
0x29c: {  	[spmem:s3] =	stream.indirect.scatter.add.f32 [tilespmem:s30], [sflag:$0x3], $0x8, s21, s0, $0xb8;
	[tilespmem:$0x1B300] =	vst v63  }
0x29d: {  	_ =	swait.ge [sflag:s15], $0x2800  }
0x29e: {  	[sflag:s15] =	ssyncset.done $0x0  }
0x29f: {  	[sflag:s15] =	ssyncadd.s32 $0xFFFFD800  }
0x2a0: {  	_ =	swait.ge [sflag:s12], $0x2800  }
0x2a1: {  	[sflag:s12] =	ssyncset.done $0x0  }
0x2a2: {  	s17 =	rddreg [dreg:$0xd];
	[sflag:s12] =	ssyncadd.s32 $0xFFFFD800  }
0x2a3: {  	[tilespmem:s16], [sflag:$0x1] =	stream.indirect.gather [hbm4b:s1+s0], $0x80, s17, s0, $0xb8;
	[tilespmem:$0x1B300] =	vst v63  }
0x2a4: {  	_ =	swait.ge [sflag:s13], $0x280  }
0x2a5: {  	[sflag:s13] =	ssyncset.done $0x0  }
0x2a6: {  	[sflag:s13] =	ssyncadd.s32 $0xFFFFFD80  }
0x2a7: {  	[spmem:s2] =	stream.indirect.scatter.add.f32 [tilespmem:s28], [sflag:$0x2], $0x80, s22, s0, $0xb8;
	[tilespmem:$0x1B300] =	vst v63  }
0x2a8: {  	_ = 	snop  }
0x2a9: {  	[spmem:s3] =	stream.indirect.scatter.add.f32 [tilespmem:s30], [sflag:$0x3], $0x8, s22, s0, $0xb8;
	[tilespmem:$0x1B300] =	vst v63  }
0x2aa: {  	_ =	swait.ge [sflag:s15], $0x2800  }
0x2ab: {  	[sflag:s15] =	ssyncset.done $0x0  }
0x2ac: {  	[sflag:s15] =	ssyncadd.s32 $0xFFFFD800  }
0x2ad: {  	_ =	swait.ge [sflag:s12], $0x2800  }
0x2ae: {  	[sflag:s12] =	ssyncset.done $0x0  }
0x2af: {  	s11 =	rddreg [dreg:$0xe];
	[sflag:s12] =	ssyncadd.s32 $0xFFFFD800  }
0x2b0: {  	[tilespmem:s28], [sflag:$0x1] =	stream.indirect.gather [hbm4b:s1+s0], $0x80, s11, s0, $0xb8;
	[tilespmem:$0x1B300] =	vst v63  }
0x2b1: {  	_ =	swait.ge [sflag:s13], $0x280  }
0x2b2: {  	[sflag:s13] =	ssyncset.done $0x0  }
0x2b3: {  	[sflag:s13] =	ssyncadd.s32 $0xFFFFFD80  }
0x2b4: {  	[spmem:s2] =	stream.indirect.scatter.add.f32 [tilespmem:s16], [sflag:$0x2], $0x80, s23, s0, $0xb8;
	[tilespmem:$0x1B300] =	vst v63  }
0x2b5: {  	_ = 	snop  }
0x2b6: {  	[spmem:s3] =	stream.indirect.scatter.add.f32 [tilespmem:s30], [sflag:$0x3], $0x8, s23, s0, $0xb8;
	[tilespmem:$0x1B300] =	vst v63  }
0x2b7: {  	_ =	swait.ge [sflag:s15], $0x2800  }
0x2b8: {  	[sflag:s15] =	ssyncset.done $0x0  }
0x2b9: {  	[sflag:s15] =	ssyncadd.s32 $0xFFFFD800  }
0x2ba: {  	_ =	swait.ge [sflag:s12], $0x2800  }
0x2bb: {  	[sflag:s12] =	ssyncset.done $0x0  }
0x2bc: {  	s17 =	rddreg [dreg:$0xf];
	[sflag:s12] =	ssyncadd.s32 $0xFFFFD800  }
0x2bd: {  	[tilespmem:s16], [sflag:$0x1] =	stream.indirect.gather [hbm4b:s1+s0], $0x80, s17, s0, $0xb8;
	[tilespmem:$0x1B300] =	vst v63  }
0x2be: {  	_ =	swait.ge [sflag:s13], $0x280  }
0x2bf: {  	[sflag:s13] =	ssyncset.done $0x0  }
0x2c0: {  	[sflag:s13] =	ssyncadd.s32 $0xFFFFFD80  }
0x2c1: {  	[spmem:s2] =	stream.indirect.scatter.add.f32 [tilespmem:s28], [sflag:$0x2], $0x80, s24, s0, $0xb8;
	[tilespmem:$0x1B300] =	vst v63  }
0x2c2: {  	_ = 	snop  }
0x2c3: {  	[spmem:s3] =	stream.indirect.scatter.add.f32 [tilespmem:s30], [sflag:$0x3], $0x8, s24, s0, $0xb8;
	[tilespmem:$0x1B300] =	vst v63  }
0x2c4: {  	_ =	swait.ge [sflag:s15], $0x2800  }
0x2c5: {  	[sflag:s15] =	ssyncset.done $0x0  }
0x2c6: {  	[sflag:s15] =	ssyncadd.s32 $0xFFFFD800  }
0x2c7: {  	_ =	swait.ge [sflag:s12], $0x2800  }
0x2c8: {  	[sflag:s12] =	ssyncset.done $0x0  }
0x2c9: {  	s11 =	rddreg [dreg:$0x10];
	[sflag:s12] =	ssyncadd.s32 $0xFFFFD800  }
0x2ca: {  	[tilespmem:s28], [sflag:$0x1] =	stream.indirect.gather [hbm4b:s1+s0], $0x80, s11, s0, $0xb8;
	[tilespmem:$0x1B300] =	vst v63  }
0x2cb: {  	_ =	swait.ge [sflag:s13], $0x280  }
0x2cc: {  	[sflag:s13] =	ssyncset.done $0x0  }
0x2cd: {  	[sflag:s13] =	ssyncadd.s32 $0xFFFFFD80  }
0x2ce: {  	[spmem:s2] =	stream.indirect.scatter.add.f32 [tilespmem:s16], [sflag:$0x2], $0x80, s25, s0, $0xb8;
	[tilespmem:$0x1B300] =	vst v63  }
0x2cf: {  	_ = 	snop  }
0x2d0: {  	[spmem:s3] =	stream.indirect.scatter.add.f32 [tilespmem:s30], [sflag:$0x3], $0x8, s25, s0, $0xb8;
	[tilespmem:$0x1B300] =	vst v63  }
0x2d1: {  	_ =	swait.ge [sflag:s15], $0x2800  }
0x2d2: {  	[sflag:s15] =	ssyncset.done $0x0  }
0x2d3: {  	[sflag:s15] =	ssyncadd.s32 $0xFFFFD800  }
0x2d4: {  	_ =	swait.ge [sflag:s12], $0x2800  }
0x2d5: {  	[sflag:s12] =	ssyncset.done $0x0  }
0x2d6: {  	s17 =	rddreg [dreg:$0x11];
	[sflag:s12] =	ssyncadd.s32 $0xFFFFD800  }
0x2d7: {  	[tilespmem:s16], [sflag:$0x1] =	stream.indirect.gather [hbm4b:s1+s0], $0x80, s17, s0, $0xb8;
	[tilespmem:$0x1B300] =	vst v63  }
0x2d8: {  	_ =	swait.ge [sflag:s13], $0x280  }
0x2d9: {  	[sflag:s13] =	ssyncset.done $0x0  }
0x2da: {  	[sflag:s13] =	ssyncadd.s32 $0xFFFFFD80  }
0x2db: {  	[spmem:s2] =	stream.indirect.scatter.add.f32 [tilespmem:s28], [sflag:$0x2], $0x80, s26, s0, $0xb8;
	[tilespmem:$0x1B300] =	vst v63  }
0x2dc: {  	_ = 	snop  }
0x2dd: {  	[spmem:s3] =	stream.indirect.scatter.add.f32 [tilespmem:s30], [sflag:$0x3], $0x8, s26, s0, $0xb8;
	[tilespmem:$0x1B300] =	vst v63  }
0x2de: {  	_ =	swait.ge [sflag:s15], $0x2800  }
0x2df: {  	[sflag:s15] =	ssyncset.done $0x0  }
0x2e0: {  	[sflag:s15] =	ssyncadd.s32 $0xFFFFD800  }
0x2e1: {  	_ =	swait.ge [sflag:s12], $0x2800  }
0x2e2: {  	[sflag:s12] =	ssyncset.done $0x0  }
0x2e3: {  	s11 =	rddreg [dreg:$0x12];
	[sflag:s12] =	ssyncadd.s32 $0xFFFFD800  }
0x2e4: {  	[tilespmem:s28], [sflag:$0x1] =	stream.indirect.gather [hbm4b:s1+s0], $0x80, s11, s0, $0xb8;
	[tilespmem:$0x1B300] =	vst v63  }
0x2e5: {  	_ =	swait.ge [sflag:s13], $0x280  }
0x2e6: {  	[sflag:s13] =	ssyncset.done $0x0  }
0x2e7: {  	[sflag:s13] =	ssyncadd.s32 $0xFFFFFD80  }
0x2e8: {  	[spmem:s2] =	stream.indirect.scatter.add.f32 [tilespmem:s16], [sflag:$0x2], $0x80, s4, s0, $0xb8;
	[tilespmem:$0x1B300] =	vst v63  }
0x2e9: {  	_ = 	snop  }
0x2ea: {  	[spmem:s3] =	stream.indirect.scatter.add.f32 [tilespmem:s30], [sflag:$0x3], $0x8, s4, s0, $0xb8;
	[tilespmem:$0x1B300] =	vst v63  }
0x2eb: {  	_ =	swait.ge [sflag:s15], $0x2800  }
0x2ec: {  	[sflag:s15] =	ssyncset.done $0x0  }
0x2ed: {  	[sflag:s15] =	ssyncadd.s32 $0xFFFFD800  }
0x2ee: {  	_ =	swait.ge [sflag:s12], $0x2800  }
0x2ef: {  	[sflag:s12] =	ssyncset.done $0x0  }
0x2f0: {  	s17 =	rddreg [dreg:$0x13];
	[sflag:s12] =	ssyncadd.s32 $0xFFFFD800  }
0x2f1: {  	[tilespmem:s16], [sflag:$0x1] =	stream.indirect.gather [hbm4b:s1+s0], $0x80, s17, s0, $0xb8;
	[tilespmem:$0x1B300] =	vst v63  }
0x2f2: {  	_ =	swait.ge [sflag:s13], $0x280  }
0x2f3: {  	[sflag:s13] =	ssyncset.done $0x0  }
0x2f4: {  	[sflag:s13] =	ssyncadd.s32 $0xFFFFFD80  }
0x2f5: {  	[spmem:s2] =	stream.indirect.scatter.add.f32 [tilespmem:s28], [sflag:$0x2], $0x80, s6, s0, $0xb8;
	[tilespmem:$0x1B300] =	vst v63  }
0x2f6: {  	_ = 	snop  }
0x2f7: {  	[spmem:s3] =	stream.indirect.scatter.add.f32 [tilespmem:s30], [sflag:$0x3], $0x8, s6, s0, $0xb8;
	[tilespmem:$0x1B300] =	vst v63  }
0x2f8: {  	_ =	swait.ge [sflag:s15], $0x2800  }
0x2f9: {  	[sflag:s15] =	ssyncset.done $0x0  }
0x2fa: {  	[sflag:s15] =	ssyncadd.s32 $0xFFFFD800  }
0x2fb: {  	_ =	swait.ge [sflag:s12], $0x2800  }
0x2fc: {  	[sflag:s12] =	ssyncset.done $0x0  }
0x2fd: {  	s11 =	rddreg [dreg:$0x14];
	[sflag:s12] =	ssyncadd.s32 $0xFFFFD800  }
0x2fe: {  	[tilespmem:s28], [sflag:$0x1] =	stream.indirect.gather [hbm4b:s1+s0], $0x80, s11, s0, $0xb8;
	[tilespmem:$0x1B300] =	vst v63  }
0x2ff: {  	_ =	swait.ge [sflag:s13], $0x280  }
0x300: {  	[sflag:s13] =	ssyncset.done $0x0  }
0x301: {  	[sflag:s13] =	ssyncadd.s32 $0xFFFFFD80  }
0x302: {  	[spmem:s2] =	stream.indirect.scatter.add.f32 [tilespmem:s16], [sflag:$0x2], $0x80, s7, s0, $0xb8;
	[tilespmem:$0x1B300] =	vst v63  }
0x303: {  	_ = 	snop  }
0x304: {  	[spmem:s3] =	stream.indirect.scatter.add.f32 [tilespmem:s30], [sflag:$0x3], $0x8, s7, s0, $0xb8;
	[tilespmem:$0x1B300] =	vst v63  }
0x305: {  	_ =	swait.ge [sflag:s15], $0x2800  }
0x306: {  	[sflag:s15] =	ssyncset.done $0x0  }
0x307: {  	[sflag:s15] =	ssyncadd.s32 $0xFFFFD800  }
0x308: {  	_ =	swait.ge [sflag:s12], $0x2800  }
0x309: {  	[sflag:s12] =	ssyncset.done $0x0  }
0x30a: {  	s17 =	rddreg [dreg:$0x15];
	[sflag:s12] =	ssyncadd.s32 $0xFFFFD800  }
0x30b: {  	[tilespmem:s16], [sflag:$0x1] =	stream.indirect.gather [hbm4b:s1+s0], $0x80, s17, s0, $0xb8;
	[tilespmem:$0x1B300] =	vst v63  }
0x30c: {  	_ =	swait.ge [sflag:s13], $0x280  }
0x30d: {  	[sflag:s13] =	ssyncset.done $0x0  }
0x30e: {  	[sflag:s13] =	ssyncadd.s32 $0xFFFFFD80  }
0x30f: {  	[spmem:s2] =	stream.indirect.scatter.add.f32 [tilespmem:s28], [sflag:$0x2], $0x80, s8, s0, $0xb8;
	[tilespmem:$0x1B300] =	vst v63  }
0x310: {  	_ = 	snop  }
0x311: {  	[spmem:s3] =	stream.indirect.scatter.add.f32 [tilespmem:s30], [sflag:$0x3], $0x8, s8, s0, $0xb8;
	[tilespmem:$0x1B300] =	vst v63  }
0x312: {  	_ =	swait.ge [sflag:s15], $0x2800  }
0x313: {  	[sflag:s15] =	ssyncset.done $0x0  }
0x314: {  	[sflag:s15] =	ssyncadd.s32 $0xFFFFD800  }
0x315: {  	_ =	swait.ge [sflag:s12], $0x2800  }
0x316: {  	[sflag:s12] =	ssyncset.done $0x0  }
0x317: {  	[sflag:s12] =	ssyncadd.s32 $0xFFFFD800  }
0x318: {  	_ =	swait.ge [sflag:s13], $0x280  }
0x319: {  	[sflag:s13] =	ssyncset.done $0x0  }
0x31a: {  	[sflag:s13] =	ssyncadd.s32 $0xFFFFFD80  }
0x31b: {  	[spmem:s2] =	stream.indirect.scatter.add.f32 [tilespmem:s16], [sflag:$0x2], $0x80, s9, s0, $0xb8;
	[tilespmem:$0x1B300] =	vst v63  }
0x31c: {  	_ = 	snop  }
0x31d: {  	[spmem:s3] =	stream.indirect.scatter.add.f32 [tilespmem:s30], [sflag:$0x3], $0x8, s9, s0, $0xb8;
	[tilespmem:$0x1B300] =	vst v63  }
0x31e: {  	_ =	swait.ge [sflag:s12], $0x2800  }
0x31f: {  	[sflag:s12] =	ssyncset.done $0x0  }
0x320: {  	[sflag:s12] =	ssyncadd.s32 $0xFFFFD800  }
0x321: {  	_ =	swait.ge [sflag:s13], $0x280  }
0x322: {  	[sflag:s13] =	ssyncset.done $0x0  }
0x323: {  	[sflag:s13] =	ssyncadd.s32 $0xFFFFFD80  }
0x324: {  	s11 =	simm.s32 $0xA00;
	[bflag:$0x0] =	sbarrier.arrive $0xFFFF  }
0x325: {  	[tilespmem:s28], [sflag:$0x1] =	stream.indirect.gather [spmem:s2], $0x80, s11, s0, $0xb8;
	[tilespmem:$0x1B300] =	vst v63  }
0x326: {  	_ =	swait.ge [sflag:s15], $0x2800  }
0x327: {  	[sflag:s15] =	ssyncset.done $0x0  }
0x328: {  	s17 =	simm.s32 $0xA50;
	[sflag:s15] =	ssyncadd.s32 $0xFFFFD800  }
0x329: {  	[tilespmem:s16], [sflag:$0x1] =	stream.indirect.gather [spmem:s2], $0x80, s17, s0, $0xb8;
	[tilespmem:$0x1B300] =	vst v63  }
0x32a: {  	s10 =	rddreg [dreg:$0x16]  }
0x32b: {  	[hbm4b:s10+s5] =	stream.linear.scatter [tilespmem:s28], [sflag:$0x2], $0x2800, $0x38;
	[tilespmem:$0x1B300] =	vst v63  }
0x32c: {  	_ = 	snop  }
0x32d: {  	[tilespmem:s30], [sflag:$0x3] =	stream.indirect.gather [spmem:s3], $0x8, s11, s0, $0xb8;
	[tilespmem:$0x1B300] =	vst v63  }
0x32e: {  	_ =	swait.ge [sflag:s13], $0x280  }
0x32f: {  	[sflag:s13] =	ssyncset.done $0x0  }
0x330: {  	s11 =	rddreg [dreg:$0x1e];
	[sflag:s13] =	ssyncadd.s32 $0xFFFFFD80  }
0x331: {  	[hbm4b:s11+s5] =	stream.linear.scatter [tilespmem:s30], [sflag:$0x4], $0x280, $0x38;
	[tilespmem:$0x1B300] =	vst v63  }
0x332: {  	_ =	swait.ge [sflag:s29], $0x280  }
0x333: {  	[sflag:s29] =	ssyncset.done $0x0  }
0x334: {  	[sflag:s29] =	ssyncadd.s32 $0xFFFFFD80  }
0x335: {  	_ =	swait.ge [sflag:s15], $0x2800  }
0x336: {  	[sflag:s15] =	ssyncset.done $0x0  }
0x337: {  	[sflag:s15] =	ssyncadd.s32 $0xFFFFD800  }
0x338: {  	_ =	swait.ge [sflag:s12], $0x2800  }
0x339: {  	[sflag:s12] =	ssyncset.done $0x0  }
0x33a: {  	s11 =	simm.s32 $0xAA0;
	[sflag:s12] =	ssyncadd.s32 $0xFFFFD800  }
0x33b: {  	[tilespmem:s28], [sflag:$0x1] =	stream.indirect.gather [spmem:s2], $0x80, s11, s0, $0xb8;
	[tilespmem:$0x1B300] =	vst v63  }
0x33c: {  	s10 =	rddreg [dreg:$0x17]  }
0x33d: {  	[hbm4b:s10+s5] =	stream.linear.scatter [tilespmem:s16], [sflag:$0x2], $0x2800, $0x38;
	[tilespmem:$0x1B300] =	vst v63  }
0x33e: {  	_ = 	snop  }
0x33f: {  	[tilespmem:s30], [sflag:$0x3] =	stream.indirect.gather [spmem:s3], $0x8, s17, s0, $0xb8;
	[tilespmem:$0x1B300] =	vst v63  }
0x340: {  	_ =	swait.ge [sflag:s13], $0x280  }
0x341: {  	[sflag:s13] =	ssyncset.done $0x0  }
0x342: {  	s17 =	rddreg [dreg:$0x1f];
	[sflag:s13] =	ssyncadd.s32 $0xFFFFFD80  }
0x343: {  	[hbm4b:s17+s5] =	stream.linear.scatter [tilespmem:s30], [sflag:$0x4], $0x280, $0x38;
	[tilespmem:$0x1B300] =	vst v63  }
0x344: {  	_ =	swait.ge [sflag:s29], $0x280  }
0x345: {  	[sflag:s29] =	ssyncset.done $0x0  }
0x346: {  	[sflag:s29] =	ssyncadd.s32 $0xFFFFFD80  }
0x347: {  	_ =	swait.ge [sflag:s15], $0x2800  }
0x348: {  	[sflag:s15] =	ssyncset.done $0x0  }
0x349: {  	[sflag:s15] =	ssyncadd.s32 $0xFFFFD800  }
0x34a: {  	_ =	swait.ge [sflag:s12], $0x2800  }
0x34b: {  	[sflag:s12] =	ssyncset.done $0x0  }
0x34c: {  	s17 =	simm.s32 $0xAF0;
	[sflag:s12] =	ssyncadd.s32 $0xFFFFD800  }
0x34d: {  	[tilespmem:s16], [sflag:$0x1] =	stream.indirect.gather [spmem:s2], $0x80, s17, s0, $0xb8;
	[tilespmem:$0x1B300] =	vst v63  }
0x34e: {  	s10 =	rddreg [dreg:$0x18]  }
0x34f: {  	[hbm4b:s10+s5] =	stream.linear.scatter [tilespmem:s28], [sflag:$0x2], $0x2800, $0x38;
	[tilespmem:$0x1B300] =	vst v63  }
0x350: {  	_ = 	snop  }
0x351: {  	[tilespmem:s30], [sflag:$0x3] =	stream.indirect.gather [spmem:s3], $0x8, s11, s0, $0xb8;
	[tilespmem:$0x1B300] =	vst v63  }
0x352: {  	_ =	swait.ge [sflag:s13], $0x280  }
0x353: {  	s11 =	sld [smem:$0x7F2]  }
0x354: {  	[sflag:s13] =	ssyncset.done $0x0  }
0x355: {  	[sflag:s13] =	ssyncadd.s32 $0xFFFFFD80  }
0x356: {  	[hbm4b:s11+s5] =	stream.linear.scatter [tilespmem:s30], [sflag:$0x4], $0x280, $0x38;
	[tilespmem:$0x1B300] =	vst v63  }
0x357: {  	_ =	swait.ge [sflag:s29], $0x280  }
0x358: {  	[sflag:s29] =	ssyncset.done $0x0  }
0x359: {  	[sflag:s29] =	ssyncadd.s32 $0xFFFFFD80  }
0x35a: {  	_ =	swait.ge [sflag:s15], $0x2800  }
0x35b: {  	[sflag:s15] =	ssyncset.done $0x0  }
0x35c: {  	[sflag:s15] =	ssyncadd.s32 $0xFFFFD800  }
0x35d: {  	_ =	swait.ge [sflag:s12], $0x2800  }
0x35e: {  	[sflag:s12] =	ssyncset.done $0x0  }
0x35f: {  	s11 =	simm.s32 $0xB40;
	[sflag:s12] =	ssyncadd.s32 $0xFFFFD800  }
0x360: {  	[tilespmem:s28], [sflag:$0x1] =	stream.indirect.gather [spmem:s2], $0x80, s11, s0, $0xb8;
	[tilespmem:$0x1B300] =	vst v63  }
0x361: {  	s10 =	rddreg [dreg:$0x19]  }
0x362: {  	[hbm4b:s10+s5] =	stream.linear.scatter [tilespmem:s16], [sflag:$0x2], $0x2800, $0x38;
	[tilespmem:$0x1B300] =	vst v63  }
0x363: {  	_ = 	snop  }
0x364: {  	[tilespmem:s30], [sflag:$0x3] =	stream.indirect.gather [spmem:s3], $0x8, s17, s0, $0xb8;
	[tilespmem:$0x1B300] =	vst v63  }
0x365: {  	_ =	swait.ge [sflag:s13], $0x280  }
0x366: {  	s17 =	sld [smem:$0x7F3]  }
0x367: {  	[sflag:s13] =	ssyncset.done $0x0  }
0x368: {  	[sflag:s13] =	ssyncadd.s32 $0xFFFFFD80  }
0x369: {  	[hbm4b:s17+s5] =	stream.linear.scatter [tilespmem:s30], [sflag:$0x4], $0x280, $0x38;
	[tilespmem:$0x1B300] =	vst v63  }
0x36a: {  	_ =	swait.ge [sflag:s29], $0x280  }
0x36b: {  	[sflag:s29] =	ssyncset.done $0x0  }
0x36c: {  	[sflag:s29] =	ssyncadd.s32 $0xFFFFFD80  }
0x36d: {  	_ =	swait.ge [sflag:s15], $0x2800  }
0x36e: {  	[sflag:s15] =	ssyncset.done $0x0  }
0x36f: {  	[sflag:s15] =	ssyncadd.s32 $0xFFFFD800  }
0x370: {  	_ =	swait.ge [sflag:s12], $0x2800  }
0x371: {  	[sflag:s12] =	ssyncset.done $0x0  }
0x372: {  	s31 =	simm.s32 $0xB90;
	[sflag:s12] =	ssyncadd.s32 $0xFFFFD800  }
0x373: {  	[tilespmem:s16], [sflag:$0x1] =	stream.indirect.gather [spmem:s2], $0x80, s31, s0, $0xb8;
	[tilespmem:$0x1B300] =	vst v63  }
0x374: {  	s17 =	rddreg [dreg:$0x1a]  }
0x375: {  	[hbm4b:s17+s5] =	stream.linear.scatter [tilespmem:s28], [sflag:$0x2], $0x2800, $0x38;
	[tilespmem:$0x1B300] =	vst v63  }
0x376: {  	_ = 	snop  }
0x377: {  	[tilespmem:s30], [sflag:$0x3] =	stream.indirect.gather [spmem:s3], $0x8, s11, s0, $0xb8;
	[tilespmem:$0x1B300] =	vst v63  }
0x378: {  	_ =	swait.ge [sflag:s13], $0x280  }
0x379: {  	s17 =	sld [smem:$0x7F4]  }
0x37a: {  	[sflag:s13] =	ssyncset.done $0x0  }
0x37b: {  	[sflag:s13] =	ssyncadd.s32 $0xFFFFFD80  }
0x37c: {  	[hbm4b:s17+s5] =	stream.linear.scatter [tilespmem:s30], [sflag:$0x4], $0x280, $0x38;
	[tilespmem:$0x1B300] =	vst v63  }
0x37d: {  	_ =	swait.ge [sflag:s29], $0x280  }
0x37e: {  	[sflag:s29] =	ssyncset.done $0x0  }
0x37f: {  	[sflag:s29] =	ssyncadd.s32 $0xFFFFFD80  }
0x380: {  	_ =	swait.ge [sflag:s15], $0x2800  }
0x381: {  	[sflag:s15] =	ssyncset.done $0x0  }
0x382: {  	[sflag:s15] =	ssyncadd.s32 $0xFFFFD800  }
0x383: {  	_ =	swait.ge [sflag:s12], $0x2800  }
0x384: {  	[sflag:s12] =	ssyncset.done $0x0  }
0x385: {  	s17 =	simm.s32 $0xBE0;
	[sflag:s12] =	ssyncadd.s32 $0xFFFFD800  }
0x386: {  	[tilespmem:s28], [sflag:$0x1] =	stream.indirect.gather [spmem:s2], $0x80, s17, s0, $0xb8;
	[tilespmem:$0x1B300] =	vst v63  }
0x387: {  	s11 =	rddreg [dreg:$0x1b]  }
0x388: {  	[hbm4b:s11+s5] =	stream.linear.scatter [tilespmem:s16], [sflag:$0x2], $0x2800, $0x38;
	[tilespmem:$0x1B300] =	vst v63  }
0x389: {  	_ = 	snop  }
0x38a: {  	[tilespmem:s30], [sflag:$0x3] =	stream.indirect.gather [spmem:s3], $0x8, s31, s0, $0xb8;
	[tilespmem:$0x1B300] =	vst v63  }
0x38b: {  	_ =	swait.ge [sflag:s13], $0x280  }
0x38c: {  	s11 =	sld [smem:$0x7F5]  }
0x38d: {  	[sflag:s13] =	ssyncset.done $0x0  }
0x38e: {  	[sflag:s13] =	ssyncadd.s32 $0xFFFFFD80  }
0x38f: {  	[hbm4b:s11+s5] =	stream.linear.scatter [tilespmem:s30], [sflag:$0x4], $0x280, $0x38;
	[tilespmem:$0x1B300] =	vst v63  }
0x390: {  	_ =	swait.ge [sflag:s29], $0x280  }
0x391: {  	[sflag:s29] =	ssyncset.done $0x0  }
0x392: {  	[sflag:s29] =	ssyncadd.s32 $0xFFFFFD80  }
0x393: {  	_ =	swait.ge [sflag:s15], $0x2800  }
0x394: {  	[sflag:s15] =	ssyncset.done $0x0  }
0x395: {  	[sflag:s15] =	ssyncadd.s32 $0xFFFFD800  }
0x396: {  	_ =	swait.ge [sflag:s12], $0x2800  }
0x397: {  	[sflag:s12] =	ssyncset.done $0x0  }
0x398: {  	s31 =	simm.s32 $0xC30;
	[sflag:s12] =	ssyncadd.s32 $0xFFFFD800  }
0x399: {  	[tilespmem:s16], [sflag:$0x1] =	stream.indirect.gather [spmem:s2], $0x80, s31, s0, $0xb8;
	[tilespmem:$0x1B300] =	vst v63  }
0x39a: {  	s11 =	rddreg [dreg:$0x1c]  }
0x39b: {  	[hbm4b:s11+s5] =	stream.linear.scatter [tilespmem:s28], [sflag:$0x2], $0x2800, $0x38;
	[tilespmem:$0x1B300] =	vst v63  }
0x39c: {  	_ = 	snop  }
0x39d: {  	[tilespmem:s30], [sflag:$0x3] =	stream.indirect.gather [spmem:s3], $0x8, s17, s0, $0xb8;
	[tilespmem:$0x1B300] =	vst v63  }
0x39e: {  	_ =	swait.ge [sflag:s13], $0x280  }
0x39f: {  	s11 =	sld [smem:$0x7F6]  }
0x3a0: {  	[sflag:s13] =	ssyncset.done $0x0  }
0x3a1: {  	[sflag:s13] =	ssyncadd.s32 $0xFFFFFD80  }
0x3a2: {  	[hbm4b:s11+s5] =	stream.linear.scatter [tilespmem:s30], [sflag:$0x4], $0x280, $0x38;
	[tilespmem:$0x1B300] =	vst v63  }
0x3a3: {  	_ =	swait.ge [sflag:s29], $0x280  }
0x3a4: {  	[sflag:s29] =	ssyncset.done $0x0  }
0x3a5: {  	[sflag:s29] =	ssyncadd.s32 $0xFFFFFD80  }
0x3a6: {  	_ =	swait.ge [sflag:s15], $0x2800  }
0x3a7: {  	[sflag:s15] =	ssyncset.done $0x0  }
0x3a8: {  	[sflag:s15] =	ssyncadd.s32 $0xFFFFD800  }
0x3a9: {  	_ =	swait.ge [sflag:s12], $0x2800  }
0x3aa: {  	[sflag:s12] =	ssyncset.done $0x0  }
0x3ab: {  	s11 =	rddreg [dreg:$0x1d];
	[sflag:s12] =	ssyncadd.s32 $0xFFFFD800  }
0x3ac: {  	[hbm4b:s11+s5] =	stream.linear.scatter [tilespmem:s16], [sflag:$0x2], $0x2800, $0x38;
	[tilespmem:$0x1B300] =	vst v63  }
0x3ad: {  	_ = 	snop  }
0x3ae: {  	[tilespmem:s30], [sflag:$0x3] =	stream.indirect.gather [spmem:s3], $0x8, s31, s0, $0xb8;
	[tilespmem:$0x1B300] =	vst v63  }
0x3af: {  	_ =	swait.ge [sflag:s13], $0x280  }
0x3b0: {  	s11 =	sld [smem:$0x7F7]  }
0x3b1: {  	[sflag:s13] =	ssyncset.done $0x0  }
0x3b2: {  	[sflag:s13] =	ssyncadd.s32 $0xFFFFFD80  }
0x3b3: {  	[hbm4b:s11+s5] =	stream.linear.scatter [tilespmem:s30], [sflag:$0x4], $0x280, $0x38;
	[tilespmem:$0x1B300] =	vst v63  }
0x3b4: {  	_ =	swait.ge [sflag:s29], $0x280  }
0x3b5: {  	[sflag:s29] =	ssyncset.done $0x0  }
0x3b6: {  	[sflag:s29] =	ssyncadd.s32 $0xFFFFFD80  }
0x3b7: {  	_ =	swait.ge [sflag:s12], $0x2800  }
0x3b8: {  	s10 =	sld [smem:$0x7FD];
	_ =	sdelay $0x2  }
0x3b9: {  	s11 =	sadd.s32 $0x1, s10;
	s10 =	sld [smem:$0x7FC];
	_ =	sdelay $0x2  }
0x3ba: {  	p0 =	sne.s32 s11, s10  }
.Ltmp1:
0x3bb: {  	_ = 	snop;
	(pc) =	sbr.rel @p0 .LBB2_1-.Ltmp1, $3  }
0x3bc: {  	_ =	sdelay $0x1  }
0x3bd: {  	[sflag:s12] =	ssyncset.done $0x0  }
0x3be: {  	[sflag:s12] =	ssyncadd.s32 $0xFFFFD800;
	[smem:$0x7FD] =	sst s11;
	s11 =	simm.s32 $0xA00  }
0x3bf: {  	_ =	sfence.sel $0x180000  }
0x3c0: {  	[bflag:$0x0] =	sbarrier.arrive $0xFFFF  }
0x3c1: {  	_ =	strace $0x90000047  }
0x3c2: {  	s0 =	stileid.u32;
	[bflag:$0x2] =	sbarrier.arrive $0xFFFF  }
0x3c3: {  	p0 =	sne.s32 s0, $0x0;
	s0 =	rddreg [dreg:$0x5]  }
0x3c4: {  	s0 =	sadd.s32 @!p0 $0x100000, s0  }
0x3c5: {  	[sflag:s0] =	ssyncadd.tile.s32 @!p0 $0x1;
	_ =	shalt  }
.Lfunc_end2:
_tile_overlayer_lowered:
.L_overlay_start_2:
0x3c6: {  	(tag) =	ssettag $0x2  }
0x3c7: {  	s0 =	rddreg [dreg:$0x0];
	s2 =	stileid.u32  }
0x3c8: {  	s1 =	rddreg [dreg:$0x1];
	p0 =	sne.s32 s2, $0x0  }
0x3c9: {  	s3 =	rddreg [dreg:$0x2];
	[bflag:$0x3] =	sbarrier.arrive $0xFFFF;
	s2 =	simm.s32 @!p0 $0x1C04  }
0x3ca: {  	[timem:s3], [sflag:s2] =	dma.local @!p0 [hbm:s0], s1  }
0x3cb: {  	s0 =	simm.s32 @!p0 $0x4  }
0x3cc: {  	_ =	swait.ge @!p0 [sflag:s0], s1  }
0x3cd: {  	s1 =	ssub.s32 @!p0 $0x0, s1;
	[sflag:s0] =	ssyncset.done @!p0 $0x0  }
0x3ce: {  	[sflag:s0] =	ssyncadd.s32 @!p0 s1  }
0x3cf: {  	[bflag:$0x3] =	sbarrier.arrive $0xFFFF  }
0x3d0: {  	_ =	shalt  }

</sc_bundles>
